<compile_context>
chip_gen: v7x
topology: tpu7x:2x2x1
jax: 0.10.2.dev20260603
libtpu: 0.0.44.dev20260713+nightly
codegen_flags: <defaults>
</compile_context>

<pallas_src>
import jax
import jax.numpy as jnp
from jax import lax
from jax.experimental import pallas as pl
from jax.experimental.pallas import tpu as pltpu
from jax.experimental.pallas import tpu_sc as plsc

N = 10000
E = 320000
DIN = 3703
DH = 128
DO = 64

NC = 2
NS = 16
NW = NC * NS
CH = 128
K = -(-E // (NW * CH))
if K % 2:
    K += 1
CAP = NW * CH * K
NPAD = N + 112
SLICE = NPAD // NS

ROWB = 400
NB = N // ROWB

_mesh = plsc.VectorSubcoreMesh(core_axis_name="c", subcore_axis_name="s")
_sc_params = pltpu.CompilerParams(use_tc_tiling_on_sc=False)


def _deg_body(dst_hbm, ones_hbm, zeros_hbm, out_hbm, idx_v, ones_v, deg_sh):
    c = lax.axis_index("c")
    s = lax.axis_index("s")
    w = s * NC + c
    pltpu.sync_copy(zeros_hbm.at[pl.ds(s * SLICE, SLICE)],
                    deg_sh.at[pl.ds(s * SLICE, SLICE)])
    pltpu.sync_copy(dst_hbm.at[w], idx_v)
    pltpu.sync_copy(ones_hbm, ones_v)
    plsc.subcore_barrier()

    @pl.loop(0, K)
    def _(j):
        pltpu.sync_copy(ones_v, deg_sh.at[idx_v.at[j]], add=True)

    plsc.subcore_barrier()
    pltpu.sync_copy(deg_sh.at[pl.ds(s * SLICE, SLICE)],
                    out_hbm.at[c, pl.ds(s * SLICE, SLICE)])


_deg_kernel = pl.kernel(
    _deg_body,
    out_type=jax.ShapeDtypeStruct((NC, NPAD, 16), jnp.float32),
    mesh=_mesh,
    compiler_params=_sc_params,
    scratch_types=[
        pltpu.VMEM((K, CH), jnp.int32),
        pltpu.VMEM((CH, 16), jnp.float32),
        pltpu.VMEM_SHARED((NPAD, 16), jnp.float32),
    ],
)


def _make_scatter(d):
    NBUF = 4

    def body(src_hbm, dst_hbm, g_hbm, zeros_hbm, out_hbm,
             srcv, dstv, *rest):
        bufs = rest[:NBUF]
        sems = rest[NBUF:2 * NBUF]
        acc_sh = rest[2 * NBUF]
        c = lax.axis_index("c")
        s = lax.axis_index("s")
        w = s * NC + c
        pltpu.sync_copy(zeros_hbm.at[pl.ds(s * SLICE, SLICE)],
                        acc_sh.at[pl.ds(s * SLICE, SLICE)])
        pltpu.sync_copy(src_hbm.at[w], srcv)
        pltpu.sync_copy(dst_hbm.at[w], dstv)
        plsc.subcore_barrier()

        for b in range(NBUF):
            pltpu.make_async_copy(g_hbm.at[srcv.at[b]], bufs[b], sems[b]).start()

        @pl.loop(0, K // NBUF)
        def _(jj):
            j = NBUF * jj
            for b in range(NBUF):
                pltpu.make_async_copy(
                    g_hbm.at[srcv.at[j + b]], bufs[b], sems[b]).wait()
                pltpu.sync_copy(bufs[b], acc_sh.at[dstv.at[j + b]], add=True)

                @pl.when(j + b + NBUF < K)
                def _():
                    pltpu.make_async_copy(
                        g_hbm.at[srcv.at[j + b + NBUF]], bufs[b],
                        sems[b]).start()

        plsc.subcore_barrier()
        pltpu.sync_copy(acc_sh.at[pl.ds(s * SLICE, SLICE)],
                        out_hbm.at[c, pl.ds(s * SLICE, SLICE)])

    return pl.kernel(
        body,
        out_type=jax.ShapeDtypeStruct((NC, NPAD, d), jnp.float32),
        mesh=_mesh,
        compiler_params=_sc_params,
        scratch_types=[
            pltpu.VMEM((K, CH), jnp.int32),
            pltpu.VMEM((K, CH), jnp.int32),
        ] + [pltpu.VMEM((CH, d), jnp.float32) for _ in range(NBUF)]
          + [pltpu.SemaphoreType.DMA for _ in range(NBUF)]
          + [pltpu.VMEM_SHARED((NPAD, d), jnp.float32)],
    )


_scatter64 = _make_scatter(DO)
_scatter64_b = _make_scatter(DO)


def _mm1_body(x_ref, w_ref, degp_ref, ga_ref, gb_ref, dis_ref):
    h = jnp.dot(x_ref[...], w_ref[...], preferred_element_type=jnp.float32)
    degp = degp_ref[...]
    deg = degp[0, :, 0] + degp[1, :, 0] + 1.0
    dis = lax.rsqrt(deg)[:, None]
    g = h * dis
    ga_ref[...] = g[:, :DO]
    gb_ref[...] = g[:, DO:]
    dis_ref[...] = dis


_mm1 = pl.pallas_call(
    _mm1_body,
    grid=(NB,),
    in_specs=[
        pl.BlockSpec((ROWB, DIN), lambda i: (i, 0)),
        pl.BlockSpec((DIN, DH), lambda i: (0, 0)),
        pl.BlockSpec((NC, ROWB, 16), lambda i: (0, i, 0)),
    ],
    out_specs=[
        pl.BlockSpec((ROWB, DO), lambda i: (i, 0)),
        pl.BlockSpec((ROWB, DO), lambda i: (i, 0)),
        pl.BlockSpec((ROWB, 1), lambda i: (i, 0)),
    ],
    out_shape=[
        jax.ShapeDtypeStruct((N, DO), jnp.float32),
        jax.ShapeDtypeStruct((N, DO), jnp.float32),
        jax.ShapeDtypeStruct((N, 1), jnp.float32),
    ],
)


def _ep1_body(acca_ref, accb_ref, ga_ref, gb_ref, dis_ref, b1_ref, w2_ref,
              g2_ref):
    acca = acca_ref[...]
    accb = accb_ref[...]
    dis = dis_ref[...]
    t = jnp.concatenate(
        [acca[0] + acca[1] + ga_ref[...], accb[0] + accb[1] + gb_ref[...]],
        axis=1) * dis + b1_ref[...]
    t = jnp.maximum(t, 0.0)
    h2 = jnp.dot(t, w2_ref[...], preferred_element_type=jnp.float32)
    g2_ref[...] = h2 * dis


_ep1 = pl.pallas_call(
    _ep1_body,
    grid=(NB,),
    in_specs=[
        pl.BlockSpec((NC, ROWB, DO), lambda i: (0, i, 0)),
        pl.BlockSpec((NC, ROWB, DO), lambda i: (0, i, 0)),
        pl.BlockSpec((ROWB, DO), lambda i: (i, 0)),
        pl.BlockSpec((ROWB, DO), lambda i: (i, 0)),
        pl.BlockSpec((ROWB, 1), lambda i: (i, 0)),
        pl.BlockSpec((1, DH), lambda i: (0, 0)),
        pl.BlockSpec((DH, DO), lambda i: (0, 0)),
    ],
    out_specs=pl.BlockSpec((ROWB, DO), lambda i: (i, 0)),
    out_shape=jax.ShapeDtypeStruct((N, DO), jnp.float32),
)


def _ep2_body(accp_ref, g2_ref, dis_ref, b2_ref, z_ref):
    accp = accp_ref[...]
    z_ref[...] = (accp[0] + accp[1] + g2_ref[...]) * dis_ref[...] + b2_ref[...]


_ep2 = pl.pallas_call(
    _ep2_body,
    grid=(NB,),
    in_specs=[
        pl.BlockSpec((NC, ROWB, DO), lambda i: (0, i, 0)),
        pl.BlockSpec((ROWB, DO), lambda i: (i, 0)),
        pl.BlockSpec((ROWB, 1), lambda i: (i, 0)),
        pl.BlockSpec((1, DO), lambda i: (0, 0)),
    ],
    out_specs=pl.BlockSpec((ROWB, DO), lambda i: (i, 0)),
    out_shape=jax.ShapeDtypeStruct((N, DO), jnp.float32),
)


def kernel(x, edge_index, W1, b1, W2, b2):
    src = edge_index[0]
    dst = edge_index[1]
    npad = CAP - E
    pad = jnp.arange(npad, dtype=jnp.int32)
    src_t = jnp.concatenate([src, pad % N]).reshape(NW, K, CH)
    dst_t = jnp.concatenate([dst, N + pad % (NPAD - N)]).reshape(NW, K, CH)
    zeros16 = jnp.zeros((NPAD, 16), jnp.float32)
    zeros_o = jnp.zeros((NPAD, DO), jnp.float32)
    ones16 = jnp.ones((CH, 16), jnp.float32)

    deg_parts = _deg_kernel(dst_t, ones16, zeros16)
    g1a, g1b, dis = _mm1(x, W1, deg_parts)
    acc1a = _scatter64(src_t, dst_t, g1a, zeros_o)
    acc1b = _scatter64_b(src_t, dst_t, g1b, zeros_o)
    g2 = _ep1(acc1a, acc1b, g1a, g1b, dis,
              b1.reshape(1, DH), W2)
    acc2 = _scatter64(src_t, dst_t, g2, zeros_o)
    z = _ep2(acc2, g2, dis, b2.reshape(1, DO))
    return z

# --- scband reference (transcript-rebuilt; emitter-appended) ---
"""Pipeline reference for scband-gcn-77249281786392 (READ-ONLY COPY).

The authoritative reference and input builder live on the scoring server;
editing this copy changes nothing except your own understanding.
"""

import jax, jax.numpy as jnp
import numpy as np

N_NODES = 10000
N_EDGES = 320000
D_IN = 3703
D_HID = 128
D_OUT = 64


def gcn_conv(x, edge_index, W, b):
    # PyG-style GCNConv: x' = D^{-1/2} (A + I) D^{-1/2} (x W) + b
    n = x.shape[0]
    src = edge_index[0]
    dst = edge_index[1]
    loop = jnp.arange(n, dtype=edge_index.dtype)
    src = jnp.concatenate([src, loop])
    dst = jnp.concatenate([dst, loop])
    deg = jnp.zeros((n,), x.dtype).at[dst].add(jnp.ones_like(dst, dtype=x.dtype))
    deg_inv_sqrt = jnp.where(deg > 0, jax.lax.rsqrt(deg), 0.0)
    norm = deg_inv_sqrt[src] * deg_inv_sqrt[dst]
    h = x @ W
    msg = h[src] * norm[:, None]
    out = jnp.zeros((n, W.shape[1]), x.dtype).at[dst].add(msg)
    return out + b


def setup_inputs(seed: int = 0):
    key = jax.random.key(seed)
    k1, k2, k3, k4, k5, k6 = jax.random.split(key, 6)
    x = jax.random.normal(k1, (N_NODES, D_IN), dtype=jnp.float32)
    edge_index = jax.random.randint(k2, (2, N_EDGES), 0, N_NODES, dtype=jnp.int32)
    W1 = jax.random.normal(k3, (D_IN, D_HID), dtype=jnp.float32) * (1.0 / np.sqrt(D_IN))
    b1 = jnp.zeros((D_HID,), dtype=jnp.float32)
    W2 = jax.random.normal(k4, (D_HID, D_OUT), dtype=jnp.float32) * (1.0 / np.sqrt(D_HID))
    b2 = jnp.zeros((D_OUT,), dtype=jnp.float32)
    return {"x": x, "edge_index": edge_index, "W1": W1, "b1": b1, "W2": W2, "b2": b2}


def reference(x, edge_index, W1, b1, W2, b2):
    # encode(x, edge_index)
    h = gcn_conv(x, edge_index, W1, b1)
    h = jax.nn.relu(h)
    z = gcn_conv(h, edge_index, W2, b2)
    return z

if __name__ == "__main__":
    import jax
    _d = setup_inputs()
    print(jax.jit(kernel)(*tuple(_d.values())))

</pallas_src>

<mosaic_0001>
#map = affine_map<(d0, d1) -> (0, 0, 0)>
#map1 = affine_map<(d0, d1) -> (0, 0)>
module attributes {stable_mosaic.version = 14 : i64} {
  func.func @body(%arg0: i32, %arg1: i32, %arg2: memref<32x80x128xi32, #tpu.memory_space<hbm>>, %arg3: memref<32x80x128xi32, #tpu.memory_space<hbm>>, %arg4: memref<10000x64xf32, #tpu.memory_space<hbm>>, %arg5: memref<10112x64xf32, #tpu.memory_space<hbm>>, %arg6: memref<2x10112x64xf32, #tpu.memory_space<hbm>>, %arg7: memref<80x128xi32, #tpu.memory_space<vmem>>, %arg8: memref<80x128xi32, #tpu.memory_space<vmem>>, %arg9: memref<128x64xf32, #tpu.memory_space<vmem>>, %arg10: memref<128x64xf32, #tpu.memory_space<vmem>>, %arg11: memref<128x64xf32, #tpu.memory_space<vmem>>, %arg12: memref<128x64xf32, #tpu.memory_space<vmem>>, %arg13: memref<!tpu.dma_semaphore, #tpu.memory_space<semaphore_mem>>, %arg14: memref<!tpu.dma_semaphore, #tpu.memory_space<semaphore_mem>>, %arg15: memref<!tpu.dma_semaphore, #tpu.memory_space<semaphore_mem>>, %arg16: memref<!tpu.dma_semaphore, #tpu.memory_space<semaphore_mem>>, %arg17: memref<10112x64xf32, #tpu.memory_space<vmem_shared>>) attributes {dimension_semantics = [#tpu.dimension_semantics<core_parallel>, #tpu.dimension_semantics<subcore_parallel>], iteration_bounds = array<i64: 2, 16>, scalar_prefetch = 0 : i64, scratch_operands = 11 : i64, tpu.core_type = #tpu.core_type<sc_vector_subcore>, window_params = [{transform_indices = #map}, {transform_indices = #map}, {transform_indices = #map1}, {transform_indices = #map1}, {transform_indices = #map}]} {
    %mul3A = arith.constant 2 : i32
    %mul3A_0 = arith.muli %arg1, %mul3A : i32
    %add3A = arith.addi %mul3A_0, %arg0 : i32
    %mul3A_1 = arith.constant 632 : i32
    %mul3A_2 = arith.muli %arg1, %mul3A_1 : i32
    %mul3A_3 = arith.constant 632 : i32
    %mul3A_4 = arith.muli %arg1, %mul3A_3 : i32
    "tpu.region"() ({
      %run_scoped3A = tpu.sem_alloc : memref<!tpu.dma_semaphore, #tpu.memory_space<semaphore_mem>>
      %dma_start3A_41 = arith.constant 0 : i32
      %dma_start3A_42 = tpu.memref_slice %arg17[%mul3A_4, %dma_start3A_41] : memref<10112x64xf32, #tpu.memory_space<vmem_shared>> -> memref<632x64xf32, #tpu.memory_space<vmem_shared>>
      %dma_start3A_43 = arith.constant 0 : i32
      %dma_start3A_44 = tpu.memref_slice %arg5[%mul3A_2, %dma_start3A_43] : memref<10112x64xf32, #tpu.memory_space<hbm>> -> memref<632x64xf32, #tpu.memory_space<hbm>>
      tpu.enqueue_dma source(%dma_start3A_44 : memref<632x64xf32, #tpu.memory_space<hbm>>) target(%dma_start3A_42 : memref<632x64xf32, #tpu.memory_space<vmem_shared>>) target_semaphore(%run_scoped3A : memref<!tpu.dma_semaphore, #tpu.memory_space<semaphore_mem>>)
      %dma_wait3A = arith.constant 0 : i32
      %dma_wait3A_45 = tpu.memref_slice %arg17[%mul3A_4, %dma_wait3A] : memref<10112x64xf32, #tpu.memory_space<vmem_shared>> -> memref<632x64xf32, #tpu.memory_space<vmem_shared>>
      %dma_wait3A_46 = arith.constant 0 : i32
      %dma_wait3A_47 = tpu.memref_slice %arg5[%mul3A_2, %dma_wait3A_46] : memref<10112x64xf32, #tpu.memory_space<hbm>> -> memref<632x64xf32, #tpu.memory_space<hbm>>
      tpu.wait_dma2 semaphore(%run_scoped3A : memref<!tpu.dma_semaphore, #tpu.memory_space<semaphore_mem>>) src(%dma_wait3A_47 : memref<632x64xf32, #tpu.memory_space<hbm>>) dst(%dma_wait3A_45 : memref<632x64xf32, #tpu.memory_space<vmem_shared>>)
      tpu.yield
    }) : () -> ()
    "tpu.region"() ({
      %run_scoped3A = tpu.sem_alloc : memref<!tpu.dma_semaphore, #tpu.memory_space<semaphore_mem>>
      %dma_start3A_41 = arith.constant 0 : i32
      %dma_start3A_42 = arith.constant 0 : i32
      %dma_start3A_43 = tpu.memref_slice %arg2[%add3A, %dma_start3A_41, %dma_start3A_42] : memref<32x80x128xi32, #tpu.memory_space<hbm>> -> memref<1x80x128xi32, #tpu.memory_space<hbm>>
      %dma_start3A_44 = tpu.memref_squeeze %dma_start3A_43 : memref<1x80x128xi32, #tpu.memory_space<hbm>> -> memref<80x128xi32, #tpu.memory_space<hbm>>
      %dma_start3A_45 = arith.constant 0 : i32
      %dma_start3A_46 = arith.constant 0 : i32
      %dma_start3A_47 = tpu.memref_slice %arg2[%add3A, %dma_start3A_45, %dma_start3A_46] : memref<32x80x128xi32, #tpu.memory_space<hbm>> -> memref<1x80x128xi32, #tpu.memory_space<hbm>>
      %dma_start3A_48 = tpu.memref_squeeze %dma_start3A_47 : memref<1x80x128xi32, #tpu.memory_space<hbm>> -> memref<80x128xi32, #tpu.memory_space<hbm>>
      tpu.enqueue_dma source(%dma_start3A_48 : memref<80x128xi32, #tpu.memory_space<hbm>>) target(%arg7 : memref<80x128xi32, #tpu.memory_space<vmem>>) target_semaphore(%run_scoped3A : memref<!tpu.dma_semaphore, #tpu.memory_space<semaphore_mem>>)
      %dma_wait3A = arith.constant 0 : i32
      %dma_wait3A_49 = arith.constant 0 : i32
      %dma_wait3A_50 = tpu.memref_slice %arg2[%add3A, %dma_wait3A, %dma_wait3A_49] : memref<32x80x128xi32, #tpu.memory_space<hbm>> -> memref<1x80x128xi32, #tpu.memory_space<hbm>>
      %dma_wait3A_51 = tpu.memref_squeeze %dma_wait3A_50 : memref<1x80x128xi32, #tpu.memory_space<hbm>> -> memref<80x128xi32, #tpu.memory_space<hbm>>
      %dma_wait3A_52 = arith.constant 0 : i32
      %dma_wait3A_53 = arith.constant 0 : i32
      %dma_wait3A_54 = tpu.memref_slice %arg2[%add3A, %dma_wait3A_52, %dma_wait3A_53] : memref<32x80x128xi32, #tpu.memory_space<hbm>> -> memref<1x80x128xi32, #tpu.memory_space<hbm>>
      %dma_wait3A_55 = tpu.memref_squeeze %dma_wait3A_54 : memref<1x80x128xi32, #tpu.memory_space<hbm>> -> memref<80x128xi32, #tpu.memory_space<hbm>>
      tpu.wait_dma2 semaphore(%run_scoped3A : memref<!tpu.dma_semaphore, #tpu.memory_space<semaphore_mem>>) src(%dma_wait3A_55 : memref<80x128xi32, #tpu.memory_space<hbm>>) dst(%arg7 : memref<80x128xi32, #tpu.memory_space<vmem>>)
      tpu.yield
    }) : () -> ()
    "tpu.region"() ({
      %run_scoped3A = tpu.sem_alloc : memref<!tpu.dma_semaphore, #tpu.memory_space<semaphore_mem>>
      %dma_start3A_41 = arith.constant 0 : i32
      %dma_start3A_42 = arith.constant 0 : i32
      %dma_start3A_43 = tpu.memref_slice %arg3[%add3A, %dma_start3A_41, %dma_start3A_42] : memref<32x80x128xi32, #tpu.memory_space<hbm>> -> memref<1x80x128xi32, #tpu.memory_space<hbm>>
      %dma_start3A_44 = tpu.memref_squeeze %dma_start3A_43 : memref<1x80x128xi32, #tpu.memory_space<hbm>> -> memref<80x128xi32, #tpu.memory_space<hbm>>
      %dma_start3A_45 = arith.constant 0 : i32
      %dma_start3A_46 = arith.constant 0 : i32
      %dma_start3A_47 = tpu.memref_slice %arg3[%add3A, %dma_start3A_45, %dma_start3A_46] : memref<32x80x128xi32, #tpu.memory_space<hbm>> -> memref<1x80x128xi32, #tpu.memory_space<hbm>>
      %dma_start3A_48 = tpu.memref_squeeze %dma_start3A_47 : memref<1x80x128xi32, #tpu.memory_space<hbm>> -> memref<80x128xi32, #tpu.memory_space<hbm>>
      tpu.enqueue_dma source(%dma_start3A_48 : memref<80x128xi32, #tpu.memory_space<hbm>>) target(%arg8 : memref<80x128xi32, #tpu.memory_space<vmem>>) target_semaphore(%run_scoped3A : memref<!tpu.dma_semaphore, #tpu.memory_space<semaphore_mem>>)
      %dma_wait3A = arith.constant 0 : i32
      %dma_wait3A_49 = arith.constant 0 : i32
      %dma_wait3A_50 = tpu.memref_slice %arg3[%add3A, %dma_wait3A, %dma_wait3A_49] : memref<32x80x128xi32, #tpu.memory_space<hbm>> -> memref<1x80x128xi32, #tpu.memory_space<hbm>>
      %dma_wait3A_51 = tpu.memref_squeeze %dma_wait3A_50 : memref<1x80x128xi32, #tpu.memory_space<hbm>> -> memref<80x128xi32, #tpu.memory_space<hbm>>
      %dma_wait3A_52 = arith.constant 0 : i32
      %dma_wait3A_53 = arith.constant 0 : i32
      %dma_wait3A_54 = tpu.memref_slice %arg3[%add3A, %dma_wait3A_52, %dma_wait3A_53] : memref<32x80x128xi32, #tpu.memory_space<hbm>> -> memref<1x80x128xi32, #tpu.memory_space<hbm>>
      %dma_wait3A_55 = tpu.memref_squeeze %dma_wait3A_54 : memref<1x80x128xi32, #tpu.memory_space<hbm>> -> memref<80x128xi32, #tpu.memory_space<hbm>>
      tpu.wait_dma2 semaphore(%run_scoped3A : memref<!tpu.dma_semaphore, #tpu.memory_space<semaphore_mem>>) src(%dma_wait3A_55 : memref<80x128xi32, #tpu.memory_space<hbm>>) dst(%arg8 : memref<80x128xi32, #tpu.memory_space<vmem>>)
      tpu.yield
    }) : () -> ()
    %barrier3A = arith.constant 0 : index
    tpu.barrier barrier_id(%barrier3A)
    %dma_start3A = arith.constant 0 : i32
    %dma_start3A_5 = arith.constant 0 : i32
    %dma_start3A_6 = tpu.memref_slice %arg7[%dma_start3A, %dma_start3A_5] : memref<80x128xi32, #tpu.memory_space<vmem>> -> memref<1x128xi32, #tpu.memory_space<vmem>>
    %dma_start3A_7 = tpu.memref_squeeze %dma_start3A_6 : memref<1x128xi32, #tpu.memory_space<vmem>> -> memref<128xi32, #tpu.memory_space<vmem>>
    %dma_start3A_8 = arith.constant 0 : i32
    %dma_start3A_9 = arith.constant 0 : i32
    %dma_start3A_10 = tpu.memref_slice %arg4[%dma_start3A_8, %dma_start3A_9] : memref<10000x64xf32, #tpu.memory_space<hbm>> -> memref<10000x64xf32, #tpu.memory_space<hbm>>
    tpu.enqueue_indirect_dma source(%dma_start3A_10 : memref<10000x64xf32, #tpu.memory_space<hbm>>) target(%arg9 : memref<128x64xf32, #tpu.memory_space<vmem>>) offsets(%dma_start3A_7 : memref<128xi32, #tpu.memory_space<vmem>>) semaphore(%arg13 : memref<!tpu.dma_semaphore, #tpu.memory_space<semaphore_mem>>)
    %dma_start3A_11 = arith.constant 1 : i32
    %dma_start3A_12 = arith.constant 0 : i32
    %dma_start3A_13 = tpu.memref_slice %arg7[%dma_start3A_11, %dma_start3A_12] : memref<80x128xi32, #tpu.memory_space<vmem>> -> memref<1x128xi32, #tpu.memory_space<vmem>>
    %dma_start3A_14 = tpu.memref_squeeze %dma_start3A_13 : memref<1x128xi32, #tpu.memory_space<vmem>> -> memref<128xi32, #tpu.memory_space<vmem>>
    %dma_start3A_15 = arith.constant 0 : i32
    %dma_start3A_16 = arith.constant 0 : i32
    %dma_start3A_17 = tpu.memref_slice %arg4[%dma_start3A_15, %dma_start3A_16] : memref<10000x64xf32, #tpu.memory_space<hbm>> -> memref<10000x64xf32, #tpu.memory_space<hbm>>
    tpu.enqueue_indirect_dma source(%dma_start3A_17 : memref<10000x64xf32, #tpu.memory_space<hbm>>) target(%arg10 : memref<128x64xf32, #tpu.memory_space<vmem>>) offsets(%dma_start3A_14 : memref<128xi32, #tpu.memory_space<vmem>>) semaphore(%arg14 : memref<!tpu.dma_semaphore, #tpu.memory_space<semaphore_mem>>)
    %dma_start3A_18 = arith.constant 2 : i32
    %dma_start3A_19 = arith.constant 0 : i32
    %dma_start3A_20 = tpu.memref_slice %arg7[%dma_start3A_18, %dma_start3A_19] : memref<80x128xi32, #tpu.memory_space<vmem>> -> memref<1x128xi32, #tpu.memory_space<vmem>>
    %dma_start3A_21 = tpu.memref_squeeze %dma_start3A_20 : memref<1x128xi32, #tpu.memory_space<vmem>> -> memref<128xi32, #tpu.memory_space<vmem>>
    %dma_start3A_22 = arith.constant 0 : i32
    %dma_start3A_23 = arith.constant 0 : i32
    %dma_start3A_24 = tpu.memref_slice %arg4[%dma_start3A_22, %dma_start3A_23] : memref<10000x64xf32, #tpu.memory_space<hbm>> -> memref<10000x64xf32, #tpu.memory_space<hbm>>
    tpu.enqueue_indirect_dma source(%dma_start3A_24 : memref<10000x64xf32, #tpu.memory_space<hbm>>) target(%arg11 : memref<128x64xf32, #tpu.memory_space<vmem>>) offsets(%dma_start3A_21 : memref<128xi32, #tpu.memory_space<vmem>>) semaphore(%arg15 : memref<!tpu.dma_semaphore, #tpu.memory_space<semaphore_mem>>)
    %dma_start3A_25 = arith.constant 3 : i32
    %dma_start3A_26 = arith.constant 0 : i32
    %dma_start3A_27 = tpu.memref_slice %arg7[%dma_start3A_25, %dma_start3A_26] : memref<80x128xi32, #tpu.memory_space<vmem>> -> memref<1x128xi32, #tpu.memory_space<vmem>>
    %dma_start3A_28 = tpu.memref_squeeze %dma_start3A_27 : memref<1x128xi32, #tpu.memory_space<vmem>> -> memref<128xi32, #tpu.memory_space<vmem>>
    %dma_start3A_29 = arith.constant 0 : i32
    %dma_start3A_30 = arith.constant 0 : i32
    %dma_start3A_31 = tpu.memref_slice %arg4[%dma_start3A_29, %dma_start3A_30] : memref<10000x64xf32, #tpu.memory_space<hbm>> -> memref<10000x64xf32, #tpu.memory_space<hbm>>
    tpu.enqueue_indirect_dma source(%dma_start3A_31 : memref<10000x64xf32, #tpu.memory_space<hbm>>) target(%arg12 : memref<128x64xf32, #tpu.memory_space<vmem>>) offsets(%dma_start3A_28 : memref<128xi32, #tpu.memory_space<vmem>>) semaphore(%arg16 : memref<!tpu.dma_semaphore, #tpu.memory_space<semaphore_mem>>)
    %scan3A = arith.constant 0 : i32
    %scan3A_32 = arith.constant 20 : i32
    %scan3A_33 = arith.addi %scan3A, %scan3A_32 : i32
    %scan3A_34 = arith.constant 1 : i32
    scf.for %scan3A_41 = %scan3A to %scan3A_33 step %scan3A_34  : i32 {
      %mul3A_42 = arith.constant 1 : i32
      %mul3A_43 = arith.muli %scan3A_41, %mul3A_42 : i32
      %add3A_44 = arith.constant 0 : i32
      %add3A_45 = arith.addi %add3A_44, %mul3A_43 : i32
      %mul3A_46 = arith.constant 4 : i32
      %mul3A_47 = arith.muli %mul3A_46, %add3A_45 : i32
      %add3A_48 = arith.constant 0 : i32
      %add3A_49 = arith.addi %mul3A_47, %add3A_48 : i32
      %dma_wait3A = arith.constant 0 : i32
      %dma_wait3A_50 = tpu.memref_slice %arg7[%add3A_49, %dma_wait3A] : memref<80x128xi32, #tpu.memory_space<vmem>> -> memref<1x128xi32, #tpu.memory_space<vmem>>
      %dma_wait3A_51 = tpu.memref_squeeze %dma_wait3A_50 : memref<1x128xi32, #tpu.memory_space<vmem>> -> memref<128xi32, #tpu.memory_space<vmem>>
      %dma_wait3A_52 = arith.constant 0 : i32
      %dma_wait3A_53 = arith.constant 0 : i32
      %dma_wait3A_54 = tpu.memref_slice %arg4[%dma_wait3A_52, %dma_wait3A_53] : memref<10000x64xf32, #tpu.memory_space<hbm>> -> memref<10000x64xf32, #tpu.memory_space<hbm>>
      tpu.wait_indirect_dma semaphore(%arg13 : memref<!tpu.dma_semaphore, #tpu.memory_space<semaphore_mem>>) src(%dma_wait3A_54 : memref<10000x64xf32, #tpu.memory_space<hbm>>) dst(%arg9 : memref<128x64xf32, #tpu.memory_space<vmem>>)
      %add3A_55 = arith.constant 0 : i32
      %add3A_56 = arith.addi %mul3A_47, %add3A_55 : i32
      "tpu.region"() ({
        %run_scoped3A = tpu.sem_alloc : memref<!tpu.dma_semaphore, #tpu.memory_space<semaphore_mem>>
        %dma_start3A_120 = arith.constant 0 : i32
        %dma_start3A_121 = tpu.memref_slice %arg8[%add3A_56, %dma_start3A_120] : memref<80x128xi32, #tpu.memory_space<vmem>> -> memref<1x128xi32, #tpu.memory_space<vmem>>
        %dma_start3A_122 = tpu.memref_squeeze %dma_start3A_121 : memref<1x128xi32, #tpu.memory_space<vmem>> -> memref<128xi32, #tpu.memory_space<vmem>>
        %dma_start3A_123 = arith.constant 0 : i32
        %dma_start3A_124 = arith.constant 0 : i32
        %dma_start3A_125 = tpu.memref_slice %arg17[%dma_start3A_123, %dma_start3A_124] : memref<10112x64xf32, #tpu.memory_space<vmem_shared>> -> memref<10112x64xf32, #tpu.memory_space<vmem_shared>>
        tpu.enqueue_indirect_dma source(%arg9 : memref<128x64xf32, #tpu.memory_space<vmem>>) target(%dma_start3A_125 : memref<10112x64xf32, #tpu.memory_space<vmem_shared>>) offsets(%dma_start3A_122 : memref<128xi32, #tpu.memory_space<vmem>>) semaphore(%run_scoped3A : memref<!tpu.dma_semaphore, #tpu.memory_space<semaphore_mem>>) {add = true}
        %dma_wait3A_126 = arith.constant 0 : i32
        %dma_wait3A_127 = tpu.memref_slice %arg8[%add3A_56, %dma_wait3A_126] : memref<80x128xi32, #tpu.memory_space<vmem>> -> memref<1x128xi32, #tpu.memory_space<vmem>>
        %dma_wait3A_128 = tpu.memref_squeeze %dma_wait3A_127 : memref<1x128xi32, #tpu.memory_space<vmem>> -> memref<128xi32, #tpu.memory_space<vmem>>
        %dma_wait3A_129 = arith.constant 0 : i32
        %dma_wait3A_130 = arith.constant 0 : i32
        %dma_wait3A_131 = tpu.memref_slice %arg17[%dma_wait3A_129, %dma_wait3A_130] : memref<10112x64xf32, #tpu.memory_space<vmem_shared>> -> memref<10112x64xf32, #tpu.memory_space<vmem_shared>>
        tpu.wait_indirect_dma semaphore(%run_scoped3A : memref<!tpu.dma_semaphore, #tpu.memory_space<semaphore_mem>>) src(%arg9 : memref<128x64xf32, #tpu.memory_space<vmem>>) dst(%dma_wait3A_131 : memref<10112x64xf32, #tpu.memory_space<vmem_shared>>)
        tpu.yield
      }) : () -> ()
      %add3A_57 = arith.constant 0 : i32
      %add3A_58 = arith.addi %mul3A_47, %add3A_57 : i32
      %add3A_59 = arith.constant 4 : i32
      %add3A_60 = arith.addi %add3A_58, %add3A_59 : i32
      %lt3A = arith.constant 80 : i32
      %lt3A_61 = arith.cmpi slt, %add3A_60, %lt3A : i32
      %convert_element_type3A = arith.extui %lt3A_61 : i1 to i32
      %cond3A = arith.constant 0 : i32
      %cond3A_62 = arith.cmpi ne, %convert_element_type3A, %cond3A : i32
      scf.if %cond3A_62 {
        %add3A_120 = arith.constant 0 : i32
        %add3A_121 = arith.addi %mul3A_47, %add3A_120 : i32
        %add3A_122 = arith.constant 4 : i32
        %add3A_123 = arith.addi %add3A_121, %add3A_122 : i32
        %dma_start3A_124 = arith.constant 0 : i32
        %dma_start3A_125 = tpu.memref_slice %arg7[%add3A_123, %dma_start3A_124] : memref<80x128xi32, #tpu.memory_space<vmem>> -> memref<1x128xi32, #tpu.memory_space<vmem>>
        %dma_start3A_126 = tpu.memref_squeeze %dma_start3A_125 : memref<1x128xi32, #tpu.memory_space<vmem>> -> memref<128xi32, #tpu.memory_space<vmem>>
        %dma_start3A_127 = arith.constant 0 : i32
        %dma_start3A_128 = arith.constant 0 : i32
        %dma_start3A_129 = tpu.memref_slice %arg4[%dma_start3A_127, %dma_start3A_128] : memref<10000x64xf32, #tpu.memory_space<hbm>> -> memref<10000x64xf32, #tpu.memory_space<hbm>>
        tpu.enqueue_indirect_dma source(%dma_start3A_129 : memref<10000x64xf32, #tpu.memory_space<hbm>>) target(%arg9 : memref<128x64xf32, #tpu.memory_space<vmem>>) offsets(%dma_start3A_126 : memref<128xi32, #tpu.memory_space<vmem>>) semaphore(%arg13 : memref<!tpu.dma_semaphore, #tpu.memory_space<semaphore_mem>>)
      } else {
      }
      %add3A_63 = arith.constant 1 : i32
      %add3A_64 = arith.addi %mul3A_47, %add3A_63 : i32
      %dma_wait3A_65 = arith.constant 0 : i32
      %dma_wait3A_66 = tpu.memref_slice %arg7[%add3A_64, %dma_wait3A_65] : memref<80x128xi32, #tpu.memory_space<vmem>> -> memref<1x128xi32, #tpu.memory_space<vmem>>
      %dma_wait3A_67 = tpu.memref_squeeze %dma_wait3A_66 : memref<1x128xi32, #tpu.memory_space<vmem>> -> memref<128xi32, #tpu.memory_space<vmem>>
      %dma_wait3A_68 = arith.constant 0 : i32
      %dma_wait3A_69 = arith.constant 0 : i32
      %dma_wait3A_70 = tpu.memref_slice %arg4[%dma_wait3A_68, %dma_wait3A_69] : memref<10000x64xf32, #tpu.memory_space<hbm>> -> memref<10000x64xf32, #tpu.memory_space<hbm>>
      tpu.wait_indirect_dma semaphore(%arg14 : memref<!tpu.dma_semaphore, #tpu.memory_space<semaphore_mem>>) src(%dma_wait3A_70 : memref<10000x64xf32, #tpu.memory_space<hbm>>) dst(%arg10 : memref<128x64xf32, #tpu.memory_space<vmem>>)
      %add3A_71 = arith.constant 1 : i32
      %add3A_72 = arith.addi %mul3A_47, %add3A_71 : i32
      "tpu.region"() ({
        %run_scoped3A = tpu.sem_alloc : memref<!tpu.dma_semaphore, #tpu.memory_space<semaphore_mem>>
        %dma_start3A_120 = arith.constant 0 : i32
        %dma_start3A_121 = tpu.memref_slice %arg8[%add3A_72, %dma_start3A_120] : memref<80x128xi32, #tpu.memory_space<vmem>> -> memref<1x128xi32, #tpu.memory_space<vmem>>
        %dma_start3A_122 = tpu.memref_squeeze %dma_start3A_121 : memref<1x128xi32, #tpu.memory_space<vmem>> -> memref<128xi32, #tpu.memory_space<vmem>>
        %dma_start3A_123 = arith.constant 0 : i32
        %dma_start3A_124 = arith.constant 0 : i32
        %dma_start3A_125 = tpu.memref_slice %arg17[%dma_start3A_123, %dma_start3A_124] : memref<10112x64xf32, #tpu.memory_space<vmem_shared>> -> memref<10112x64xf32, #tpu.memory_space<vmem_shared>>
        tpu.enqueue_indirect_dma source(%arg10 : memref<128x64xf32, #tpu.memory_space<vmem>>) target(%dma_start3A_125 : memref<10112x64xf32, #tpu.memory_space<vmem_shared>>) offsets(%dma_start3A_122 : memref<128xi32, #tpu.memory_space<vmem>>) semaphore(%run_scoped3A : memref<!tpu.dma_semaphore, #tpu.memory_space<semaphore_mem>>) {add = true}
        %dma_wait3A_126 = arith.constant 0 : i32
        %dma_wait3A_127 = tpu.memref_slice %arg8[%add3A_72, %dma_wait3A_126] : memref<80x128xi32, #tpu.memory_space<vmem>> -> memref<1x128xi32, #tpu.memory_space<vmem>>
        %dma_wait3A_128 = tpu.memref_squeeze %dma_wait3A_127 : memref<1x128xi32, #tpu.memory_space<vmem>> -> memref<128xi32, #tpu.memory_space<vmem>>
        %dma_wait3A_129 = arith.constant 0 : i32
        %dma_wait3A_130 = arith.constant 0 : i32
        %dma_wait3A_131 = tpu.memref_slice %arg17[%dma_wait3A_129, %dma_wait3A_130] : memref<10112x64xf32, #tpu.memory_space<vmem_shared>> -> memref<10112x64xf32, #tpu.memory_space<vmem_shared>>
        tpu.wait_indirect_dma semaphore(%run_scoped3A : memref<!tpu.dma_semaphore, #tpu.memory_space<semaphore_mem>>) src(%arg10 : memref<128x64xf32, #tpu.memory_space<vmem>>) dst(%dma_wait3A_131 : memref<10112x64xf32, #tpu.memory_space<vmem_shared>>)
        tpu.yield
      }) : () -> ()
      %add3A_73 = arith.constant 1 : i32
      %add3A_74 = arith.addi %mul3A_47, %add3A_73 : i32
      %add3A_75 = arith.constant 4 : i32
      %add3A_76 = arith.addi %add3A_74, %add3A_75 : i32
      %lt3A_77 = arith.constant 80 : i32
      %lt3A_78 = arith.cmpi slt, %add3A_76, %lt3A_77 : i32
      %convert_element_type3A_79 = arith.extui %lt3A_78 : i1 to i32
      %cond3A_80 = arith.constant 0 : i32
      %cond3A_81 = arith.cmpi ne, %convert_element_type3A_79, %cond3A_80 : i32
      scf.if %cond3A_81 {
        %add3A_120 = arith.constant 1 : i32
        %add3A_121 = arith.addi %mul3A_47, %add3A_120 : i32
        %add3A_122 = arith.constant 4 : i32
        %add3A_123 = arith.addi %add3A_121, %add3A_122 : i32
        %dma_start3A_124 = arith.constant 0 : i32
        %dma_start3A_125 = tpu.memref_slice %arg7[%add3A_123, %dma_start3A_124] : memref<80x128xi32, #tpu.memory_space<vmem>> -> memref<1x128xi32, #tpu.memory_space<vmem>>
        %dma_start3A_126 = tpu.memref_squeeze %dma_start3A_125 : memref<1x128xi32, #tpu.memory_space<vmem>> -> memref<128xi32, #tpu.memory_space<vmem>>
        %dma_start3A_127 = arith.constant 0 : i32
        %dma_start3A_128 = arith.constant 0 : i32
        %dma_start3A_129 = tpu.memref_slice %arg4[%dma_start3A_127, %dma_start3A_128] : memref<10000x64xf32, #tpu.memory_space<hbm>> -> memref<10000x64xf32, #tpu.memory_space<hbm>>
        tpu.enqueue_indirect_dma source(%dma_start3A_129 : memref<10000x64xf32, #tpu.memory_space<hbm>>) target(%arg10 : memref<128x64xf32, #tpu.memory_space<vmem>>) offsets(%dma_start3A_126 : memref<128xi32, #tpu.memory_space<vmem>>) semaphore(%arg14 : memref<!tpu.dma_semaphore, #tpu.memory_space<semaphore_mem>>)
      } else {
      }
      %add3A_82 = arith.constant 2 : i32
      %add3A_83 = arith.addi %mul3A_47, %add3A_82 : i32
      %dma_wait3A_84 = arith.constant 0 : i32
      %dma_wait3A_85 = tpu.memref_slice %arg7[%add3A_83, %dma_wait3A_84] : memref<80x128xi32, #tpu.memory_space<vmem>> -> memref<1x128xi32, #tpu.memory_space<vmem>>
      %dma_wait3A_86 = tpu.memref_squeeze %dma_wait3A_85 : memref<1x128xi32, #tpu.memory_space<vmem>> -> memref<128xi32, #tpu.memory_space<vmem>>
      %dma_wait3A_87 = arith.constant 0 : i32
      %dma_wait3A_88 = arith.constant 0 : i32
      %dma_wait3A_89 = tpu.memref_slice %arg4[%dma_wait3A_87, %dma_wait3A_88] : memref<10000x64xf32, #tpu.memory_space<hbm>> -> memref<10000x64xf32, #tpu.memory_space<hbm>>
      tpu.wait_indirect_dma semaphore(%arg15 : memref<!tpu.dma_semaphore, #tpu.memory_space<semaphore_mem>>) src(%dma_wait3A_89 : memref<10000x64xf32, #tpu.memory_space<hbm>>) dst(%arg11 : memref<128x64xf32, #tpu.memory_space<vmem>>)
      %add3A_90 = arith.constant 2 : i32
      %add3A_91 = arith.addi %mul3A_47, %add3A_90 : i32
      "tpu.region"() ({
        %run_scoped3A = tpu.sem_alloc : memref<!tpu.dma_semaphore, #tpu.memory_space<semaphore_mem>>
        %dma_start3A_120 = arith.constant 0 : i32
        %dma_start3A_121 = tpu.memref_slice %arg8[%add3A_91, %dma_start3A_120] : memref<80x128xi32, #tpu.memory_space<vmem>> -> memref<1x128xi32, #tpu.memory_space<vmem>>
        %dma_start3A_122 = tpu.memref_squeeze %dma_start3A_121 : memref<1x128xi32, #tpu.memory_space<vmem>> -> memref<128xi32, #tpu.memory_space<vmem>>
        %dma_start3A_123 = arith.constant 0 : i32
        %dma_start3A_124 = arith.constant 0 : i32
        %dma_start3A_125 = tpu.memref_slice %arg17[%dma_start3A_123, %dma_start3A_124] : memref<10112x64xf32, #tpu.memory_space<vmem_shared>> -> memref<10112x64xf32, #tpu.memory_space<vmem_shared>>
        tpu.enqueue_indirect_dma source(%arg11 : memref<128x64xf32, #tpu.memory_space<vmem>>) target(%dma_start3A_125 : memref<10112x64xf32, #tpu.memory_space<vmem_shared>>) offsets(%dma_start3A_122 : memref<128xi32, #tpu.memory_space<vmem>>) semaphore(%run_scoped3A : memref<!tpu.dma_semaphore, #tpu.memory_space<semaphore_mem>>) {add = true}
        %dma_wait3A_126 = arith.constant 0 : i32
        %dma_wait3A_127 = tpu.memref_slice %arg8[%add3A_91, %dma_wait3A_126] : memref<80x128xi32, #tpu.memory_space<vmem>> -> memref<1x128xi32, #tpu.memory_space<vmem>>
        %dma_wait3A_128 = tpu.memref_squeeze %dma_wait3A_127 : memref<1x128xi32, #tpu.memory_space<vmem>> -> memref<128xi32, #tpu.memory_space<vmem>>
        %dma_wait3A_129 = arith.constant 0 : i32
        %dma_wait3A_130 = arith.constant 0 : i32
        %dma_wait3A_131 = tpu.memref_slice %arg17[%dma_wait3A_129, %dma_wait3A_130] : memref<10112x64xf32, #tpu.memory_space<vmem_shared>> -> memref<10112x64xf32, #tpu.memory_space<vmem_shared>>
        tpu.wait_indirect_dma semaphore(%run_scoped3A : memref<!tpu.dma_semaphore, #tpu.memory_space<semaphore_mem>>) src(%arg11 : memref<128x64xf32, #tpu.memory_space<vmem>>) dst(%dma_wait3A_131 : memref<10112x64xf32, #tpu.memory_space<vmem_shared>>)
        tpu.yield
      }) : () -> ()
      %add3A_92 = arith.constant 2 : i32
      %add3A_93 = arith.addi %mul3A_47, %add3A_92 : i32
      %add3A_94 = arith.constant 4 : i32
      %add3A_95 = arith.addi %add3A_93, %add3A_94 : i32
      %lt3A_96 = arith.constant 80 : i32
      %lt3A_97 = arith.cmpi slt, %add3A_95, %lt3A_96 : i32
      %convert_element_type3A_98 = arith.extui %lt3A_97 : i1 to i32
      %cond3A_99 = arith.constant 0 : i32
      %cond3A_100 = arith.cmpi ne, %convert_element_type3A_98, %cond3A_99 : i32
      scf.if %cond3A_100 {
        %add3A_120 = arith.constant 2 : i32
        %add3A_121 = arith.addi %mul3A_47, %add3A_120 : i32
        %add3A_122 = arith.constant 4 : i32
        %add3A_123 = arith.addi %add3A_121, %add3A_122 : i32
        %dma_start3A_124 = arith.constant 0 : i32
        %dma_start3A_125 = tpu.memref_slice %arg7[%add3A_123, %dma_start3A_124] : memref<80x128xi32, #tpu.memory_space<vmem>> -> memref<1x128xi32, #tpu.memory_space<vmem>>
        %dma_start3A_126 = tpu.memref_squeeze %dma_start3A_125 : memref<1x128xi32, #tpu.memory_space<vmem>> -> memref<128xi32, #tpu.memory_space<vmem>>
        %dma_start3A_127 = arith.constant 0 : i32
        %dma_start3A_128 = arith.constant 0 : i32
        %dma_start3A_129 = tpu.memref_slice %arg4[%dma_start3A_127, %dma_start3A_128] : memref<10000x64xf32, #tpu.memory_space<hbm>> -> memref<10000x64xf32, #tpu.memory_space<hbm>>
        tpu.enqueue_indirect_dma source(%dma_start3A_129 : memref<10000x64xf32, #tpu.memory_space<hbm>>) target(%arg11 : memref<128x64xf32, #tpu.memory_space<vmem>>) offsets(%dma_start3A_126 : memref<128xi32, #tpu.memory_space<vmem>>) semaphore(%arg15 : memref<!tpu.dma_semaphore, #tpu.memory_space<semaphore_mem>>)
      } else {
      }
      %add3A_101 = arith.constant 3 : i32
      %add3A_102 = arith.addi %mul3A_47, %add3A_101 : i32
      %dma_wait3A_103 = arith.constant 0 : i32
      %dma_wait3A_104 = tpu.memref_slice %arg7[%add3A_102, %dma_wait3A_103] : memref<80x128xi32, #tpu.memory_space<vmem>> -> memref<1x128xi32, #tpu.memory_space<vmem>>
      %dma_wait3A_105 = tpu.memref_squeeze %dma_wait3A_104 : memref<1x128xi32, #tpu.memory_space<vmem>> -> memref<128xi32, #tpu.memory_space<vmem>>
      %dma_wait3A_106 = arith.constant 0 : i32
      %dma_wait3A_107 = arith.constant 0 : i32
      %dma_wait3A_108 = tpu.memref_slice %arg4[%dma_wait3A_106, %dma_wait3A_107] : memref<10000x64xf32, #tpu.memory_space<hbm>> -> memref<10000x64xf32, #tpu.memory_space<hbm>>
      tpu.wait_indirect_dma semaphore(%arg16 : memref<!tpu.dma_semaphore, #tpu.memory_space<semaphore_mem>>) src(%dma_wait3A_108 : memref<10000x64xf32, #tpu.memory_space<hbm>>) dst(%arg12 : memref<128x64xf32, #tpu.memory_space<vmem>>)
      %add3A_109 = arith.constant 3 : i32
      %add3A_110 = arith.addi %mul3A_47, %add3A_109 : i32
      "tpu.region"() ({
        %run_scoped3A = tpu.sem_alloc : memref<!tpu.dma_semaphore, #tpu.memory_space<semaphore_mem>>
        %dma_start3A_120 = arith.constant 0 : i32
        %dma_start3A_121 = tpu.memref_slice %arg8[%add3A_110, %dma_start3A_120] : memref<80x128xi32, #tpu.memory_space<vmem>> -> memref<1x128xi32, #tpu.memory_space<vmem>>
        %dma_start3A_122 = tpu.memref_squeeze %dma_start3A_121 : memref<1x128xi32, #tpu.memory_space<vmem>> -> memref<128xi32, #tpu.memory_space<vmem>>
        %dma_start3A_123 = arith.constant 0 : i32
        %dma_start3A_124 = arith.constant 0 : i32
        %dma_start3A_125 = tpu.memref_slice %arg17[%dma_start3A_123, %dma_start3A_124] : memref<10112x64xf32, #tpu.memory_space<vmem_shared>> -> memref<10112x64xf32, #tpu.memory_space<vmem_shared>>
        tpu.enqueue_indirect_dma source(%arg12 : memref<128x64xf32, #tpu.memory_space<vmem>>) target(%dma_start3A_125 : memref<10112x64xf32, #tpu.memory_space<vmem_shared>>) offsets(%dma_start3A_122 : memref<128xi32, #tpu.memory_space<vmem>>) semaphore(%run_scoped3A : memref<!tpu.dma_semaphore, #tpu.memory_space<semaphore_mem>>) {add = true}
        %dma_wait3A_126 = arith.constant 0 : i32
        %dma_wait3A_127 = tpu.memref_slice %arg8[%add3A_110, %dma_wait3A_126] : memref<80x128xi32, #tpu.memory_space<vmem>> -> memref<1x128xi32, #tpu.memory_space<vmem>>
        %dma_wait3A_128 = tpu.memref_squeeze %dma_wait3A_127 : memref<1x128xi32, #tpu.memory_space<vmem>> -> memref<128xi32, #tpu.memory_space<vmem>>
        %dma_wait3A_129 = arith.constant 0 : i32
        %dma_wait3A_130 = arith.constant 0 : i32
        %dma_wait3A_131 = tpu.memref_slice %arg17[%dma_wait3A_129, %dma_wait3A_130] : memref<10112x64xf32, #tpu.memory_space<vmem_shared>> -> memref<10112x64xf32, #tpu.memory_space<vmem_shared>>
        tpu.wait_indirect_dma semaphore(%run_scoped3A : memref<!tpu.dma_semaphore, #tpu.memory_space<semaphore_mem>>) src(%arg12 : memref<128x64xf32, #tpu.memory_space<vmem>>) dst(%dma_wait3A_131 : memref<10112x64xf32, #tpu.memory_space<vmem_shared>>)
        tpu.yield
      }) : () -> ()
      %add3A_111 = arith.constant 3 : i32
      %add3A_112 = arith.addi %mul3A_47, %add3A_111 : i32
      %add3A_113 = arith.constant 4 : i32
      %add3A_114 = arith.addi %add3A_112, %add3A_113 : i32
      %lt3A_115 = arith.constant 80 : i32
      %lt3A_116 = arith.cmpi slt, %add3A_114, %lt3A_115 : i32
      %convert_element_type3A_117 = arith.extui %lt3A_116 : i1 to i32
      %cond3A_118 = arith.constant 0 : i32
      %cond3A_119 = arith.cmpi ne, %convert_element_type3A_117, %cond3A_118 : i32
      scf.if %cond3A_119 {
        %add3A_120 = arith.constant 3 : i32
        %add3A_121 = arith.addi %mul3A_47, %add3A_120 : i32
        %add3A_122 = arith.constant 4 : i32
        %add3A_123 = arith.addi %add3A_121, %add3A_122 : i32
        %dma_start3A_124 = arith.constant 0 : i32
        %dma_start3A_125 = tpu.memref_slice %arg7[%add3A_123, %dma_start3A_124] : memref<80x128xi32, #tpu.memory_space<vmem>> -> memref<1x128xi32, #tpu.memory_space<vmem>>
        %dma_start3A_126 = tpu.memref_squeeze %dma_start3A_125 : memref<1x128xi32, #tpu.memory_space<vmem>> -> memref<128xi32, #tpu.memory_space<vmem>>
        %dma_start3A_127 = arith.constant 0 : i32
        %dma_start3A_128 = arith.constant 0 : i32
        %dma_start3A_129 = tpu.memref_slice %arg4[%dma_start3A_127, %dma_start3A_128] : memref<10000x64xf32, #tpu.memory_space<hbm>> -> memref<10000x64xf32, #tpu.memory_space<hbm>>
        tpu.enqueue_indirect_dma source(%dma_start3A_129 : memref<10000x64xf32, #tpu.memory_space<hbm>>) target(%arg12 : memref<128x64xf32, #tpu.memory_space<vmem>>) offsets(%dma_start3A_126 : memref<128xi32, #tpu.memory_space<vmem>>) semaphore(%arg16 : memref<!tpu.dma_semaphore, #tpu.memory_space<semaphore_mem>>)
      } else {
      }
    }
    %scan3A_35 = arith.constant 20 : i32
    %barrier3A_36 = arith.constant 0 : index
    tpu.barrier barrier_id(%barrier3A_36)
    %mul3A_37 = arith.constant 632 : i32
    %mul3A_38 = arith.muli %arg1, %mul3A_37 : i32
    %mul3A_39 = arith.constant 632 : i32
    %mul3A_40 = arith.muli %arg1, %mul3A_39 : i32
    "tpu.region"() ({
      %run_scoped3A = tpu.sem_alloc : memref<!tpu.dma_semaphore, #tpu.memory_space<semaphore_mem>>
      %dma_start3A_41 = arith.constant 0 : i32
      %dma_start3A_42 = tpu.memref_slice %arg6[%arg0, %mul3A_40, %dma_start3A_41] : memref<2x10112x64xf32, #tpu.memory_space<hbm>> -> memref<1x632x64xf32, #tpu.memory_space<hbm>>
      %dma_start3A_43 = tpu.memref_squeeze %dma_start3A_42 : memref<1x632x64xf32, #tpu.memory_space<hbm>> -> memref<632x64xf32, #tpu.memory_space<hbm>>
      %dma_start3A_44 = arith.constant 0 : i32
      %dma_start3A_45 = tpu.memref_slice %arg17[%mul3A_38, %dma_start3A_44] : memref<10112x64xf32, #tpu.memory_space<vmem_shared>> -> memref<632x64xf32, #tpu.memory_space<vmem_shared>>
      tpu.enqueue_dma source(%dma_start3A_45 : memref<632x64xf32, #tpu.memory_space<vmem_shared>>) target(%dma_start3A_43 : memref<632x64xf32, #tpu.memory_space<hbm>>) target_semaphore(%run_scoped3A : memref<!tpu.dma_semaphore, #tpu.memory_space<semaphore_mem>>)
      %dma_wait3A = arith.constant 0 : i32
      %dma_wait3A_46 = tpu.memref_slice %arg6[%arg0, %mul3A_40, %dma_wait3A] : memref<2x10112x64xf32, #tpu.memory_space<hbm>> -> memref<1x632x64xf32, #tpu.memory_space<hbm>>
      %dma_wait3A_47 = tpu.memref_squeeze %dma_wait3A_46 : memref<1x632x64xf32, #tpu.memory_space<hbm>> -> memref<632x64xf32, #tpu.memory_space<hbm>>
      %dma_wait3A_48 = arith.constant 0 : i32
      %dma_wait3A_49 = tpu.memref_slice %arg17[%mul3A_38, %dma_wait3A_48] : memref<10112x64xf32, #tpu.memory_space<vmem_shared>> -> memref<632x64xf32, #tpu.memory_space<vmem_shared>>
      tpu.wait_dma2 semaphore(%run_scoped3A : memref<!tpu.dma_semaphore, #tpu.memory_space<semaphore_mem>>) src(%dma_wait3A_49 : memref<632x64xf32, #tpu.memory_space<vmem_shared>>) dst(%dma_wait3A_47 : memref<632x64xf32, #tpu.memory_space<hbm>>)
      tpu.yield
    }) : () -> ()
    return
  }
}

#map = affine_map<(d0, d1) -> (0, 0, 0)>
#map1 = affine_map<(d0, d1) -> (0, 0)>
module attributes {stable_mosaic.version = 14 : i64} {
  func.func @body(%arg0: i32, %arg1: i32, %arg2: memref<32x80x128xi32, #tpu.memory_space<hbm>>, %arg3: memref<32x80x128xi32, #tpu.memory_space<hbm>>, %arg4: memref<10000x64xf32, #tpu.memory_space<hbm>>, %arg5: memref<10112x64xf32, #tpu.memory_space<hbm>>, %arg6: memref<2x10112x64xf32, #tpu.memory_space<hbm>>, %arg7: memref<80x128xi32, #tpu.memory_space<vmem>>, %arg8: memref<80x128xi32, #tpu.memory_space<vmem>>, %arg9: memref<128x64xf32, #tpu.memory_space<vmem>>, %arg10: memref<128x64xf32, #tpu.memory_space<vmem>>, %arg11: memref<128x64xf32, #tpu.memory_space<vmem>>, %arg12: memref<128x64xf32, #tpu.memory_space<vmem>>, %arg13: memref<!tpu.dma_semaphore, #tpu.memory_space<semaphore_mem>>, %arg14: memref<!tpu.dma_semaphore, #tpu.memory_space<semaphore_mem>>, %arg15: memref<!tpu.dma_semaphore, #tpu.memory_space<semaphore_mem>>, %arg16: memref<!tpu.dma_semaphore, #tpu.memory_space<semaphore_mem>>, %arg17: memref<10112x64xf32, #tpu.memory_space<vmem_shared>>) attributes {dimension_semantics = [#tpu.dimension_semantics<core_parallel>, #tpu.dimension_semantics<subcore_parallel>], iteration_bounds = array<i64: 2, 16>, scalar_prefetch = 0 : i64, scratch_operands = 11 : i64, tpu.core_type = #tpu.core_type<sc_vector_subcore>, window_params = [{transform_indices = #map}, {transform_indices = #map}, {transform_indices = #map1}, {transform_indices = #map1}, {transform_indices = #map}]} {
    %mul3A = arith.constant 2 : i32
    %mul3A_0 = arith.muli %arg1, %mul3A : i32
    %add3A = arith.addi %mul3A_0, %arg0 : i32
    %mul3A_1 = arith.constant 632 : i32
    %mul3A_2 = arith.muli %arg1, %mul3A_1 : i32
    %mul3A_3 = arith.constant 632 : i32
    %mul3A_4 = arith.muli %arg1, %mul3A_3 : i32
    "tpu.region"() ({
      %run_scoped3A = tpu.sem_alloc : memref<!tpu.dma_semaphore, #tpu.memory_space<semaphore_mem>>
      %dma_start3A_41 = arith.constant 0 : i32
      %dma_start3A_42 = tpu.memref_slice %arg17[%mul3A_4, %dma_start3A_41] : memref<10112x64xf32, #tpu.memory_space<vmem_shared>> -> memref<632x64xf32, #tpu.memory_space<vmem_shared>>
      %dma_start3A_43 = arith.constant 0 : i32
      %dma_start3A_44 = tpu.memref_slice %arg5[%mul3A_2, %dma_start3A_43] : memref<10112x64xf32, #tpu.memory_space<hbm>> -> memref<632x64xf32, #tpu.memory_space<hbm>>
      tpu.enqueue_dma source(%dma_start3A_44 : memref<632x64xf32, #tpu.memory_space<hbm>>) target(%dma_start3A_42 : memref<632x64xf32, #tpu.memory_space<vmem_shared>>) target_semaphore(%run_scoped3A : memref<!tpu.dma_semaphore, #tpu.memory_space<semaphore_mem>>)
      %dma_wait3A = arith.constant 0 : i32
      %dma_wait3A_45 = tpu.memref_slice %arg17[%mul3A_4, %dma_wait3A] : memref<10112x64xf32, #tpu.memory_space<vmem_shared>> -> memref<632x64xf32, #tpu.memory_space<vmem_shared>>
      %dma_wait3A_46 = arith.constant 0 : i32
      %dma_wait3A_47 = tpu.memref_slice %arg5[%mul3A_2, %dma_wait3A_46] : memref<10112x64xf32, #tpu.memory_space<hbm>> -> memref<632x64xf32, #tpu.memory_space<hbm>>
      tpu.wait_dma2 semaphore(%run_scoped3A : memref<!tpu.dma_semaphore, #tpu.memory_space<semaphore_mem>>) src(%dma_wait3A_47 : memref<632x64xf32, #tpu.memory_space<hbm>>) dst(%dma_wait3A_45 : memref<632x64xf32, #tpu.memory_space<vmem_shared>>)
      tpu.yield
    }) : () -> ()
    "tpu.region"() ({
      %run_scoped3A = tpu.sem_alloc : memref<!tpu.dma_semaphore, #tpu.memory_space<semaphore_mem>>
      %dma_start3A_41 = arith.constant 0 : i32
      %dma_start3A_42 = arith.constant 0 : i32
      %dma_start3A_43 = tpu.memref_slice %arg2[%add3A, %dma_start3A_41, %dma_start3A_42] : memref<32x80x128xi32, #tpu.memory_space<hbm>> -> memref<1x80x128xi32, #tpu.memory_space<hbm>>
      %dma_start3A_44 = tpu.memref_squeeze %dma_start3A_43 : memref<1x80x128xi32, #tpu.memory_space<hbm>> -> memref<80x128xi32, #tpu.memory_space<hbm>>
      %dma_start3A_45 = arith.constant 0 : i32
      %dma_start3A_46 = arith.constant 0 : i32
      %dma_start3A_47 = tpu.memref_slice %arg2[%add3A, %dma_start3A_45, %dma_start3A_46] : memref<32x80x128xi32, #tpu.memory_space<hbm>> -> memref<1x80x128xi32, #tpu.memory_space<hbm>>
      %dma_start3A_48 = tpu.memref_squeeze %dma_start3A_47 : memref<1x80x128xi32, #tpu.memory_space<hbm>> -> memref<80x128xi32, #tpu.memory_space<hbm>>
      tpu.enqueue_dma source(%dma_start3A_48 : memref<80x128xi32, #tpu.memory_space<hbm>>) target(%arg7 : memref<80x128xi32, #tpu.memory_space<vmem>>) target_semaphore(%run_scoped3A : memref<!tpu.dma_semaphore, #tpu.memory_space<semaphore_mem>>)
      %dma_wait3A = arith.constant 0 : i32
      %dma_wait3A_49 = arith.constant 0 : i32
      %dma_wait3A_50 = tpu.memref_slice %arg2[%add3A, %dma_wait3A, %dma_wait3A_49] : memref<32x80x128xi32, #tpu.memory_space<hbm>> -> memref<1x80x128xi32, #tpu.memory_space<hbm>>
      %dma_wait3A_51 = tpu.memref_squeeze %dma_wait3A_50 : memref<1x80x128xi32, #tpu.memory_space<hbm>> -> memref<80x128xi32, #tpu.memory_space<hbm>>
      %dma_wait3A_52 = arith.constant 0 : i32
      %dma_wait3A_53 = arith.constant 0 : i32
      %dma_wait3A_54 = tpu.memref_slice %arg2[%add3A, %dma_wait3A_52, %dma_wait3A_53] : memref<32x80x128xi32, #tpu.memory_space<hbm>> -> memref<1x80x128xi32, #tpu.memory_space<hbm>>
      %dma_wait3A_55 = tpu.memref_squeeze %dma_wait3A_54 : memref<1x80x128xi32, #tpu.memory_space<hbm>> -> memref<80x128xi32, #tpu.memory_space<hbm>>
      tpu.wait_dma2 semaphore(%run_scoped3A : memref<!tpu.dma_semaphore, #tpu.memory_space<semaphore_mem>>) src(%dma_wait3A_55 : memref<80x128xi32, #tpu.memory_space<hbm>>) dst(%arg7 : memref<80x128xi32, #tpu.memory_space<vmem>>)
      tpu.yield
    }) : () -> ()
    "tpu.region"() ({
      %run_scoped3A = tpu.sem_alloc : memref<!tpu.dma_semaphore, #tpu.memory_space<semaphore_mem>>
      %dma_start3A_41 = arith.constant 0 : i32
      %dma_start3A_42 = arith.constant 0 : i32
      %dma_start3A_43 = tpu.memref_slice %arg3[%add3A, %dma_start3A_41, %dma_start3A_42] : memref<32x80x128xi32, #tpu.memory_space<hbm>> -> memref<1x80x128xi32, #tpu.memory_space<hbm>>
      %dma_start3A_44 = tpu.memref_squeeze %dma_start3A_43 : memref<1x80x128xi32, #tpu.memory_space<hbm>> -> memref<80x128xi32, #tpu.memory_space<hbm>>
      %dma_start3A_45 = arith.constant 0 : i32
      %dma_start3A_46 = arith.constant 0 : i32
      %dma_start3A_47 = tpu.memref_slice %arg3[%add3A, %dma_start3A_45, %dma_start3A_46] : memref<32x80x128xi32, #tpu.memory_space<hbm>> -> memref<1x80x128xi32, #tpu.memory_space<hbm>>
      %dma_start3A_48 = tpu.memref_squeeze %dma_start3A_47 : memref<1x80x128xi32, #tpu.memory_space<hbm>> -> memref<80x128xi32, #tpu.memory_space<hbm>>
      tpu.enqueue_dma source(%dma_start3A_48 : memref<80x128xi32, #tpu.memory_space<hbm>>) target(%arg8 : memref<80x128xi32, #tpu.memory_space<vmem>>) target_semaphore(%run_scoped3A : memref<!tpu.dma_semaphore, #tpu.memory_space<semaphore_mem>>)
      %dma_wait3A = arith.constant 0 : i32
      %dma_wait3A_49 = arith.constant 0 : i32
      %dma_wait3A_50 = tpu.memref_slice %arg3[%add3A, %dma_wait3A, %dma_wait3A_49] : memref<32x80x128xi32, #tpu.memory_space<hbm>> -> memref<1x80x128xi32, #tpu.memory_space<hbm>>
      %dma_wait3A_51 = tpu.memref_squeeze %dma_wait3A_50 : memref<1x80x128xi32, #tpu.memory_space<hbm>> -> memref<80x128xi32, #tpu.memory_space<hbm>>
      %dma_wait3A_52 = arith.constant 0 : i32
      %dma_wait3A_53 = arith.constant 0 : i32
      %dma_wait3A_54 = tpu.memref_slice %arg3[%add3A, %dma_wait3A_52, %dma_wait3A_53] : memref<32x80x128xi32, #tpu.memory_space<hbm>> -> memref<1x80x128xi32, #tpu.memory_space<hbm>>
      %dma_wait3A_55 = tpu.memref_squeeze %dma_wait3A_54 : memref<1x80x128xi32, #tpu.memory_space<hbm>> -> memref<80x128xi32, #tpu.memory_space<hbm>>
      tpu.wait_dma2 semaphore(%run_scoped3A : memref<!tpu.dma_semaphore, #tpu.memory_space<semaphore_mem>>) src(%dma_wait3A_55 : memref<80x128xi32, #tpu.memory_space<hbm>>) dst(%arg8 : memref<80x128xi32, #tpu.memory_space<vmem>>)
      tpu.yield
    }) : () -> ()
    %barrier3A = arith.constant 0 : index
    tpu.barrier barrier_id(%barrier3A)
    %dma_start3A = arith.constant 0 : i32
    %dma_start3A_5 = arith.constant 0 : i32
    %dma_start3A_6 = tpu.memref_slice %arg7[%dma_start3A, %dma_start3A_5] : memref<80x128xi32, #tpu.memory_space<vmem>> -> memref<1x128xi32, #tpu.memory_space<vmem>>
    %dma_start3A_7 = tpu.memref_squeeze %dma_start3A_6 : memref<1x128xi32, #tpu.memory_space<vmem>> -> memref<128xi32, #tpu.memory_space<vmem>>
    %dma_start3A_8 = arith.constant 0 : i32
    %dma_start3A_9 = arith.constant 0 : i32
    %dma_start3A_10 = tpu.memref_slice %arg4[%dma_start3A_8, %dma_start3A_9] : memref<10000x64xf32, #tpu.memory_space<hbm>> -> memref<10000x64xf32, #tpu.memory_space<hbm>>
    tpu.enqueue_indirect_dma source(%dma_start3A_10 : memref<10000x64xf32, #tpu.memory_space<hbm>>) target(%arg9 : memref<128x64xf32, #tpu.memory_space<vmem>>) offsets(%dma_start3A_7 : memref<128xi32, #tpu.memory_space<vmem>>) semaphore(%arg13 : memref<!tpu.dma_semaphore, #tpu.memory_space<semaphore_mem>>)
    %dma_start3A_11 = arith.constant 1 : i32
    %dma_start3A_12 = arith.constant 0 : i32
    %dma_start3A_13 = tpu.memref_slice %arg7[%dma_start3A_11, %dma_start3A_12] : memref<80x128xi32, #tpu.memory_space<vmem>> -> memref<1x128xi32, #tpu.memory_space<vmem>>
    %dma_start3A_14 = tpu.memref_squeeze %dma_start3A_13 : memref<1x128xi32, #tpu.memory_space<vmem>> -> memref<128xi32, #tpu.memory_space<vmem>>
    %dma_start3A_15 = arith.constant 0 : i32
    %dma_start3A_16 = arith.constant 0 : i32
    %dma_start3A_17 = tpu.memref_slice %arg4[%dma_start3A_15, %dma_start3A_16] : memref<10000x64xf32, #tpu.memory_space<hbm>> -> memref<10000x64xf32, #tpu.memory_space<hbm>>
    tpu.enqueue_indirect_dma source(%dma_start3A_17 : memref<10000x64xf32, #tpu.memory_space<hbm>>) target(%arg10 : memref<128x64xf32, #tpu.memory_space<vmem>>) offsets(%dma_start3A_14 : memref<128xi32, #tpu.memory_space<vmem>>) semaphore(%arg14 : memref<!tpu.dma_semaphore, #tpu.memory_space<semaphore_mem>>)
    %dma_start3A_18 = arith.constant 2 : i32
    %dma_start3A_19 = arith.constant 0 : i32
    %dma_start3A_20 = tpu.memref_slice %arg7[%dma_start3A_18, %dma_start3A_19] : memref<80x128xi32, #tpu.memory_space<vmem>> -> memref<1x128xi32, #tpu.memory_space<vmem>>
    %dma_start3A_21 = tpu.memref_squeeze %dma_start3A_20 : memref<1x128xi32, #tpu.memory_space<vmem>> -> memref<128xi32, #tpu.memory_space<vmem>>
    %dma_start3A_22 = arith.constant 0 : i32
    %dma_start3A_23 = arith.constant 0 : i32
    %dma_start3A_24 = tpu.memref_slice %arg4[%dma_start3A_22, %dma_start3A_23] : memref<10000x64xf32, #tpu.memory_space<hbm>> -> memref<10000x64xf32, #tpu.memory_space<hbm>>
    tpu.enqueue_indirect_dma source(%dma_start3A_24 : memref<10000x64xf32, #tpu.memory_space<hbm>>) target(%arg11 : memref<128x64xf32, #tpu.memory_space<vmem>>) offsets(%dma_start3A_21 : memref<128xi32, #tpu.memory_space<vmem>>) semaphore(%arg15 : memref<!tpu.dma_semaphore, #tpu.memory_space<semaphore_mem>>)
    %dma_start3A_25 = arith.constant 3 : i32
    %dma_start3A_26 = arith.constant 0 : i32
    %dma_start3A_27 = tpu.memref_slice %arg7[%dma_start3A_25, %dma_start3A_26] : memref<80x128xi32, #tpu.memory_space<vmem>> -> memref<1x128xi32, #tpu.memory_space<vmem>>
    %dma_start3A_28 = tpu.memref_squeeze %dma_start3A_27 : memref<1x128xi32, #tpu.memory_space<vmem>> -> memref<128xi32, #tpu.memory_space<vmem>>
    %dma_start3A_29 = arith.constant 0 : i32
    %dma_start3A_30 = arith.constant 0 : i32
    %dma_start3A_31 = tpu.memref_slice %arg4[%dma_start3A_29, %dma_start3A_30] : memref<10000x64xf32, #tpu.memory_space<hbm>> -> memref<10000x64xf32, #tpu.memory_space<hbm>>
    tpu.enqueue_indirect_dma source(%dma_start3A_31 : memref<10000x64xf32, #tpu.memory_space<hbm>>) target(%arg12 : memref<128x64xf32, #tpu.memory_space<vmem>>) offsets(%dma_start3A_28 : memref<128xi32, #tpu.memory_space<vmem>>) semaphore(%arg16 : memref<!tpu.dma_semaphore, #tpu.memory_space<semaphore_mem>>)
    %scan3A = arith.constant 0 : i32
    %scan3A_32 = arith.constant 20 : i32
    %scan3A_33 = arith.addi %scan3A, %scan3A_32 : i32
    %scan3A_34 = arith.constant 1 : i32
    scf.for %scan3A_41 = %scan3A to %scan3A_33 step %scan3A_34  : i32 {
      %mul3A_42 = arith.constant 1 : i32
      %mul3A_43 = arith.muli %scan3A_41, %mul3A_42 : i32
      %add3A_44 = arith.constant 0 : i32
      %add3A_45 = arith.addi %add3A_44, %mul3A_43 : i32
      %mul3A_46 = arith.constant 4 : i32
      %mul3A_47 = arith.muli %mul3A_46, %add3A_45 : i32
      %add3A_48 = arith.constant 0 : i32
      %add3A_49 = arith.addi %mul3A_47, %add3A_48 : i32
      %dma_wait3A = arith.constant 0 : i32
      %dma_wait3A_50 = tpu.memref_slice %arg7[%add3A_49, %dma_wait3A] : memref<80x128xi32, #tpu.memory_space<vmem>> -> memref<1x128xi32, #tpu.memory_space<vmem>>
      %dma_wait3A_51 = tpu.memref_squeeze %dma_wait3A_50 : memref<1x128xi32, #tpu.memory_space<vmem>> -> memref<128xi32, #tpu.memory_space<vmem>>
      %dma_wait3A_52 = arith.constant 0 : i32
      %dma_wait3A_53 = arith.constant 0 : i32
      %dma_wait3A_54 = tpu.memref_slice %arg4[%dma_wait3A_52, %dma_wait3A_53] : memref<10000x64xf32, #tpu.memory_space<hbm>> -> memref<10000x64xf32, #tpu.memory_space<hbm>>
      tpu.wait_indirect_dma semaphore(%arg13 : memref<!tpu.dma_semaphore, #tpu.memory_space<semaphore_mem>>) src(%dma_wait3A_54 : memref<10000x64xf32, #tpu.memory_space<hbm>>) dst(%arg9 : memref<128x64xf32, #tpu.memory_space<vmem>>)
      %add3A_55 = arith.constant 0 : i32
      %add3A_56 = arith.addi %mul3A_47, %add3A_55 : i32
      "tpu.region"() ({
        %run_scoped3A = tpu.sem_alloc : memref<!tpu.dma_semaphore, #tpu.memory_space<semaphore_mem>>
        %dma_start3A_120 = arith.constant 0 : i32
        %dma_start3A_121 = tpu.memref_slice %arg8[%add3A_56, %dma_start3A_120] : memref<80x128xi32, #tpu.memory_space<vmem>> -> memref<1x128xi32, #tpu.memory_space<vmem>>
        %dma_start3A_122 = tpu.memref_squeeze %dma_start3A_121 : memref<1x128xi32, #tpu.memory_space<vmem>> -> memref<128xi32, #tpu.memory_space<vmem>>
        %dma_start3A_123 = arith.constant 0 : i32
        %dma_start3A_124 = arith.constant 0 : i32
        %dma_start3A_125 = tpu.memref_slice %arg17[%dma_start3A_123, %dma_start3A_124] : memref<10112x64xf32, #tpu.memory_space<vmem_shared>> -> memref<10112x64xf32, #tpu.memory_space<vmem_shared>>
        tpu.enqueue_indirect_dma source(%arg9 : memref<128x64xf32, #tpu.memory_space<vmem>>) target(%dma_start3A_125 : memref<10112x64xf32, #tpu.memory_space<vmem_shared>>) offsets(%dma_start3A_122 : memref<128xi32, #tpu.memory_space<vmem>>) semaphore(%run_scoped3A : memref<!tpu.dma_semaphore, #tpu.memory_space<semaphore_mem>>) {add = true}
        %dma_wait3A_126 = arith.constant 0 : i32
        %dma_wait3A_127 = tpu.memref_slice %arg8[%add3A_56, %dma_wait3A_126] : memref<80x128xi32, #tpu.memory_space<vmem>> -> memref<1x128xi32, #tpu.memory_space<vmem>>
        %dma_wait3A_128 = tpu.memref_squeeze %dma_wait3A_127 : memref<1x128xi32, #tpu.memory_space<vmem>> -> memref<128xi32, #tpu.memory_space<vmem>>
        %dma_wait3A_129 = arith.constant 0 : i32
        %dma_wait3A_130 = arith.constant 0 : i32
        %dma_wait3A_131 = tpu.memref_slice %arg17[%dma_wait3A_129, %dma_wait3A_130] : memref<10112x64xf32, #tpu.memory_space<vmem_shared>> -> memref<10112x64xf32, #tpu.memory_space<vmem_shared>>
        tpu.wait_indirect_dma semaphore(%run_scoped3A : memref<!tpu.dma_semaphore, #tpu.memory_space<semaphore_mem>>) src(%arg9 : memref<128x64xf32, #tpu.memory_space<vmem>>) dst(%dma_wait3A_131 : memref<10112x64xf32, #tpu.memory_space<vmem_shared>>)
        tpu.yield
      }) : () -> ()
      %add3A_57 = arith.constant 0 : i32
      %add3A_58 = arith.addi %mul3A_47, %add3A_57 : i32
      %add3A_59 = arith.constant 4 : i32
      %add3A_60 = arith.addi %add3A_58, %add3A_59 : i32
      %lt3A = arith.constant 80 : i32
      %lt3A_61 = arith.cmpi slt, %add3A_60, %lt3A : i32
      %convert_element_type3A = arith.extui %lt3A_61 : i1 to i32
      %cond3A = arith.constant 0 : i32
      %cond3A_62 = arith.cmpi ne, %convert_element_type3A, %cond3A : i32
      scf.if %cond3A_62 {
        %add3A_120 = arith.constant 0 : i32
        %add3A_121 = arith.addi %mul3A_47, %add3A_120 : i32
        %add3A_122 = arith.constant 4 : i32
        %add3A_123 = arith.addi %add3A_121, %add3A_122 : i32
        %dma_start3A_124 = arith.constant 0 : i32
        %dma_start3A_125 = tpu.memref_slice %arg7[%add3A_123, %dma_start3A_124] : memref<80x128xi32, #tpu.memory_space<vmem>> -> memref<1x128xi32, #tpu.memory_space<vmem>>
        %dma_start3A_126 = tpu.memref_squeeze %dma_start3A_125 : memref<1x128xi32, #tpu.memory_space<vmem>> -> memref<128xi32, #tpu.memory_space<vmem>>
        %dma_start3A_127 = arith.constant 0 : i32
        %dma_start3A_128 = arith.constant 0 : i32
        %dma_start3A_129 = tpu.memref_slice %arg4[%dma_start3A_127, %dma_start3A_128] : memref<10000x64xf32, #tpu.memory_space<hbm>> -> memref<10000x64xf32, #tpu.memory_space<hbm>>
        tpu.enqueue_indirect_dma source(%dma_start3A_129 : memref<10000x64xf32, #tpu.memory_space<hbm>>) target(%arg9 : memref<128x64xf32, #tpu.memory_space<vmem>>) offsets(%dma_start3A_126 : memref<128xi32, #tpu.memory_space<vmem>>) semaphore(%arg13 : memref<!tpu.dma_semaphore, #tpu.memory_space<semaphore_mem>>)
      } else {
      }
      %add3A_63 = arith.constant 1 : i32
      %add3A_64 = arith.addi %mul3A_47, %add3A_63 : i32
      %dma_wait3A_65 = arith.constant 0 : i32
      %dma_wait3A_66 = tpu.memref_slice %arg7[%add3A_64, %dma_wait3A_65] : memref<80x128xi32, #tpu.memory_space<vmem>> -> memref<1x128xi32, #tpu.memory_space<vmem>>
      %dma_wait3A_67 = tpu.memref_squeeze %dma_wait3A_66 : memref<1x128xi32, #tpu.memory_space<vmem>> -> memref<128xi32, #tpu.memory_space<vmem>>
      %dma_wait3A_68 = arith.constant 0 : i32
      %dma_wait3A_69 = arith.constant 0 : i32
      %dma_wait3A_70 = tpu.memref_slice %arg4[%dma_wait3A_68, %dma_wait3A_69] : memref<10000x64xf32, #tpu.memory_space<hbm>> -> memref<10000x64xf32, #tpu.memory_space<hbm>>
      tpu.wait_indirect_dma semaphore(%arg14 : memref<!tpu.dma_semaphore, #tpu.memory_space<semaphore_mem>>) src(%dma_wait3A_70 : memref<10000x64xf32, #tpu.memory_space<hbm>>) dst(%arg10 : memref<128x64xf32, #tpu.memory_space<vmem>>)
      %add3A_71 = arith.constant 1 : i32
      %add3A_72 = arith.addi %mul3A_47, %add3A_71 : i32
      "tpu.region"() ({
        %run_scoped3A = tpu.sem_alloc : memref<!tpu.dma_semaphore, #tpu.memory_space<semaphore_mem>>
        %dma_start3A_120 = arith.constant 0 : i32
        %dma_start3A_121 = tpu.memref_slice %arg8[%add3A_72, %dma_start3A_120] : memref<80x128xi32, #tpu.memory_space<vmem>> -> memref<1x128xi32, #tpu.memory_space<vmem>>
        %dma_start3A_122 = tpu.memref_squeeze %dma_start3A_121 : memref<1x128xi32, #tpu.memory_space<vmem>> -> memref<128xi32, #tpu.memory_space<vmem>>
        %dma_start3A_123 = arith.constant 0 : i32
        %dma_start3A_124 = arith.constant 0 : i32
        %dma_start3A_125 = tpu.memref_slice %arg17[%dma_start3A_123, %dma_start3A_124] : memref<10112x64xf32, #tpu.memory_space<vmem_shared>> -> memref<10112x64xf32, #tpu.memory_space<vmem_shared>>
        tpu.enqueue_indirect_dma source(%arg10 : memref<128x64xf32, #tpu.memory_space<vmem>>) target(%dma_start3A_125 : memref<10112x64xf32, #tpu.memory_space<vmem_shared>>) offsets(%dma_start3A_122 : memref<128xi32, #tpu.memory_space<vmem>>) semaphore(%run_scoped3A : memref<!tpu.dma_semaphore, #tpu.memory_space<semaphore_mem>>) {add = true}
        %dma_wait3A_126 = arith.constant 0 : i32
        %dma_wait3A_127 = tpu.memref_slice %arg8[%add3A_72, %dma_wait3A_126] : memref<80x128xi32, #tpu.memory_space<vmem>> -> memref<1x128xi32, #tpu.memory_space<vmem>>
        %dma_wait3A_128 = tpu.memref_squeeze %dma_wait3A_127 : memref<1x128xi32, #tpu.memory_space<vmem>> -> memref<128xi32, #tpu.memory_space<vmem>>
        %dma_wait3A_129 = arith.constant 0 : i32
        %dma_wait3A_130 = arith.constant 0 : i32
        %dma_wait3A_131 = tpu.memref_slice %arg17[%dma_wait3A_129, %dma_wait3A_130] : memref<10112x64xf32, #tpu.memory_space<vmem_shared>> -> memref<10112x64xf32, #tpu.memory_space<vmem_shared>>
        tpu.wait_indirect_dma semaphore(%run_scoped3A : memref<!tpu.dma_semaphore, #tpu.memory_space<semaphore_mem>>) src(%arg10 : memref<128x64xf32, #tpu.memory_space<vmem>>) dst(%dma_wait3A_131 : memref<10112x64xf32, #tpu.memory_space<vmem_shared>>)
        tpu.yield
      }) : () -> ()
      %add3A_73 = arith.constant 1 : i32
      %add3A_74 = arith.addi %mul3A_47, %add3A_73 : i32
      %add3A_75 = arith.constant 4 : i32
      %add3A_76 = arith.addi %add3A_74, %add3A_75 : i32
      %lt3A_77 = arith.constant 80 : i32
      %lt3A_78 = arith.cmpi slt, %add3A_76, %lt3A_77 : i32
      %convert_element_type3A_79 = arith.extui %lt3A_78 : i1 to i32
      %cond3A_80 = arith.constant 0 : i32
      %cond3A_81 = arith.cmpi ne, %convert_element_type3A_79, %cond3A_80 : i32
      scf.if %cond3A_81 {
        %add3A_120 = arith.constant 1 : i32
        %add3A_121 = arith.addi %mul3A_47, %add3A_120 : i32
        %add3A_122 = arith.constant 4 : i32
        %add3A_123 = arith.addi %add3A_121, %add3A_122 : i32
        %dma_start3A_124 = arith.constant 0 : i32
        %dma_start3A_125 = tpu.memref_slice %arg7[%add3A_123, %dma_start3A_124] : memref<80x128xi32, #tpu.memory_space<vmem>> -> memref<1x128xi32, #tpu.memory_space<vmem>>
        %dma_start3A_126 = tpu.memref_squeeze %dma_start3A_125 : memref<1x128xi32, #tpu.memory_space<vmem>> -> memref<128xi32, #tpu.memory_space<vmem>>
        %dma_start3A_127 = arith.constant 0 : i32
        %dma_start3A_128 = arith.constant 0 : i32
        %dma_start3A_129 = tpu.memref_slice %arg4[%dma_start3A_127, %dma_start3A_128] : memref<10000x64xf32, #tpu.memory_space<hbm>> -> memref<10000x64xf32, #tpu.memory_space<hbm>>
        tpu.enqueue_indirect_dma source(%dma_start3A_129 : memref<10000x64xf32, #tpu.memory_space<hbm>>) target(%arg10 : memref<128x64xf32, #tpu.memory_space<vmem>>) offsets(%dma_start3A_126 : memref<128xi32, #tpu.memory_space<vmem>>) semaphore(%arg14 : memref<!tpu.dma_semaphore, #tpu.memory_space<semaphore_mem>>)
      } else {
      }
      %add3A_82 = arith.constant 2 : i32
      %add3A_83 = arith.addi %mul3A_47, %add3A_82 : i32
      %dma_wait3A_84 = arith.constant 0 : i32
      %dma_wait3A_85 = tpu.memref_slice %arg7[%add3A_83, %dma_wait3A_84] : memref<80x128xi32, #tpu.memory_space<vmem>> -> memref<1x128xi32, #tpu.memory_space<vmem>>
      %dma_wait3A_86 = tpu.memref_squeeze %dma_wait3A_85 : memref<1x128xi32, #tpu.memory_space<vmem>> -> memref<128xi32, #tpu.memory_space<vmem>>
      %dma_wait3A_87 = arith.constant 0 : i32
      %dma_wait3A_88 = arith.constant 0 : i32
      %dma_wait3A_89 = tpu.memref_slice %arg4[%dma_wait3A_87, %dma_wait3A_88] : memref<10000x64xf32, #tpu.memory_space<hbm>> -> memref<10000x64xf32, #tpu.memory_space<hbm>>
      tpu.wait_indirect_dma semaphore(%arg15 : memref<!tpu.dma_semaphore, #tpu.memory_space<semaphore_mem>>) src(%dma_wait3A_89 : memref<10000x64xf32, #tpu.memory_space<hbm>>) dst(%arg11 : memref<128x64xf32, #tpu.memory_space<vmem>>)
      %add3A_90 = arith.constant 2 : i32
      %add3A_91 = arith.addi %mul3A_47, %add3A_90 : i32
      "tpu.region"() ({
        %run_scoped3A = tpu.sem_alloc : memref<!tpu.dma_semaphore, #tpu.memory_space<semaphore_mem>>
        %dma_start3A_120 = arith.constant 0 : i32
        %dma_start3A_121 = tpu.memref_slice %arg8[%add3A_91, %dma_start3A_120] : memref<80x128xi32, #tpu.memory_space<vmem>> -> memref<1x128xi32, #tpu.memory_space<vmem>>
        %dma_start3A_122 = tpu.memref_squeeze %dma_start3A_121 : memref<1x128xi32, #tpu.memory_space<vmem>> -> memref<128xi32, #tpu.memory_space<vmem>>
        %dma_start3A_123 = arith.constant 0 : i32
        %dma_start3A_124 = arith.constant 0 : i32
        %dma_start3A_125 = tpu.memref_slice %arg17[%dma_start3A_123, %dma_start3A_124] : memref<10112x64xf32, #tpu.memory_space<vmem_shared>> -> memref<10112x64xf32, #tpu.memory_space<vmem_shared>>
        tpu.enqueue_indirect_dma source(%arg11 : memref<128x64xf32, #tpu.memory_space<vmem>>) target(%dma_start3A_125 : memref<10112x64xf32, #tpu.memory_space<vmem_shared>>) offsets(%dma_start3A_122 : memref<128xi32, #tpu.memory_space<vmem>>) semaphore(%run_scoped3A : memref<!tpu.dma_semaphore, #tpu.memory_space<semaphore_mem>>) {add = true}
        %dma_wait3A_126 = arith.constant 0 : i32
        %dma_wait3A_127 = tpu.memref_slice %arg8[%add3A_91, %dma_wait3A_126] : memref<80x128xi32, #tpu.memory_space<vmem>> -> memref<1x128xi32, #tpu.memory_space<vmem>>
        %dma_wait3A_128 = tpu.memref_squeeze %dma_wait3A_127 : memref<1x128xi32, #tpu.memory_space<vmem>> -> memref<128xi32, #tpu.memory_space<vmem>>
        %dma_wait3A_129 = arith.constant 0 : i32
        %dma_wait3A_130 = arith.constant 0 : i32
        %dma_wait3A_131 = tpu.memref_slice %arg17[%dma_wait3A_129, %dma_wait3A_130] : memref<10112x64xf32, #tpu.memory_space<vmem_shared>> -> memref<10112x64xf32, #tpu.memory_space<vmem_shared>>
        tpu.wait_indirect_dma semaphore(%run_scoped3A : memref<!tpu.dma_semaphore, #tpu.memory_space<semaphore_mem>>) src(%arg11 : memref<128x64xf32, #tpu.memory_space<vmem>>) dst(%dma_wait3A_131 : memref<10112x64xf32, #tpu.memory_space<vmem_shared>>)
        tpu.yield
      }) : () -> ()
      %add3A_92 = arith.constant 2 : i32
      %add3A_93 = arith.addi %mul3A_47, %add3A_92 : i32
      %add3A_94 = arith.constant 4 : i32
      %add3A_95 = arith.addi %add3A_93, %add3A_94 : i32
      %lt3A_96 = arith.constant 80 : i32
      %lt3A_97 = arith.cmpi slt, %add3A_95, %lt3A_96 : i32
      %convert_element_type3A_98 = arith.extui %lt3A_97 : i1 to i32
      %cond3A_99 = arith.constant 0 : i32
      %cond3A_100 = arith.cmpi ne, %convert_element_type3A_98, %cond3A_99 : i32
      scf.if %cond3A_100 {
        %add3A_120 = arith.constant 2 : i32
        %add3A_121 = arith.addi %mul3A_47, %add3A_120 : i32
        %add3A_122 = arith.constant 4 : i32
        %add3A_123 = arith.addi %add3A_121, %add3A_122 : i32
        %dma_start3A_124 = arith.constant 0 : i32
        %dma_start3A_125 = tpu.memref_slice %arg7[%add3A_123, %dma_start3A_124] : memref<80x128xi32, #tpu.memory_space<vmem>> -> memref<1x128xi32, #tpu.memory_space<vmem>>
        %dma_start3A_126 = tpu.memref_squeeze %dma_start3A_125 : memref<1x128xi32, #tpu.memory_space<vmem>> -> memref<128xi32, #tpu.memory_space<vmem>>
        %dma_start3A_127 = arith.constant 0 : i32
        %dma_start3A_128 = arith.constant 0 : i32
        %dma_start3A_129 = tpu.memref_slice %arg4[%dma_start3A_127, %dma_start3A_128] : memref<10000x64xf32, #tpu.memory_space<hbm>> -> memref<10000x64xf32, #tpu.memory_space<hbm>>
        tpu.enqueue_indirect_dma source(%dma_start3A_129 : memref<10000x64xf32, #tpu.memory_space<hbm>>) target(%arg11 : memref<128x64xf32, #tpu.memory_space<vmem>>) offsets(%dma_start3A_126 : memref<128xi32, #tpu.memory_space<vmem>>) semaphore(%arg15 : memref<!tpu.dma_semaphore, #tpu.memory_space<semaphore_mem>>)
      } else {
      }
      %add3A_101 = arith.constant 3 : i32
      %add3A_102 = arith.addi %mul3A_47, %add3A_101 : i32
      %dma_wait3A_103 = arith.constant 0 : i32
      %dma_wait3A_104 = tpu.memref_slice %arg7[%add3A_102, %dma_wait3A_103] : memref<80x128xi32, #tpu.memory_space<vmem>> -> memref<1x128xi32, #tpu.memory_space<vmem>>
      %dma_wait3A_105 = tpu.memref_squeeze %dma_wait3A_104 : memref<1x128xi32, #tpu.memory_space<vmem>> -> memref<128xi32, #tpu.memory_space<vmem>>
      %dma_wait3A_106 = arith.constant 0 : i32
      %dma_wait3A_107 = arith.constant 0 : i32
      %dma_wait3A_108 = tpu.memref_slice %arg4[%dma_wait3A_106, %dma_wait3A_107] : memref<10000x64xf32, #tpu.memory_space<hbm>> -> memref<10000x64xf32, #tpu.memory_space<hbm>>
      tpu.wait_indirect_dma semaphore(%arg16 : memref<!tpu.dma_semaphore, #tpu.memory_space<semaphore_mem>>) src(%dma_wait3A_108 : memref<10000x64xf32, #tpu.memory_space<hbm>>) dst(%arg12 : memref<128x64xf32, #tpu.memory_space<vmem>>)
      %add3A_109 = arith.constant 3 : i32
      %add3A_110 = arith.addi %mul3A_47, %add3A_109 : i32
      "tpu.region"() ({
        %run_scoped3A = tpu.sem_alloc : memref<!tpu.dma_semaphore, #tpu.memory_space<semaphore_mem>>
        %dma_start3A_120 = arith.constant 0 : i32
        %dma_start3A_121 = tpu.memref_slice %arg8[%add3A_110, %dma_start3A_120] : memref<80x128xi32, #tpu.memory_space<vmem>> -> memref<1x128xi32, #tpu.memory_space<vmem>>
        %dma_start3A_122 = tpu.memref_squeeze %dma_start3A_121 : memref<1x128xi32, #tpu.memory_space<vmem>> -> memref<128xi32, #tpu.memory_space<vmem>>
        %dma_start3A_123 = arith.constant 0 : i32
        %dma_start3A_124 = arith.constant 0 : i32
        %dma_start3A_125 = tpu.memref_slice %arg17[%dma_start3A_123, %dma_start3A_124] : memref<10112x64xf32, #tpu.memory_space<vmem_shared>> -> memref<10112x64xf32, #tpu.memory_space<vmem_shared>>
        tpu.enqueue_indirect_dma source(%arg12 : memref<128x64xf32, #tpu.memory_space<vmem>>) target(%dma_start3A_125 : memref<10112x64xf32, #tpu.memory_space<vmem_shared>>) offsets(%dma_start3A_122 : memref<128xi32, #tpu.memory_space<vmem>>) semaphore(%run_scoped3A : memref<!tpu.dma_semaphore, #tpu.memory_space<semaphore_mem>>) {add = true}
        %dma_wait3A_126 = arith.constant 0 : i32
        %dma_wait3A_127 = tpu.memref_slice %arg8[%add3A_110, %dma_wait3A_126] : memref<80x128xi32, #tpu.memory_space<vmem>> -> memref<1x128xi32, #tpu.memory_space<vmem>>
        %dma_wait3A_128 = tpu.memref_squeeze %dma_wait3A_127 : memref<1x128xi32, #tpu.memory_space<vmem>> -> memref<128xi32, #tpu.memory_space<vmem>>
        %dma_wait3A_129 = arith.constant 0 : i32
        %dma_wait3A_130 = arith.constant 0 : i32
        %dma_wait3A_131 = tpu.memref_slice %arg17[%dma_wait3A_129, %dma_wait3A_130] : memref<10112x64xf32, #tpu.memory_space<vmem_shared>> -> memref<10112x64xf32, #tpu.memory_space<vmem_shared>>
        tpu.wait_indirect_dma semaphore(%run_scoped3A : memref<!tpu.dma_semaphore, #tpu.memory_space<semaphore_mem>>) src(%arg12 : memref<128x64xf32, #tpu.memory_space<vmem>>) dst(%dma_wait3A_131 : memref<10112x64xf32, #tpu.memory_space<vmem_shared>>)
        tpu.yield
      }) : () -> ()
      %add3A_111 = arith.constant 3 : i32
      %add3A_112 = arith.addi %mul3A_47, %add3A_111 : i32
      %add3A_113 = arith.constant 4 : i32
      %add3A_114 = arith.addi %add3A_112, %add3A_113 : i32
      %lt3A_115 = arith.constant 80 : i32
      %lt3A_116 = arith.cmpi slt, %add3A_114, %lt3A_115 : i32
      %convert_element_type3A_117 = arith.extui %lt3A_116 : i1 to i32
      %cond3A_118 = arith.constant 0 : i32
      %cond3A_119 = arith.cmpi ne, %convert_element_type3A_117, %cond3A_118 : i32
      scf.if %cond3A_119 {
        %add3A_120 = arith.constant 3 : i32
        %add3A_121 = arith.addi %mul3A_47, %add3A_120 : i32
        %add3A_122 = arith.constant 4 : i32
        %add3A_123 = arith.addi %add3A_121, %add3A_122 : i32
        %dma_start3A_124 = arith.constant 0 : i32
        %dma_start3A_125 = tpu.memref_slice %arg7[%add3A_123, %dma_start3A_124] : memref<80x128xi32, #tpu.memory_space<vmem>> -> memref<1x128xi32, #tpu.memory_space<vmem>>
        %dma_start3A_126 = tpu.memref_squeeze %dma_start3A_125 : memref<1x128xi32, #tpu.memory_space<vmem>> -> memref<128xi32, #tpu.memory_space<vmem>>
        %dma_start3A_127 = arith.constant 0 : i32
        %dma_start3A_128 = arith.constant 0 : i32
        %dma_start3A_129 = tpu.memref_slice %arg4[%dma_start3A_127, %dma_start3A_128] : memref<10000x64xf32, #tpu.memory_space<hbm>> -> memref<10000x64xf32, #tpu.memory_space<hbm>>
        tpu.enqueue_indirect_dma source(%dma_start3A_129 : memref<10000x64xf32, #tpu.memory_space<hbm>>) target(%arg12 : memref<128x64xf32, #tpu.memory_space<vmem>>) offsets(%dma_start3A_126 : memref<128xi32, #tpu.memory_space<vmem>>) semaphore(%arg16 : memref<!tpu.dma_semaphore, #tpu.memory_space<semaphore_mem>>)
      } else {
      }
    }
    %scan3A_35 = arith.constant 20 : i32
    %barrier3A_36 = arith.constant 0 : index
    tpu.barrier barrier_id(%barrier3A_36)
    %mul3A_37 = arith.constant 632 : i32
    %mul3A_38 = arith.muli %arg1, %mul3A_37 : i32
    %mul3A_39 = arith.constant 632 : i32
    %mul3A_40 = arith.muli %arg1, %mul3A_39 : i32
    "tpu.region"() ({
      %run_scoped3A = tpu.sem_alloc : memref<!tpu.dma_semaphore, #tpu.memory_space<semaphore_mem>>
      %dma_start3A_41 = arith.constant 0 : i32
      %dma_start3A_42 = tpu.memref_slice %arg6[%arg0, %mul3A_40, %dma_start3A_41] : memref<2x10112x64xf32, #tpu.memory_space<hbm>> -> memref<1x632x64xf32, #tpu.memory_space<hbm>>
      %dma_start3A_43 = tpu.memref_squeeze %dma_start3A_42 : memref<1x632x64xf32, #tpu.memory_space<hbm>> -> memref<632x64xf32, #tpu.memory_space<hbm>>
      %dma_start3A_44 = arith.constant 0 : i32
      %dma_start3A_45 = tpu.memref_slice %arg17[%mul3A_38, %dma_start3A_44] : memref<10112x64xf32, #tpu.memory_space<vmem_shared>> -> memref<632x64xf32, #tpu.memory_space<vmem_shared>>
      tpu.enqueue_dma source(%dma_start3A_45 : memref<632x64xf32, #tpu.memory_space<vmem_shared>>) target(%dma_start3A_43 : memref<632x64xf32, #tpu.memory_space<hbm>>) target_semaphore(%run_scoped3A : memref<!tpu.dma_semaphore, #tpu.memory_space<semaphore_mem>>)
      %dma_wait3A = arith.constant 0 : i32
      %dma_wait3A_46 = tpu.memref_slice %arg6[%arg0, %mul3A_40, %dma_wait3A] : memref<2x10112x64xf32, #tpu.memory_space<hbm>> -> memref<1x632x64xf32, #tpu.memory_space<hbm>>
      %dma_wait3A_47 = tpu.memref_squeeze %dma_wait3A_46 : memref<1x632x64xf32, #tpu.memory_space<hbm>> -> memref<632x64xf32, #tpu.memory_space<hbm>>
      %dma_wait3A_48 = arith.constant 0 : i32
      %dma_wait3A_49 = tpu.memref_slice %arg17[%mul3A_38, %dma_wait3A_48] : memref<10112x64xf32, #tpu.memory_space<vmem_shared>> -> memref<632x64xf32, #tpu.memory_space<vmem_shared>>
      tpu.wait_dma2 semaphore(%run_scoped3A : memref<!tpu.dma_semaphore, #tpu.memory_space<semaphore_mem>>) src(%dma_wait3A_49 : memref<632x64xf32, #tpu.memory_space<vmem_shared>>) dst(%dma_wait3A_47 : memref<632x64xf32, #tpu.memory_space<hbm>>)
      tpu.yield
    }) : () -> ()
    return
  }
}

#map = affine_map<(d0, d1) -> (0, 0, 0)>
#map1 = affine_map<(d0, d1) -> (0, 0)>
module attributes {stable_mosaic.version = 14 : i64} {
  func.func @body(%arg0: i32, %arg1: i32, %arg2: memref<32x80x128xi32, #tpu.memory_space<hbm>>, %arg3: memref<32x80x128xi32, #tpu.memory_space<hbm>>, %arg4: memref<10000x64xf32, #tpu.memory_space<hbm>>, %arg5: memref<10112x64xf32, #tpu.memory_space<hbm>>, %arg6: memref<2x10112x64xf32, #tpu.memory_space<hbm>>, %arg7: memref<80x128xi32, #tpu.memory_space<vmem>>, %arg8: memref<80x128xi32, #tpu.memory_space<vmem>>, %arg9: memref<128x64xf32, #tpu.memory_space<vmem>>, %arg10: memref<128x64xf32, #tpu.memory_space<vmem>>, %arg11: memref<128x64xf32, #tpu.memory_space<vmem>>, %arg12: memref<128x64xf32, #tpu.memory_space<vmem>>, %arg13: memref<!tpu.dma_semaphore, #tpu.memory_space<semaphore_mem>>, %arg14: memref<!tpu.dma_semaphore, #tpu.memory_space<semaphore_mem>>, %arg15: memref<!tpu.dma_semaphore, #tpu.memory_space<semaphore_mem>>, %arg16: memref<!tpu.dma_semaphore, #tpu.memory_space<semaphore_mem>>, %arg17: memref<10112x64xf32, #tpu.memory_space<vmem_shared>>) attributes {dimension_semantics = [#tpu.dimension_semantics<core_parallel>, #tpu.dimension_semantics<subcore_parallel>], iteration_bounds = array<i64: 2, 16>, scalar_prefetch = 0 : i64, scratch_operands = 11 : i64, tpu.core_type = #tpu.core_type<sc_vector_subcore>, window_params = [{transform_indices = #map}, {transform_indices = #map}, {transform_indices = #map1}, {transform_indices = #map1}, {transform_indices = #map}]} {
    %mul3A = arith.constant 2 : i32
    %mul3A_0 = arith.muli %arg1, %mul3A : i32
    %add3A = arith.addi %mul3A_0, %arg0 : i32
    %mul3A_1 = arith.constant 632 : i32
    %mul3A_2 = arith.muli %arg1, %mul3A_1 : i32
    %mul3A_3 = arith.constant 632 : i32
    %mul3A_4 = arith.muli %arg1, %mul3A_3 : i32
    "tpu.region"() ({
      %run_scoped3A = tpu.sem_alloc : memref<!tpu.dma_semaphore, #tpu.memory_space<semaphore_mem>>
      %dma_start3A_41 = arith.constant 0 : i32
      %dma_start3A_42 = tpu.memref_slice %arg17[%mul3A_4, %dma_start3A_41] : memref<10112x64xf32, #tpu.memory_space<vmem_shared>> -> memref<632x64xf32, #tpu.memory_space<vmem_shared>>
      %dma_start3A_43 = arith.constant 0 : i32
      %dma_start3A_44 = tpu.memref_slice %arg5[%mul3A_2, %dma_start3A_43] : memref<10112x64xf32, #tpu.memory_space<hbm>> -> memref<632x64xf32, #tpu.memory_space<hbm>>
      tpu.enqueue_dma source(%dma_start3A_44 : memref<632x64xf32, #tpu.memory_space<hbm>>) target(%dma_start3A_42 : memref<632x64xf32, #tpu.memory_space<vmem_shared>>) target_semaphore(%run_scoped3A : memref<!tpu.dma_semaphore, #tpu.memory_space<semaphore_mem>>)
      %dma_wait3A = arith.constant 0 : i32
      %dma_wait3A_45 = tpu.memref_slice %arg17[%mul3A_4, %dma_wait3A] : memref<10112x64xf32, #tpu.memory_space<vmem_shared>> -> memref<632x64xf32, #tpu.memory_space<vmem_shared>>
      %dma_wait3A_46 = arith.constant 0 : i32
      %dma_wait3A_47 = tpu.memref_slice %arg5[%mul3A_2, %dma_wait3A_46] : memref<10112x64xf32, #tpu.memory_space<hbm>> -> memref<632x64xf32, #tpu.memory_space<hbm>>
      tpu.wait_dma2 semaphore(%run_scoped3A : memref<!tpu.dma_semaphore, #tpu.memory_space<semaphore_mem>>) src(%dma_wait3A_47 : memref<632x64xf32, #tpu.memory_space<hbm>>) dst(%dma_wait3A_45 : memref<632x64xf32, #tpu.memory_space<vmem_shared>>)
      tpu.yield
    }) : () -> ()
    "tpu.region"() ({
      %run_scoped3A = tpu.sem_alloc : memref<!tpu.dma_semaphore, #tpu.memory_space<semaphore_mem>>
      %dma_start3A_41 = arith.constant 0 : i32
      %dma_start3A_42 = arith.constant 0 : i32
      %dma_start3A_43 = tpu.memref_slice %arg2[%add3A, %dma_start3A_41, %dma_start3A_42] : memref<32x80x128xi32, #tpu.memory_space<hbm>> -> memref<1x80x128xi32, #tpu.memory_space<hbm>>
      %dma_start3A_44 = tpu.memref_squeeze %dma_start3A_43 : memref<1x80x128xi32, #tpu.memory_space<hbm>> -> memref<80x128xi32, #tpu.memory_space<hbm>>
      %dma_start3A_45 = arith.constant 0 : i32
      %dma_start3A_46 = arith.constant 0 : i32
      %dma_start3A_47 = tpu.memref_slice %arg2[%add3A, %dma_start3A_45, %dma_start3A_46] : memref<32x80x128xi32, #tpu.memory_space<hbm>> -> memref<1x80x128xi32, #tpu.memory_space<hbm>>
      %dma_start3A_48 = tpu.memref_squeeze %dma_start3A_47 : memref<1x80x128xi32, #tpu.memory_space<hbm>> -> memref<80x128xi32, #tpu.memory_space<hbm>>
      tpu.enqueue_dma source(%dma_start3A_48 : memref<80x128xi32, #tpu.memory_space<hbm>>) target(%arg7 : memref<80x128xi32, #tpu.memory_space<vmem>>) target_semaphore(%run_scoped3A : memref<!tpu.dma_semaphore, #tpu.memory_space<semaphore_mem>>)
      %dma_wait3A = arith.constant 0 : i32
      %dma_wait3A_49 = arith.constant 0 : i32
      %dma_wait3A_50 = tpu.memref_slice %arg2[%add3A, %dma_wait3A, %dma_wait3A_49] : memref<32x80x128xi32, #tpu.memory_space<hbm>> -> memref<1x80x128xi32, #tpu.memory_space<hbm>>
      %dma_wait3A_51 = tpu.memref_squeeze %dma_wait3A_50 : memref<1x80x128xi32, #tpu.memory_space<hbm>> -> memref<80x128xi32, #tpu.memory_space<hbm>>
      %dma_wait3A_52 = arith.constant 0 : i32
      %dma_wait3A_53 = arith.constant 0 : i32
      %dma_wait3A_54 = tpu.memref_slice %arg2[%add3A, %dma_wait3A_52, %dma_wait3A_53] : memref<32x80x128xi32, #tpu.memory_space<hbm>> -> memref<1x80x128xi32, #tpu.memory_space<hbm>>
      %dma_wait3A_55 = tpu.memref_squeeze %dma_wait3A_54 : memref<1x80x128xi32, #tpu.memory_space<hbm>> -> memref<80x128xi32, #tpu.memory_space<hbm>>
      tpu.wait_dma2 semaphore(%run_scoped3A : memref<!tpu.dma_semaphore, #tpu.memory_space<semaphore_mem>>) src(%dma_wait3A_55 : memref<80x128xi32, #tpu.memory_space<hbm>>) dst(%arg7 : memref<80x128xi32, #tpu.memory_space<vmem>>)
      tpu.yield
    }) : () -> ()
    "tpu.region"() ({
      %run_scoped3A = tpu.sem_alloc : memref<!tpu.dma_semaphore, #tpu.memory_space<semaphore_mem>>
      %dma_start3A_41 = arith.constant 0 : i32
      %dma_start3A_42 = arith.constant 0 : i32
      %dma_start3A_43 = tpu.memref_slice %arg3[%add3A, %dma_start3A_41, %dma_start3A_42] : memref<32x80x128xi32, #tpu.memory_space<hbm>> -> memref<1x80x128xi32, #tpu.memory_space<hbm>>
      %dma_start3A_44 = tpu.memref_squeeze %dma_start3A_43 : memref<1x80x128xi32, #tpu.memory_space<hbm>> -> memref<80x128xi32, #tpu.memory_space<hbm>>
      %dma_start3A_45 = arith.constant 0 : i32
      %dma_start3A_46 = arith.constant 0 : i32
      %dma_start3A_47 = tpu.memref_slice %arg3[%add3A, %dma_start3A_45, %dma_start3A_46] : memref<32x80x128xi32, #tpu.memory_space<hbm>> -> memref<1x80x128xi32, #tpu.memory_space<hbm>>
      %dma_start3A_48 = tpu.memref_squeeze %dma_start3A_47 : memref<1x80x128xi32, #tpu.memory_space<hbm>> -> memref<80x128xi32, #tpu.memory_space<hbm>>
      tpu.enqueue_dma source(%dma_start3A_48 : memref<80x128xi32, #tpu.memory_space<hbm>>) target(%arg8 : memref<80x128xi32, #tpu.memory_space<vmem>>) target_semaphore(%run_scoped3A : memref<!tpu.dma_semaphore, #tpu.memory_space<semaphore_mem>>)
      %dma_wait3A = arith.constant 0 : i32
      %dma_wait3A_49 = arith.constant 0 : i32
      %dma_wait3A_50 = tpu.memref_slice %arg3[%add3A, %dma_wait3A, %dma_wait3A_49] : memref<32x80x128xi32, #tpu.memory_space<hbm>> -> memref<1x80x128xi32, #tpu.memory_space<hbm>>
      %dma_wait3A_51 = tpu.memref_squeeze %dma_wait3A_50 : memref<1x80x128xi32, #tpu.memory_space<hbm>> -> memref<80x128xi32, #tpu.memory_space<hbm>>
      %dma_wait3A_52 = arith.constant 0 : i32
      %dma_wait3A_53 = arith.constant 0 : i32
      %dma_wait3A_54 = tpu.memref_slice %arg3[%add3A, %dma_wait3A_52, %dma_wait3A_53] : memref<32x80x128xi32, #tpu.memory_space<hbm>> -> memref<1x80x128xi32, #tpu.memory_space<hbm>>
      %dma_wait3A_55 = tpu.memref_squeeze %dma_wait3A_54 : memref<1x80x128xi32, #tpu.memory_space<hbm>> -> memref<80x128xi32, #tpu.memory_space<hbm>>
      tpu.wait_dma2 semaphore(%run_scoped3A : memref<!tpu.dma_semaphore, #tpu.memory_space<semaphore_mem>>) src(%dma_wait3A_55 : memref<80x128xi32, #tpu.memory_space<hbm>>) dst(%arg8 : memref<80x128xi32, #tpu.memory_space<vmem>>)
      tpu.yield
    }) : () -> ()
    %barrier3A = arith.constant 0 : index
    tpu.barrier barrier_id(%barrier3A)
    %dma_start3A = arith.constant 0 : i32
    %dma_start3A_5 = arith.constant 0 : i32
    %dma_start3A_6 = tpu.memref_slice %arg7[%dma_start3A, %dma_start3A_5] : memref<80x128xi32, #tpu.memory_space<vmem>> -> memref<1x128xi32, #tpu.memory_space<vmem>>
    %dma_start3A_7 = tpu.memref_squeeze %dma_start3A_6 : memref<1x128xi32, #tpu.memory_space<vmem>> -> memref<128xi32, #tpu.memory_space<vmem>>
    %dma_start3A_8 = arith.constant 0 : i32
    %dma_start3A_9 = arith.constant 0 : i32
    %dma_start3A_10 = tpu.memref_slice %arg4[%dma_start3A_8, %dma_start3A_9] : memref<10000x64xf32, #tpu.memory_space<hbm>> -> memref<10000x64xf32, #tpu.memory_space<hbm>>
    tpu.enqueue_indirect_dma source(%dma_start3A_10 : memref<10000x64xf32, #tpu.memory_space<hbm>>) target(%arg9 : memref<128x64xf32, #tpu.memory_space<vmem>>) offsets(%dma_start3A_7 : memref<128xi32, #tpu.memory_space<vmem>>) semaphore(%arg13 : memref<!tpu.dma_semaphore, #tpu.memory_space<semaphore_mem>>)
    %dma_start3A_11 = arith.constant 1 : i32
    %dma_start3A_12 = arith.constant 0 : i32
    %dma_start3A_13 = tpu.memref_slice %arg7[%dma_start3A_11, %dma_start3A_12] : memref<80x128xi32, #tpu.memory_space<vmem>> -> memref<1x128xi32, #tpu.memory_space<vmem>>
    %dma_start3A_14 = tpu.memref_squeeze %dma_start3A_13 : memref<1x128xi32, #tpu.memory_space<vmem>> -> memref<128xi32, #tpu.memory_space<vmem>>
    %dma_start3A_15 = arith.constant 0 : i32
    %dma_start3A_16 = arith.constant 0 : i32
    %dma_start3A_17 = tpu.memref_slice %arg4[%dma_start3A_15, %dma_start3A_16] : memref<10000x64xf32, #tpu.memory_space<hbm>> -> memref<10000x64xf32, #tpu.memory_space<hbm>>
    tpu.enqueue_indirect_dma source(%dma_start3A_17 : memref<10000x64xf32, #tpu.memory_space<hbm>>) target(%arg10 : memref<128x64xf32, #tpu.memory_space<vmem>>) offsets(%dma_start3A_14 : memref<128xi32, #tpu.memory_space<vmem>>) semaphore(%arg14 : memref<!tpu.dma_semaphore, #tpu.memory_space<semaphore_mem>>)
    %dma_start3A_18 = arith.constant 2 : i32
    %dma_start3A_19 = arith.constant 0 : i32
    %dma_start3A_20 = tpu.memref_slice %arg7[%dma_start3A_18, %dma_start3A_19] : memref<80x128xi32, #tpu.memory_space<vmem>> -> memref<1x128xi32, #tpu.memory_space<vmem>>
    %dma_start3A_21 = tpu.memref_squeeze %dma_start3A_20 : memref<1x128xi32, #tpu.memory_space<vmem>> -> memref<128xi32, #tpu.memory_space<vmem>>
    %dma_start3A_22 = arith.constant 0 : i32
    %dma_start3A_23 = arith.constant 0 : i32
    %dma_start3A_24 = tpu.memref_slice %arg4[%dma_start3A_22, %dma_start3A_23] : memref<10000x64xf32, #tpu.memory_space<hbm>> -> memref<10000x64xf32, #tpu.memory_space<hbm>>
    tpu.enqueue_indirect_dma source(%dma_start3A_24 : memref<10000x64xf32, #tpu.memory_space<hbm>>) target(%arg11 : memref<128x64xf32, #tpu.memory_space<vmem>>) offsets(%dma_start3A_21 : memref<128xi32, #tpu.memory_space<vmem>>) semaphore(%arg15 : memref<!tpu.dma_semaphore, #tpu.memory_space<semaphore_mem>>)
    %dma_start3A_25 = arith.constant 3 : i32
    %dma_start3A_26 = arith.constant 0 : i32
    %dma_start3A_27 = tpu.memref_slice %arg7[%dma_start3A_25, %dma_start3A_26] : memref<80x128xi32, #tpu.memory_space<vmem>> -> memref<1x128xi32, #tpu.memory_space<vmem>>
    %dma_start3A_28 = tpu.memref_squeeze %dma_start3A_27 : memref<1x128xi32, #tpu.memory_space<vmem>> -> memref<128xi32, #tpu.memory_space<vmem>>
    %dma_start3A_29 = arith.constant 0 : i32
    %dma_start3A_30 = arith.constant 0 : i32
    %dma_start3A_31 = tpu.memref_slice %arg4[%dma_start3A_29, %dma_start3A_30] : memref<10000x64xf32, #tpu.memory_space<hbm>> -> memref<10000x64xf32, #tpu.memory_space<hbm>>
    tpu.enqueue_indirect_dma source(%dma_start3A_31 : memref<10000x64xf32, #tpu.memory_space<hbm>>) target(%arg12 : memref<128x64xf32, #tpu.memory_space<vmem>>) offsets(%dma_start3A_28 : memref<128xi32, #tpu.memory_space<vmem>>) semaphore(%arg16 : memref<!tpu.dma_semaphore, #tpu.memory_space<semaphore_mem>>)
    %scan3A = arith.constant 0 : i32
    %scan3A_32 = arith.constant 20 : i32
    %scan3A_33 = arith.addi %scan3A, %scan3A_32 : i32
    %scan3A_34 = arith.constant 1 : i32
    scf.for %scan3A_41 = %scan3A to %scan3A_33 step %scan3A_34  : i32 {
      %mul3A_42 = arith.constant 1 : i32
      %mul3A_43 = arith.muli %scan3A_41, %mul3A_42 : i32
      %add3A_44 = arith.constant 0 : i32
      %add3A_45 = arith.addi %add3A_44, %mul3A_43 : i32
      %mul3A_46 = arith.constant 4 : i32
      %mul3A_47 = arith.muli %mul3A_46, %add3A_45 : i32
      %add3A_48 = arith.constant 0 : i32
      %add3A_49 = arith.addi %mul3A_47, %add3A_48 : i32
      %dma_wait3A = arith.constant 0 : i32
      %dma_wait3A_50 = tpu.memref_slice %arg7[%add3A_49, %dma_wait3A] : memref<80x128xi32, #tpu.memory_space<vmem>> -> memref<1x128xi32, #tpu.memory_space<vmem>>
      %dma_wait3A_51 = tpu.memref_squeeze %dma_wait3A_50 : memref<1x128xi32, #tpu.memory_space<vmem>> -> memref<128xi32, #tpu.memory_space<vmem>>
      %dma_wait3A_52 = arith.constant 0 : i32
      %dma_wait3A_53 = arith.constant 0 : i32
      %dma_wait3A_54 = tpu.memref_slice %arg4[%dma_wait3A_52, %dma_wait3A_53] : memref<10000x64xf32, #tpu.memory_space<hbm>> -> memref<10000x64xf32, #tpu.memory_space<hbm>>
      tpu.wait_indirect_dma semaphore(%arg13 : memref<!tpu.dma_semaphore, #tpu.memory_space<semaphore_mem>>) src(%dma_wait3A_54 : memref<10000x64xf32, #tpu.memory_space<hbm>>) dst(%arg9 : memref<128x64xf32, #tpu.memory_space<vmem>>)
      %add3A_55 = arith.constant 0 : i32
      %add3A_56 = arith.addi %mul3A_47, %add3A_55 : i32
      "tpu.region"() ({
        %run_scoped3A = tpu.sem_alloc : memref<!tpu.dma_semaphore, #tpu.memory_space<semaphore_mem>>
        %dma_start3A_120 = arith.constant 0 : i32
        %dma_start3A_121 = tpu.memref_slice %arg8[%add3A_56, %dma_start3A_120] : memref<80x128xi32, #tpu.memory_space<vmem>> -> memref<1x128xi32, #tpu.memory_space<vmem>>
        %dma_start3A_122 = tpu.memref_squeeze %dma_start3A_121 : memref<1x128xi32, #tpu.memory_space<vmem>> -> memref<128xi32, #tpu.memory_space<vmem>>
        %dma_start3A_123 = arith.constant 0 : i32
        %dma_start3A_124 = arith.constant 0 : i32
        %dma_start3A_125 = tpu.memref_slice %arg17[%dma_start3A_123, %dma_start3A_124] : memref<10112x64xf32, #tpu.memory_space<vmem_shared>> -> memref<10112x64xf32, #tpu.memory_space<vmem_shared>>
        tpu.enqueue_indirect_dma source(%arg9 : memref<128x64xf32, #tpu.memory_space<vmem>>) target(%dma_start3A_125 : memref<10112x64xf32, #tpu.memory_space<vmem_shared>>) offsets(%dma_start3A_122 : memref<128xi32, #tpu.memory_space<vmem>>) semaphore(%run_scoped3A : memref<!tpu.dma_semaphore, #tpu.memory_space<semaphore_mem>>) {add = true}
        %dma_wait3A_126 = arith.constant 0 : i32
        %dma_wait3A_127 = tpu.memref_slice %arg8[%add3A_56, %dma_wait3A_126] : memref<80x128xi32, #tpu.memory_space<vmem>> -> memref<1x128xi32, #tpu.memory_space<vmem>>
        %dma_wait3A_128 = tpu.memref_squeeze %dma_wait3A_127 : memref<1x128xi32, #tpu.memory_space<vmem>> -> memref<128xi32, #tpu.memory_space<vmem>>
        %dma_wait3A_129 = arith.constant 0 : i32
        %dma_wait3A_130 = arith.constant 0 : i32
        %dma_wait3A_131 = tpu.memref_slice %arg17[%dma_wait3A_129, %dma_wait3A_130] : memref<10112x64xf32, #tpu.memory_space<vmem_shared>> -> memref<10112x64xf32, #tpu.memory_space<vmem_shared>>
        tpu.wait_indirect_dma semaphore(%run_scoped3A : memref<!tpu.dma_semaphore, #tpu.memory_space<semaphore_mem>>) src(%arg9 : memref<128x64xf32, #tpu.memory_space<vmem>>) dst(%dma_wait3A_131 : memref<10112x64xf32, #tpu.memory_space<vmem_shared>>)
        tpu.yield
      }) : () -> ()
      %add3A_57 = arith.constant 0 : i32
      %add3A_58 = arith.addi %mul3A_47, %add3A_57 : i32
      %add3A_59 = arith.constant 4 : i32
      %add3A_60 = arith.addi %add3A_58, %add3A_59 : i32
      %lt3A = arith.constant 80 : i32
      %lt3A_61 = arith.cmpi slt, %add3A_60, %lt3A : i32
      %convert_element_type3A = arith.extui %lt3A_61 : i1 to i32
      %cond3A = arith.constant 0 : i32
      %cond3A_62 = arith.cmpi ne, %convert_element_type3A, %cond3A : i32
      scf.if %cond3A_62 {
        %add3A_120 = arith.constant 0 : i32
        %add3A_121 = arith.addi %mul3A_47, %add3A_120 : i32
        %add3A_122 = arith.constant 4 : i32
        %add3A_123 = arith.addi %add3A_121, %add3A_122 : i32
        %dma_start3A_124 = arith.constant 0 : i32
        %dma_start3A_125 = tpu.memref_slice %arg7[%add3A_123, %dma_start3A_124] : memref<80x128xi32, #tpu.memory_space<vmem>> -> memref<1x128xi32, #tpu.memory_space<vmem>>
        %dma_start3A_126 = tpu.memref_squeeze %dma_start3A_125 : memref<1x128xi32, #tpu.memory_space<vmem>> -> memref<128xi32, #tpu.memory_space<vmem>>
        %dma_start3A_127 = arith.constant 0 : i32
        %dma_start3A_128 = arith.constant 0 : i32
        %dma_start3A_129 = tpu.memref_slice %arg4[%dma_start3A_127, %dma_start3A_128] : memref<10000x64xf32, #tpu.memory_space<hbm>> -> memref<10000x64xf32, #tpu.memory_space<hbm>>
        tpu.enqueue_indirect_dma source(%dma_start3A_129 : memref<10000x64xf32, #tpu.memory_space<hbm>>) target(%arg9 : memref<128x64xf32, #tpu.memory_space<vmem>>) offsets(%dma_start3A_126 : memref<128xi32, #tpu.memory_space<vmem>>) semaphore(%arg13 : memref<!tpu.dma_semaphore, #tpu.memory_space<semaphore_mem>>)
      } else {
      }
      %add3A_63 = arith.constant 1 : i32
      %add3A_64 = arith.addi %mul3A_47, %add3A_63 : i32
      %dma_wait3A_65 = arith.constant 0 : i32
      %dma_wait3A_66 = tpu.memref_slice %arg7[%add3A_64, %dma_wait3A_65] : memref<80x128xi32, #tpu.memory_space<vmem>> -> memref<1x128xi32, #tpu.memory_space<vmem>>
      %dma_wait3A_67 = tpu.memref_squeeze %dma_wait3A_66 : memref<1x128xi32, #tpu.memory_space<vmem>> -> memref<128xi32, #tpu.memory_space<vmem>>
      %dma_wait3A_68 = arith.constant 0 : i32
      %dma_wait3A_69 = arith.constant 0 : i32
      %dma_wait3A_70 = tpu.memref_slice %arg4[%dma_wait3A_68, %dma_wait3A_69] : memref<10000x64xf32, #tpu.memory_space<hbm>> -> memref<10000x64xf32, #tpu.memory_space<hbm>>
      tpu.wait_indirect_dma semaphore(%arg14 : memref<!tpu.dma_semaphore, #tpu.memory_space<semaphore_mem>>) src(%dma_wait3A_70 : memref<10000x64xf32, #tpu.memory_space<hbm>>) dst(%arg10 : memref<128x64xf32, #tpu.memory_space<vmem>>)
      %add3A_71 = arith.constant 1 : i32
      %add3A_72 = arith.addi %mul3A_47, %add3A_71 : i32
      "tpu.region"() ({
        %run_scoped3A = tpu.sem_alloc : memref<!tpu.dma_semaphore, #tpu.memory_space<semaphore_mem>>
        %dma_start3A_120 = arith.constant 0 : i32
        %dma_start3A_121 = tpu.memref_slice %arg8[%add3A_72, %dma_start3A_120] : memref<80x128xi32, #tpu.memory_space<vmem>> -> memref<1x128xi32, #tpu.memory_space<vmem>>
        %dma_start3A_122 = tpu.memref_squeeze %dma_start3A_121 : memref<1x128xi32, #tpu.memory_space<vmem>> -> memref<128xi32, #tpu.memory_space<vmem>>
        %dma_start3A_123 = arith.constant 0 : i32
        %dma_start3A_124 = arith.constant 0 : i32
        %dma_start3A_125 = tpu.memref_slice %arg17[%dma_start3A_123, %dma_start3A_124] : memref<10112x64xf32, #tpu.memory_space<vmem_shared>> -> memref<10112x64xf32, #tpu.memory_space<vmem_shared>>
        tpu.enqueue_indirect_dma source(%arg10 : memref<128x64xf32, #tpu.memory_space<vmem>>) target(%dma_start3A_125 : memref<10112x64xf32, #tpu.memory_space<vmem_shared>>) offsets(%dma_start3A_122 : memref<128xi32, #tpu.memory_space<vmem>>) semaphore(%run_scoped3A : memref<!tpu.dma_semaphore, #tpu.memory_space<semaphore_mem>>) {add = true}
        %dma_wait3A_126 = arith.constant 0 : i32
        %dma_wait3A_127 = tpu.memref_slice %arg8[%add3A_72, %dma_wait3A_126] : memref<80x128xi32, #tpu.memory_space<vmem>> -> memref<1x128xi32, #tpu.memory_space<vmem>>
        %dma_wait3A_128 = tpu.memref_squeeze %dma_wait3A_127 : memref<1x128xi32, #tpu.memory_space<vmem>> -> memref<128xi32, #tpu.memory_space<vmem>>
        %dma_wait3A_129 = arith.constant 0 : i32
        %dma_wait3A_130 = arith.constant 0 : i32
        %dma_wait3A_131 = tpu.memref_slice %arg17[%dma_wait3A_129, %dma_wait3A_130] : memref<10112x64xf32, #tpu.memory_space<vmem_shared>> -> memref<10112x64xf32, #tpu.memory_space<vmem_shared>>
        tpu.wait_indirect_dma semaphore(%run_scoped3A : memref<!tpu.dma_semaphore, #tpu.memory_space<semaphore_mem>>) src(%arg10 : memref<128x64xf32, #tpu.memory_space<vmem>>) dst(%dma_wait3A_131 : memref<10112x64xf32, #tpu.memory_space<vmem_shared>>)
        tpu.yield
      }) : () -> ()
      %add3A_73 = arith.constant 1 : i32
      %add3A_74 = arith.addi %mul3A_47, %add3A_73 : i32
      %add3A_75 = arith.constant 4 : i32
      %add3A_76 = arith.addi %add3A_74, %add3A_75 : i32
      %lt3A_77 = arith.constant 80 : i32
      %lt3A_78 = arith.cmpi slt, %add3A_76, %lt3A_77 : i32
      %convert_element_type3A_79 = arith.extui %lt3A_78 : i1 to i32
      %cond3A_80 = arith.constant 0 : i32
      %cond3A_81 = arith.cmpi ne, %convert_element_type3A_79, %cond3A_80 : i32
      scf.if %cond3A_81 {
        %add3A_120 = arith.constant 1 : i32
        %add3A_121 = arith.addi %mul3A_47, %add3A_120 : i32
        %add3A_122 = arith.constant 4 : i32
        %add3A_123 = arith.addi %add3A_121, %add3A_122 : i32
        %dma_start3A_124 = arith.constant 0 : i32
        %dma_start3A_125 = tpu.memref_slice %arg7[%add3A_123, %dma_start3A_124] : memref<80x128xi32, #tpu.memory_space<vmem>> -> memref<1x128xi32, #tpu.memory_space<vmem>>
        %dma_start3A_126 = tpu.memref_squeeze %dma_start3A_125 : memref<1x128xi32, #tpu.memory_space<vmem>> -> memref<128xi32, #tpu.memory_space<vmem>>
        %dma_start3A_127 = arith.constant 0 : i32
        %dma_start3A_128 = arith.constant 0 : i32
        %dma_start3A_129 = tpu.memref_slice %arg4[%dma_start3A_127, %dma_start3A_128] : memref<10000x64xf32, #tpu.memory_space<hbm>> -> memref<10000x64xf32, #tpu.memory_space<hbm>>
        tpu.enqueue_indirect_dma source(%dma_start3A_129 : memref<10000x64xf32, #tpu.memory_space<hbm>>) target(%arg10 : memref<128x64xf32, #tpu.memory_space<vmem>>) offsets(%dma_start3A_126 : memref<128xi32, #tpu.memory_space<vmem>>) semaphore(%arg14 : memref<!tpu.dma_semaphore, #tpu.memory_space<semaphore_mem>>)
      } else {
      }
      %add3A_82 = arith.constant 2 : i32
      %add3A_83 = arith.addi %mul3A_47, %add3A_82 : i32
      %dma_wait3A_84 = arith.constant 0 : i32
      %dma_wait3A_85 = tpu.memref_slice %arg7[%add3A_83, %dma_wait3A_84] : memref<80x128xi32, #tpu.memory_space<vmem>> -> memref<1x128xi32, #tpu.memory_space<vmem>>
      %dma_wait3A_86 = tpu.memref_squeeze %dma_wait3A_85 : memref<1x128xi32, #tpu.memory_space<vmem>> -> memref<128xi32, #tpu.memory_space<vmem>>
      %dma_wait3A_87 = arith.constant 0 : i32
      %dma_wait3A_88 = arith.constant 0 : i32
      %dma_wait3A_89 = tpu.memref_slice %arg4[%dma_wait3A_87, %dma_wait3A_88] : memref<10000x64xf32, #tpu.memory_space<hbm>> -> memref<10000x64xf32, #tpu.memory_space<hbm>>
      tpu.wait_indirect_dma semaphore(%arg15 : memref<!tpu.dma_semaphore, #tpu.memory_space<semaphore_mem>>) src(%dma_wait3A_89 : memref<10000x64xf32, #tpu.memory_space<hbm>>) dst(%arg11 : memref<128x64xf32, #tpu.memory_space<vmem>>)
      %add3A_90 = arith.constant 2 : i32
      %add3A_91 = arith.addi %mul3A_47, %add3A_90 : i32
      "tpu.region"() ({
        %run_scoped3A = tpu.sem_alloc : memref<!tpu.dma_semaphore, #tpu.memory_space<semaphore_mem>>
        %dma_start3A_120 = arith.constant 0 : i32
        %dma_start3A_121 = tpu.memref_slice %arg8[%add3A_91, %dma_start3A_120] : memref<80x128xi32, #tpu.memory_space<vmem>> -> memref<1x128xi32, #tpu.memory_space<vmem>>
        %dma_start3A_122 = tpu.memref_squeeze %dma_start3A_121 : memref<1x128xi32, #tpu.memory_space<vmem>> -> memref<128xi32, #tpu.memory_space<vmem>>
        %dma_start3A_123 = arith.constant 0 : i32
        %dma_start3A_124 = arith.constant 0 : i32
        %dma_start3A_125 = tpu.memref_slice %arg17[%dma_start3A_123, %dma_start3A_124] : memref<10112x64xf32, #tpu.memory_space<vmem_shared>> -> memref<10112x64xf32, #tpu.memory_space<vmem_shared>>
        tpu.enqueue_indirect_dma source(%arg11 : memref<128x64xf32, #tpu.memory_space<vmem>>) target(%dma_start3A_125 : memref<10112x64xf32, #tpu.memory_space<vmem_shared>>) offsets(%dma_start3A_122 : memref<128xi32, #tpu.memory_space<vmem>>) semaphore(%run_scoped3A : memref<!tpu.dma_semaphore, #tpu.memory_space<semaphore_mem>>) {add = true}
        %dma_wait3A_126 = arith.constant 0 : i32
        %dma_wait3A_127 = tpu.memref_slice %arg8[%add3A_91, %dma_wait3A_126] : memref<80x128xi32, #tpu.memory_space<vmem>> -> memref<1x128xi32, #tpu.memory_space<vmem>>
        %dma_wait3A_128 = tpu.memref_squeeze %dma_wait3A_127 : memref<1x128xi32, #tpu.memory_space<vmem>> -> memref<128xi32, #tpu.memory_space<vmem>>
        %dma_wait3A_129 = arith.constant 0 : i32
        %dma_wait3A_130 = arith.constant 0 : i32
        %dma_wait3A_131 = tpu.memref_slice %arg17[%dma_wait3A_129, %dma_wait3A_130] : memref<10112x64xf32, #tpu.memory_space<vmem_shared>> -> memref<10112x64xf32, #tpu.memory_space<vmem_shared>>
        tpu.wait_indirect_dma semaphore(%run_scoped3A : memref<!tpu.dma_semaphore, #tpu.memory_space<semaphore_mem>>) src(%arg11 : memref<128x64xf32, #tpu.memory_space<vmem>>) dst(%dma_wait3A_131 : memref<10112x64xf32, #tpu.memory_space<vmem_shared>>)
        tpu.yield
      }) : () -> ()
      %add3A_92 = arith.constant 2 : i32
      %add3A_93 = arith.addi %mul3A_47, %add3A_92 : i32
      %add3A_94 = arith.constant 4 : i32
      %add3A_95 = arith.addi %add3A_93, %add3A_94 : i32
      %lt3A_96 = arith.constant 80 : i32
      %lt3A_97 = arith.cmpi slt, %add3A_95, %lt3A_96 : i32
      %convert_element_type3A_98 = arith.extui %lt3A_97 : i1 to i32
      %cond3A_99 = arith.constant 0 : i32
      %cond3A_100 = arith.cmpi ne, %convert_element_type3A_98, %cond3A_99 : i32
      scf.if %cond3A_100 {
        %add3A_120 = arith.constant 2 : i32
        %add3A_121 = arith.addi %mul3A_47, %add3A_120 : i32
        %add3A_122 = arith.constant 4 : i32
        %add3A_123 = arith.addi %add3A_121, %add3A_122 : i32
        %dma_start3A_124 = arith.constant 0 : i32
        %dma_start3A_125 = tpu.memref_slice %arg7[%add3A_123, %dma_start3A_124] : memref<80x128xi32, #tpu.memory_space<vmem>> -> memref<1x128xi32, #tpu.memory_space<vmem>>
        %dma_start3A_126 = tpu.memref_squeeze %dma_start3A_125 : memref<1x128xi32, #tpu.memory_space<vmem>> -> memref<128xi32, #tpu.memory_space<vmem>>
        %dma_start3A_127 = arith.constant 0 : i32
        %dma_start3A_128 = arith.constant 0 : i32
        %dma_start3A_129 = tpu.memref_slice %arg4[%dma_start3A_127, %dma_start3A_128] : memref<10000x64xf32, #tpu.memory_space<hbm>> -> memref<10000x64xf32, #tpu.memory_space<hbm>>
        tpu.enqueue_indirect_dma source(%dma_start3A_129 : memref<10000x64xf32, #tpu.memory_space<hbm>>) target(%arg11 : memref<128x64xf32, #tpu.memory_space<vmem>>) offsets(%dma_start3A_126 : memref<128xi32, #tpu.memory_space<vmem>>) semaphore(%arg15 : memref<!tpu.dma_semaphore, #tpu.memory_space<semaphore_mem>>)
      } else {
      }
      %add3A_101 = arith.constant 3 : i32
      %add3A_102 = arith.addi %mul3A_47, %add3A_101 : i32
      %dma_wait3A_103 = arith.constant 0 : i32
      %dma_wait3A_104 = tpu.memref_slice %arg7[%add3A_102, %dma_wait3A_103] : memref<80x128xi32, #tpu.memory_space<vmem>> -> memref<1x128xi32, #tpu.memory_space<vmem>>
      %dma_wait3A_105 = tpu.memref_squeeze %dma_wait3A_104 : memref<1x128xi32, #tpu.memory_space<vmem>> -> memref<128xi32, #tpu.memory_space<vmem>>
      %dma_wait3A_106 = arith.constant 0 : i32
      %dma_wait3A_107 = arith.constant 0 : i32
      %dma_wait3A_108 = tpu.memref_slice %arg4[%dma_wait3A_106, %dma_wait3A_107] : memref<10000x64xf32, #tpu.memory_space<hbm>> -> memref<10000x64xf32, #tpu.memory_space<hbm>>
      tpu.wait_indirect_dma semaphore(%arg16 : memref<!tpu.dma_semaphore, #tpu.memory_space<semaphore_mem>>) src(%dma_wait3A_108 : memref<10000x64xf32, #tpu.memory_space<hbm>>) dst(%arg12 : memref<128x64xf32, #tpu.memory_space<vmem>>)
      %add3A_109 = arith.constant 3 : i32
      %add3A_110 = arith.addi %mul3A_47, %add3A_109 : i32
      "tpu.region"() ({
        %run_scoped3A = tpu.sem_alloc : memref<!tpu.dma_semaphore, #tpu.memory_space<semaphore_mem>>
        %dma_start3A_120 = arith.constant 0 : i32
        %dma_start3A_121 = tpu.memref_slice %arg8[%add3A_110, %dma_start3A_120] : memref<80x128xi32, #tpu.memory_space<vmem>> -> memref<1x128xi32, #tpu.memory_space<vmem>>
        %dma_start3A_122 = tpu.memref_squeeze %dma_start3A_121 : memref<1x128xi32, #tpu.memory_space<vmem>> -> memref<128xi32, #tpu.memory_space<vmem>>
        %dma_start3A_123 = arith.constant 0 : i32
        %dma_start3A_124 = arith.constant 0 : i32
        %dma_start3A_125 = tpu.memref_slice %arg17[%dma_start3A_123, %dma_start3A_124] : memref<10112x64xf32, #tpu.memory_space<vmem_shared>> -> memref<10112x64xf32, #tpu.memory_space<vmem_shared>>
        tpu.enqueue_indirect_dma source(%arg12 : memref<128x64xf32, #tpu.memory_space<vmem>>) target(%dma_start3A_125 : memref<10112x64xf32, #tpu.memory_space<vmem_shared>>) offsets(%dma_start3A_122 : memref<128xi32, #tpu.memory_space<vmem>>) semaphore(%run_scoped3A : memref<!tpu.dma_semaphore, #tpu.memory_space<semaphore_mem>>) {add = true}
        %dma_wait3A_126 = arith.constant 0 : i32
        %dma_wait3A_127 = tpu.memref_slice %arg8[%add3A_110, %dma_wait3A_126] : memref<80x128xi32, #tpu.memory_space<vmem>> -> memref<1x128xi32, #tpu.memory_space<vmem>>
        %dma_wait3A_128 = tpu.memref_squeeze %dma_wait3A_127 : memref<1x128xi32, #tpu.memory_space<vmem>> -> memref<128xi32, #tpu.memory_space<vmem>>
        %dma_wait3A_129 = arith.constant 0 : i32
        %dma_wait3A_130 = arith.constant 0 : i32
        %dma_wait3A_131 = tpu.memref_slice %arg17[%dma_wait3A_129, %dma_wait3A_130] : memref<10112x64xf32, #tpu.memory_space<vmem_shared>> -> memref<10112x64xf32, #tpu.memory_space<vmem_shared>>
        tpu.wait_indirect_dma semaphore(%run_scoped3A : memref<!tpu.dma_semaphore, #tpu.memory_space<semaphore_mem>>) src(%arg12 : memref<128x64xf32, #tpu.memory_space<vmem>>) dst(%dma_wait3A_131 : memref<10112x64xf32, #tpu.memory_space<vmem_shared>>)
        tpu.yield
      }) : () -> ()
      %add3A_111 = arith.constant 3 : i32
      %add3A_112 = arith.addi %mul3A_47, %add3A_111 : i32
      %add3A_113 = arith.constant 4 : i32
      %add3A_114 = arith.addi %add3A_112, %add3A_113 : i32
      %lt3A_115 = arith.constant 80 : i32
      %lt3A_116 = arith.cmpi slt, %add3A_114, %lt3A_115 : i32
      %convert_element_type3A_117 = arith.extui %lt3A_116 : i1 to i32
      %cond3A_118 = arith.constant 0 : i32
      %cond3A_119 = arith.cmpi ne, %convert_element_type3A_117, %cond3A_118 : i32
      scf.if %cond3A_119 {
        %add3A_120 = arith.constant 3 : i32
        %add3A_121 = arith.addi %mul3A_47, %add3A_120 : i32
        %add3A_122 = arith.constant 4 : i32
        %add3A_123 = arith.addi %add3A_121, %add3A_122 : i32
        %dma_start3A_124 = arith.constant 0 : i32
        %dma_start3A_125 = tpu.memref_slice %arg7[%add3A_123, %dma_start3A_124] : memref<80x128xi32, #tpu.memory_space<vmem>> -> memref<1x128xi32, #tpu.memory_space<vmem>>
        %dma_start3A_126 = tpu.memref_squeeze %dma_start3A_125 : memref<1x128xi32, #tpu.memory_space<vmem>> -> memref<128xi32, #tpu.memory_space<vmem>>
        %dma_start3A_127 = arith.constant 0 : i32
        %dma_start3A_128 = arith.constant 0 : i32
        %dma_start3A_129 = tpu.memref_slice %arg4[%dma_start3A_127, %dma_start3A_128] : memref<10000x64xf32, #tpu.memory_space<hbm>> -> memref<10000x64xf32, #tpu.memory_space<hbm>>
        tpu.enqueue_indirect_dma source(%dma_start3A_129 : memref<10000x64xf32, #tpu.memory_space<hbm>>) target(%arg12 : memref<128x64xf32, #tpu.memory_space<vmem>>) offsets(%dma_start3A_126 : memref<128xi32, #tpu.memory_space<vmem>>) semaphore(%arg16 : memref<!tpu.dma_semaphore, #tpu.memory_space<semaphore_mem>>)
      } else {
      }
    }
    %scan3A_35 = arith.constant 20 : i32
    %barrier3A_36 = arith.constant 0 : index
    tpu.barrier barrier_id(%barrier3A_36)
    %mul3A_37 = arith.constant 632 : i32
    %mul3A_38 = arith.muli %arg1, %mul3A_37 : i32
    %mul3A_39 = arith.constant 632 : i32
    %mul3A_40 = arith.muli %arg1, %mul3A_39 : i32
    "tpu.region"() ({
      %run_scoped3A = tpu.sem_alloc : memref<!tpu.dma_semaphore, #tpu.memory_space<semaphore_mem>>
      %dma_start3A_41 = arith.constant 0 : i32
      %dma_start3A_42 = tpu.memref_slice %arg6[%arg0, %mul3A_40, %dma_start3A_41] : memref<2x10112x64xf32, #tpu.memory_space<hbm>> -> memref<1x632x64xf32, #tpu.memory_space<hbm>>
      %dma_start3A_43 = tpu.memref_squeeze %dma_start3A_42 : memref<1x632x64xf32, #tpu.memory_space<hbm>> -> memref<632x64xf32, #tpu.memory_space<hbm>>
      %dma_start3A_44 = arith.constant 0 : i32
      %dma_start3A_45 = tpu.memref_slice %arg17[%mul3A_38, %dma_start3A_44] : memref<10112x64xf32, #tpu.memory_space<vmem_shared>> -> memref<632x64xf32, #tpu.memory_space<vmem_shared>>
      tpu.enqueue_dma source(%dma_start3A_45 : memref<632x64xf32, #tpu.memory_space<vmem_shared>>) target(%dma_start3A_43 : memref<632x64xf32, #tpu.memory_space<hbm>>) target_semaphore(%run_scoped3A : memref<!tpu.dma_semaphore, #tpu.memory_space<semaphore_mem>>)
      %dma_wait3A = arith.constant 0 : i32
      %dma_wait3A_46 = tpu.memref_slice %arg6[%arg0, %mul3A_40, %dma_wait3A] : memref<2x10112x64xf32, #tpu.memory_space<hbm>> -> memref<1x632x64xf32, #tpu.memory_space<hbm>>
      %dma_wait3A_47 = tpu.memref_squeeze %dma_wait3A_46 : memref<1x632x64xf32, #tpu.memory_space<hbm>> -> memref<632x64xf32, #tpu.memory_space<hbm>>
      %dma_wait3A_48 = arith.constant 0 : i32
      %dma_wait3A_49 = tpu.memref_slice %arg17[%mul3A_38, %dma_wait3A_48] : memref<10112x64xf32, #tpu.memory_space<vmem_shared>> -> memref<632x64xf32, #tpu.memory_space<vmem_shared>>
      tpu.wait_dma2 semaphore(%run_scoped3A : memref<!tpu.dma_semaphore, #tpu.memory_space<semaphore_mem>>) src(%dma_wait3A_49 : memref<632x64xf32, #tpu.memory_space<vmem_shared>>) dst(%dma_wait3A_47 : memref<632x64xf32, #tpu.memory_space<hbm>>)
      tpu.yield
    }) : () -> ()
    return
  }
}

#map = affine_map<(d0, d1) -> (0, 0, 0)>
#map1 = affine_map<(d0, d1) -> (0, 0)>
module attributes {stable_mosaic.version = 14 : i64} {
  func.func @_deg_body(%arg0: i32, %arg1: i32, %arg2: memref<32x80x128xi32, #tpu.memory_space<hbm>>, %arg3: memref<128x16xf32, #tpu.memory_space<hbm>>, %arg4: memref<10112x16xf32, #tpu.memory_space<hbm>>, %arg5: memref<2x10112x16xf32, #tpu.memory_space<hbm>>, %arg6: memref<80x128xi32, #tpu.memory_space<vmem>>, %arg7: memref<128x16xf32, #tpu.memory_space<vmem>>, %arg8: memref<10112x16xf32, #tpu.memory_space<vmem_shared>>) attributes {dimension_semantics = [#tpu.dimension_semantics<core_parallel>, #tpu.dimension_semantics<subcore_parallel>], iteration_bounds = array<i64: 2, 16>, scalar_prefetch = 0 : i64, scratch_operands = 3 : i64, tpu.core_type = #tpu.core_type<sc_vector_subcore>, window_params = [{transform_indices = #map}, {transform_indices = #map1}, {transform_indices = #map1}, {transform_indices = #map}]} {
    %mul3A = arith.constant 2 : i32
    %mul3A_0 = arith.muli %arg1, %mul3A : i32
    %add3A = arith.addi %mul3A_0, %arg0 : i32
    %mul3A_1 = arith.constant 632 : i32
    %mul3A_2 = arith.muli %arg1, %mul3A_1 : i32
    %mul3A_3 = arith.constant 632 : i32
    %mul3A_4 = arith.muli %arg1, %mul3A_3 : i32
    "tpu.region"() ({
      %run_scoped3A = tpu.sem_alloc : memref<!tpu.dma_semaphore, #tpu.memory_space<semaphore_mem>>
      %dma_start3A = arith.constant 0 : i32
      %dma_start3A_14 = tpu.memref_slice %arg8[%mul3A_4, %dma_start3A] : memref<10112x16xf32, #tpu.memory_space<vmem_shared>> -> memref<632x16xf32, #tpu.memory_space<vmem_shared>>
      %dma_start3A_15 = arith.constant 0 : i32
      %dma_start3A_16 = tpu.memref_slice %arg4[%mul3A_2, %dma_start3A_15] : memref<10112x16xf32, #tpu.memory_space<hbm>> -> memref<632x16xf32, #tpu.memory_space<hbm>>
      tpu.enqueue_dma source(%dma_start3A_16 : memref<632x16xf32, #tpu.memory_space<hbm>>) target(%dma_start3A_14 : memref<632x16xf32, #tpu.memory_space<vmem_shared>>) target_semaphore(%run_scoped3A : memref<!tpu.dma_semaphore, #tpu.memory_space<semaphore_mem>>)
      %dma_wait3A = arith.constant 0 : i32
      %dma_wait3A_17 = tpu.memref_slice %arg8[%mul3A_4, %dma_wait3A] : memref<10112x16xf32, #tpu.memory_space<vmem_shared>> -> memref<632x16xf32, #tpu.memory_space<vmem_shared>>
      %dma_wait3A_18 = arith.constant 0 : i32
      %dma_wait3A_19 = tpu.memref_slice %arg4[%mul3A_2, %dma_wait3A_18] : memref<10112x16xf32, #tpu.memory_space<hbm>> -> memref<632x16xf32, #tpu.memory_space<hbm>>
      tpu.wait_dma2 semaphore(%run_scoped3A : memref<!tpu.dma_semaphore, #tpu.memory_space<semaphore_mem>>) src(%dma_wait3A_19 : memref<632x16xf32, #tpu.memory_space<hbm>>) dst(%dma_wait3A_17 : memref<632x16xf32, #tpu.memory_space<vmem_shared>>)
      tpu.yield
    }) : () -> ()
    "tpu.region"() ({
      %run_scoped3A = tpu.sem_alloc : memref<!tpu.dma_semaphore, #tpu.memory_space<semaphore_mem>>
      %dma_start3A = arith.constant 0 : i32
      %dma_start3A_14 = arith.constant 0 : i32
      %dma_start3A_15 = tpu.memref_slice %arg2[%add3A, %dma_start3A, %dma_start3A_14] : memref<32x80x128xi32, #tpu.memory_space<hbm>> -> memref<1x80x128xi32, #tpu.memory_space<hbm>>
      %dma_start3A_16 = tpu.memref_squeeze %dma_start3A_15 : memref<1x80x128xi32, #tpu.memory_space<hbm>> -> memref<80x128xi32, #tpu.memory_space<hbm>>
      %dma_start3A_17 = arith.constant 0 : i32
      %dma_start3A_18 = arith.constant 0 : i32
      %dma_start3A_19 = tpu.memref_slice %arg2[%add3A, %dma_start3A_17, %dma_start3A_18] : memref<32x80x128xi32, #tpu.memory_space<hbm>> -> memref<1x80x128xi32, #tpu.memory_space<hbm>>
      %dma_start3A_20 = tpu.memref_squeeze %dma_start3A_19 : memref<1x80x128xi32, #tpu.memory_space<hbm>> -> memref<80x128xi32, #tpu.memory_space<hbm>>
      tpu.enqueue_dma source(%dma_start3A_20 : memref<80x128xi32, #tpu.memory_space<hbm>>) target(%arg6 : memref<80x128xi32, #tpu.memory_space<vmem>>) target_semaphore(%run_scoped3A : memref<!tpu.dma_semaphore, #tpu.memory_space<semaphore_mem>>)
      %dma_wait3A = arith.constant 0 : i32
      %dma_wait3A_21 = arith.constant 0 : i32
      %dma_wait3A_22 = tpu.memref_slice %arg2[%add3A, %dma_wait3A, %dma_wait3A_21] : memref<32x80x128xi32, #tpu.memory_space<hbm>> -> memref<1x80x128xi32, #tpu.memory_space<hbm>>
      %dma_wait3A_23 = tpu.memref_squeeze %dma_wait3A_22 : memref<1x80x128xi32, #tpu.memory_space<hbm>> -> memref<80x128xi32, #tpu.memory_space<hbm>>
      %dma_wait3A_24 = arith.constant 0 : i32
      %dma_wait3A_25 = arith.constant 0 : i32
      %dma_wait3A_26 = tpu.memref_slice %arg2[%add3A, %dma_wait3A_24, %dma_wait3A_25] : memref<32x80x128xi32, #tpu.memory_space<hbm>> -> memref<1x80x128xi32, #tpu.memory_space<hbm>>
      %dma_wait3A_27 = tpu.memref_squeeze %dma_wait3A_26 : memref<1x80x128xi32, #tpu.memory_space<hbm>> -> memref<80x128xi32, #tpu.memory_space<hbm>>
      tpu.wait_dma2 semaphore(%run_scoped3A : memref<!tpu.dma_semaphore, #tpu.memory_space<semaphore_mem>>) src(%dma_wait3A_27 : memref<80x128xi32, #tpu.memory_space<hbm>>) dst(%arg6 : memref<80x128xi32, #tpu.memory_space<vmem>>)
      tpu.yield
    }) : () -> ()
    "tpu.region"() ({
      %run_scoped3A = tpu.sem_alloc : memref<!tpu.dma_semaphore, #tpu.memory_space<semaphore_mem>>
      tpu.enqueue_dma source(%arg3 : memref<128x16xf32, #tpu.memory_space<hbm>>) target(%arg7 : memref<128x16xf32, #tpu.memory_space<vmem>>) target_semaphore(%run_scoped3A : memref<!tpu.dma_semaphore, #tpu.memory_space<semaphore_mem>>)
      tpu.wait_dma2 semaphore(%run_scoped3A : memref<!tpu.dma_semaphore, #tpu.memory_space<semaphore_mem>>) src(%arg3 : memref<128x16xf32, #tpu.memory_space<hbm>>) dst(%arg7 : memref<128x16xf32, #tpu.memory_space<vmem>>)
      tpu.yield
    }) : () -> ()
    %barrier3A = arith.constant 0 : index
    tpu.barrier barrier_id(%barrier3A)
    %scan3A = arith.constant 0 : i32
    %scan3A_5 = arith.constant 80 : i32
    %scan3A_6 = arith.addi %scan3A, %scan3A_5 : i32
    %scan3A_7 = arith.constant 1 : i32
    scf.for %scan3A_14 = %scan3A to %scan3A_6 step %scan3A_7  : i32 {
      %mul3A_15 = arith.constant 1 : i32
      %mul3A_16 = arith.muli %scan3A_14, %mul3A_15 : i32
      %add3A_17 = arith.constant 0 : i32
      %add3A_18 = arith.addi %add3A_17, %mul3A_16 : i32
      "tpu.region"() ({
        %run_scoped3A = tpu.sem_alloc : memref<!tpu.dma_semaphore, #tpu.memory_space<semaphore_mem>>
        %dma_start3A = arith.constant 0 : i32
        %dma_start3A_19 = tpu.memref_slice %arg6[%add3A_18, %dma_start3A] : memref<80x128xi32, #tpu.memory_space<vmem>> -> memref<1x128xi32, #tpu.memory_space<vmem>>
        %dma_start3A_20 = tpu.memref_squeeze %dma_start3A_19 : memref<1x128xi32, #tpu.memory_space<vmem>> -> memref<128xi32, #tpu.memory_space<vmem>>
        %dma_start3A_21 = arith.constant 0 : i32
        %dma_start3A_22 = arith.constant 0 : i32
        %dma_start3A_23 = tpu.memref_slice %arg8[%dma_start3A_21, %dma_start3A_22] : memref<10112x16xf32, #tpu.memory_space<vmem_shared>> -> memref<10112x16xf32, #tpu.memory_space<vmem_shared>>
        tpu.enqueue_indirect_dma source(%arg7 : memref<128x16xf32, #tpu.memory_space<vmem>>) target(%dma_start3A_23 : memref<10112x16xf32, #tpu.memory_space<vmem_shared>>) offsets(%dma_start3A_20 : memref<128xi32, #tpu.memory_space<vmem>>) semaphore(%run_scoped3A : memref<!tpu.dma_semaphore, #tpu.memory_space<semaphore_mem>>) {add = true}
        %dma_wait3A = arith.constant 0 : i32
        %dma_wait3A_24 = tpu.memref_slice %arg6[%add3A_18, %dma_wait3A] : memref<80x128xi32, #tpu.memory_space<vmem>> -> memref<1x128xi32, #tpu.memory_space<vmem>>
        %dma_wait3A_25 = tpu.memref_squeeze %dma_wait3A_24 : memref<1x128xi32, #tpu.memory_space<vmem>> -> memref<128xi32, #tpu.memory_space<vmem>>
        %dma_wait3A_26 = arith.constant 0 : i32
        %dma_wait3A_27 = arith.constant 0 : i32
        %dma_wait3A_28 = tpu.memref_slice %arg8[%dma_wait3A_26, %dma_wait3A_27] : memref<10112x16xf32, #tpu.memory_space<vmem_shared>> -> memref<10112x16xf32, #tpu.memory_space<vmem_shared>>
        tpu.wait_indirect_dma semaphore(%run_scoped3A : memref<!tpu.dma_semaphore, #tpu.memory_space<semaphore_mem>>) src(%arg7 : memref<128x16xf32, #tpu.memory_space<vmem>>) dst(%dma_wait3A_28 : memref<10112x16xf32, #tpu.memory_space<vmem_shared>>)
        tpu.yield
      }) : () -> ()
    }
    %scan3A_8 = arith.constant 80 : i32
    %barrier3A_9 = arith.constant 0 : index
    tpu.barrier barrier_id(%barrier3A_9)
    %mul3A_10 = arith.constant 632 : i32
    %mul3A_11 = arith.muli %arg1, %mul3A_10 : i32
    %mul3A_12 = arith.constant 632 : i32
    %mul3A_13 = arith.muli %arg1, %mul3A_12 : i32
    "tpu.region"() ({
      %run_scoped3A = tpu.sem_alloc : memref<!tpu.dma_semaphore, #tpu.memory_space<semaphore_mem>>
      %dma_start3A = arith.constant 0 : i32
      %dma_start3A_14 = tpu.memref_slice %arg5[%arg0, %mul3A_13, %dma_start3A] : memref<2x10112x16xf32, #tpu.memory_space<hbm>> -> memref<1x632x16xf32, #tpu.memory_space<hbm>>
      %dma_start3A_15 = tpu.memref_squeeze %dma_start3A_14 : memref<1x632x16xf32, #tpu.memory_space<hbm>> -> memref<632x16xf32, #tpu.memory_space<hbm>>
      %dma_start3A_16 = arith.constant 0 : i32
      %dma_start3A_17 = tpu.memref_slice %arg8[%mul3A_11, %dma_start3A_16] : memref<10112x16xf32, #tpu.memory_space<vmem_shared>> -> memref<632x16xf32, #tpu.memory_space<vmem_shared>>
      tpu.enqueue_dma source(%dma_start3A_17 : memref<632x16xf32, #tpu.memory_space<vmem_shared>>) target(%dma_start3A_15 : memref<632x16xf32, #tpu.memory_space<hbm>>) target_semaphore(%run_scoped3A : memref<!tpu.dma_semaphore, #tpu.memory_space<semaphore_mem>>)
      %dma_wait3A = arith.constant 0 : i32
      %dma_wait3A_18 = tpu.memref_slice %arg5[%arg0, %mul3A_13, %dma_wait3A] : memref<2x10112x16xf32, #tpu.memory_space<hbm>> -> memref<1x632x16xf32, #tpu.memory_space<hbm>>
      %dma_wait3A_19 = tpu.memref_squeeze %dma_wait3A_18 : memref<1x632x16xf32, #tpu.memory_space<hbm>> -> memref<632x16xf32, #tpu.memory_space<hbm>>
      %dma_wait3A_20 = arith.constant 0 : i32
      %dma_wait3A_21 = tpu.memref_slice %arg8[%mul3A_11, %dma_wait3A_20] : memref<10112x16xf32, #tpu.memory_space<vmem_shared>> -> memref<632x16xf32, #tpu.memory_space<vmem_shared>>
      tpu.wait_dma2 semaphore(%run_scoped3A : memref<!tpu.dma_semaphore, #tpu.memory_space<semaphore_mem>>) src(%dma_wait3A_21 : memref<632x16xf32, #tpu.memory_space<vmem_shared>>) dst(%dma_wait3A_19 : memref<632x16xf32, #tpu.memory_space<hbm>>)
      tpu.yield
    }) : () -> ()
    return
  }
}

module attributes {stable_mosaic.version = 14 : i64} {
  func.func @_mm1_body(%arg0: i32, %arg1: memref<400x3703xf32, #tpu.memory_space<vmem>>, %arg2: memref<3703x128xf32, #tpu.memory_space<vmem>>, %arg3: memref<2x400x16xf32, #tpu.memory_space<vmem>>, %arg4: memref<400x64xf32, #tpu.memory_space<vmem>>, %arg5: memref<400x64xf32, #tpu.memory_space<vmem>>, %arg6: memref<400x1xf32, #tpu.memory_space<vmem>>) attributes {dimension_semantics = [#tpu.dimension_semantics<arbitrary>], iteration_bounds = array<i64: 25>, scalar_prefetch = 0 : i64, scratch_operands = 0 : i64, tpu.core_type = #tpu.core_type<tc>, window_params = [{transform_indices = @transform_0, window_bounds = array<i64: 400, 3703>}, {pipeline_mode = #tpu.pipeline_mode<synchronous>, transform_indices = @transform_1, window_bounds = array<i64: 3703, 128>}, {transform_indices = @transform_2, window_bounds = array<i64: 2, 400, 16>}, {transform_indices = @transform_3, window_bounds = array<i64: 400, 64>}, {transform_indices = @transform_4, window_bounds = array<i64: 400, 64>}, {transform_indices = @transform_5, window_bounds = array<i64: 400, 1>}]} {
    %get3A = arith.constant 0 : index
    %get3A_0 = arith.constant 0 : index
    %get3A_1 = vector.load %arg1[%get3A, %get3A_0] : memref<400x3703xf32, #tpu.memory_space<vmem>>, vector<400x3703xf32>
    %get3A_2 = arith.constant 0 : index
    %get3A_3 = arith.constant 0 : index
    %get3A_4 = vector.load %arg2[%get3A_2, %get3A_3] : memref<3703x128xf32, #tpu.memory_space<vmem>>, vector<3703x128xf32>
    %dot_general3A = arith.constant dense<0.000000e+00> : vector<400x128xf32>
    %dot_general3A_5 = tpu.matmul %get3A_1, %get3A_4, %dot_general3A {dimension_numbers = #tpu.dot_dimension_numbers<[1], [0], [0], [1], [0, 0, 1, 1], [], []>, transpose_lhs_hint = false} : vector<400x3703xf32>, vector<3703x128xf32>, vector<400x128xf32> -> vector<400x128xf32>
    %get3A_6 = arith.constant 0 : index
    %get3A_7 = arith.constant 0 : index
    %get3A_8 = arith.constant 0 : index
    %get3A_9 = vector.load %arg3[%get3A_6, %get3A_7, %get3A_8] : memref<2x400x16xf32, #tpu.memory_space<vmem>>, vector<2x400x16xf32>
    %slice3A = vector.extract_strided_slice %get3A_9 {offsets = [0, 0, 0], sizes = [1, 400, 1], strides = [1, 1, 1]} : vector<2x400x16xf32> to vector<1x400x1xf32>
    %squeeze3A = vector.shape_cast %slice3A : vector<1x400x1xf32> to vector<400xf32>
    %slice3A_10 = vector.extract_strided_slice %get3A_9 {offsets = [1, 0, 0], sizes = [1, 400, 1], strides = [1, 1, 1]} : vector<2x400x16xf32> to vector<1x400x1xf32>
    %squeeze3A_11 = vector.shape_cast %slice3A_10 : vector<1x400x1xf32> to vector<400xf32>
    %add3A = arith.addf %squeeze3A, %squeeze3A_11 : vector<400xf32>
    %add3A_12 = arith.constant 1.000000e+00 : f32
    %add3A_13 = vector.broadcast %add3A_12 : f32 to vector<400xf32>
    %add3A_14 = arith.addf %add3A, %add3A_13 : vector<400xf32>
    %rsqrt3A = math.rsqrt %add3A_14 : vector<400xf32>
    %broadcast_in_dim3A = vector.shape_cast %rsqrt3A : vector<400xf32> to vector<400x1xf32>
    %mul3A = vector.broadcast %broadcast_in_dim3A : vector<400x1xf32> to vector<400x128xf32>
    %mul3A_15 = arith.mulf %dot_general3A_5, %mul3A : vector<400x128xf32>
    %slice3A_16 = vector.extract_strided_slice %mul3A_15 {offsets = [0, 0], sizes = [400, 64], strides = [1, 1]} : vector<400x128xf32> to vector<400x64xf32>
    %swap3A = arith.constant 0 : index
    %swap3A_17 = arith.constant 0 : index
    %swap3A_18 = vector.load %arg4[%swap3A, %swap3A_17] : memref<400x64xf32, #tpu.memory_space<vmem>>, vector<400x64xf32>
    tpu.vector_store %arg4[%swap3A, %swap3A_17], %slice3A_16 {strides = array<i32>} : memref<400x64xf32, #tpu.memory_space<vmem>>, vector<400x64xf32>,
    %slice3A_19 = vector.extract_strided_slice %mul3A_15 {offsets = [0, 64], sizes = [400, 64], strides = [1, 1]} : vector<400x128xf32> to vector<400x64xf32>
    %swap3A_20 = arith.constant 0 : index
    %swap3A_21 = arith.constant 0 : index
    %swap3A_22 = vector.load %arg5[%swap3A_20, %swap3A_21] : memref<400x64xf32, #tpu.memory_space<vmem>>, vector<400x64xf32>
    tpu.vector_store %arg5[%swap3A_20, %swap3A_21], %slice3A_19 {strides = array<i32>} : memref<400x64xf32, #tpu.memory_space<vmem>>, vector<400x64xf32>,
    %swap3A_23 = arith.constant 0 : index
    %swap3A_24 = arith.constant 0 : index
    %swap3A_25 = vector.load %arg6[%swap3A_23, %swap3A_24] : memref<400x1xf32, #tpu.memory_space<vmem>>, vector<400x1xf32>
    tpu.vector_store %arg6[%swap3A_23, %swap3A_24], %broadcast_in_dim3A {strides = array<i32>} : memref<400x1xf32, #tpu.memory_space<vmem>>, vector<400x1xf32>,
    return
  }
  func.func @transform_0(%arg0: i32) -> (i32, i32) {
    %c0_i32 = arith.constant 0 : i32
    %c0_i32_0 = arith.constant 0 : i32
    return %arg0, %c0_i32 : i32, i32
  }
  func.func @transform_1(%arg0: i32) -> (i32, i32) {
    %c0_i32 = arith.constant 0 : i32
    %c0_i32_0 = arith.constant 0 : i32
    %c0_i32_1 = arith.constant 0 : i32
    return %c0_i32, %c0_i32_0 : i32, i32
  }
  func.func @transform_2(%arg0: i32) -> (i32, i32, i32) {
    %c0_i32 = arith.constant 0 : i32
    %c0_i32_0 = arith.constant 0 : i32
    %c0_i32_1 = arith.constant 0 : i32
    return %c0_i32, %arg0, %c0_i32_0 : i32, i32, i32
  }
  func.func @transform_3(%arg0: i32) -> (i32, i32) {
    %c0_i32 = arith.constant 0 : i32
    %c0_i32_0 = arith.constant 0 : i32
    return %arg0, %c0_i32 : i32, i32
  }
  func.func @transform_4(%arg0: i32) -> (i32, i32) {
    %c0_i32 = arith.constant 0 : i32
    %c0_i32_0 = arith.constant 0 : i32
    return %arg0, %c0_i32 : i32, i32
  }
  func.func @transform_5(%arg0: i32) -> (i32, i32) {
    %c0_i32 = arith.constant 0 : i32
    %c0_i32_0 = arith.constant 0 : i32
    return %arg0, %c0_i32 : i32, i32
  }
}

module attributes {stable_mosaic.version = 14 : i64} {
  func.func @_ep1_body(%arg0: i32, %arg1: memref<2x400x64xf32, #tpu.memory_space<vmem>>, %arg2: memref<2x400x64xf32, #tpu.memory_space<vmem>>, %arg3: memref<400x64xf32, #tpu.memory_space<vmem>>, %arg4: memref<400x64xf32, #tpu.memory_space<vmem>>, %arg5: memref<400x1xf32, #tpu.memory_space<vmem>>, %arg6: memref<1x128xf32, #tpu.memory_space<vmem>>, %arg7: memref<128x64xf32, #tpu.memory_space<vmem>>, %arg8: memref<400x64xf32, #tpu.memory_space<vmem>>) attributes {dimension_semantics = [#tpu.dimension_semantics<arbitrary>], iteration_bounds = array<i64: 25>, scalar_prefetch = 0 : i64, scratch_operands = 0 : i64, tpu.core_type = #tpu.core_type<tc>, window_params = [{transform_indices = @transform_0, window_bounds = array<i64: 2, 400, 64>}, {transform_indices = @transform_1, window_bounds = array<i64: 2, 400, 64>}, {transform_indices = @transform_2, window_bounds = array<i64: 400, 64>}, {transform_indices = @transform_3, window_bounds = array<i64: 400, 64>}, {transform_indices = @transform_4, window_bounds = array<i64: 400, 1>}, {pipeline_mode = #tpu.pipeline_mode<synchronous>, transform_indices = @transform_5, window_bounds = array<i64: 1, 128>}, {pipeline_mode = #tpu.pipeline_mode<synchronous>, transform_indices = @transform_6, window_bounds = array<i64: 128, 64>}, {transform_indices = @transform_7, window_bounds = array<i64: 400, 64>}]} {
    %get3A = arith.constant 0 : index
    %get3A_0 = arith.constant 0 : index
    %get3A_1 = arith.constant 0 : index
    %get3A_2 = vector.load %arg1[%get3A, %get3A_0, %get3A_1] : memref<2x400x64xf32, #tpu.memory_space<vmem>>, vector<2x400x64xf32>
    %get3A_3 = arith.constant 0 : index
    %get3A_4 = arith.constant 0 : index
    %get3A_5 = arith.constant 0 : index
    %get3A_6 = vector.load %arg2[%get3A_3, %get3A_4, %get3A_5] : memref<2x400x64xf32, #tpu.memory_space<vmem>>, vector<2x400x64xf32>
    %get3A_7 = arith.constant 0 : index
    %get3A_8 = arith.constant 0 : index
    %get3A_9 = vector.load %arg5[%get3A_7, %get3A_8] : memref<400x1xf32, #tpu.memory_space<vmem>>, vector<400x1xf32>
    %slice3A = vector.extract_strided_slice %get3A_2 {offsets = [0, 0, 0], sizes = [1, 400, 64], strides = [1, 1, 1]} : vector<2x400x64xf32> to vector<1x400x64xf32>
    %squeeze3A = vector.shape_cast %slice3A : vector<1x400x64xf32> to vector<400x64xf32>
    %slice3A_10 = vector.extract_strided_slice %get3A_2 {offsets = [1, 0, 0], sizes = [1, 400, 64], strides = [1, 1, 1]} : vector<2x400x64xf32> to vector<1x400x64xf32>
    %squeeze3A_11 = vector.shape_cast %slice3A_10 : vector<1x400x64xf32> to vector<400x64xf32>
    %add3A = arith.addf %squeeze3A, %squeeze3A_11 : vector<400x64xf32>
    %get3A_12 = arith.constant 0 : index
    %get3A_13 = arith.constant 0 : index
    %get3A_14 = vector.load %arg3[%get3A_12, %get3A_13] : memref<400x64xf32, #tpu.memory_space<vmem>>, vector<400x64xf32>
    %add3A_15 = arith.addf %add3A, %get3A_14 : vector<400x64xf32>
    %slice3A_16 = vector.extract_strided_slice %get3A_6 {offsets = [0, 0, 0], sizes = [1, 400, 64], strides = [1, 1, 1]} : vector<2x400x64xf32> to vector<1x400x64xf32>
    %squeeze3A_17 = vector.shape_cast %slice3A_16 : vector<1x400x64xf32> to vector<400x64xf32>
    %slice3A_18 = vector.extract_strided_slice %get3A_6 {offsets = [1, 0, 0], sizes = [1, 400, 64], strides = [1, 1, 1]} : vector<2x400x64xf32> to vector<1x400x64xf32>
    %squeeze3A_19 = vector.shape_cast %slice3A_18 : vector<1x400x64xf32> to vector<400x64xf32>
    %add3A_20 = arith.addf %squeeze3A_17, %squeeze3A_19 : vector<400x64xf32>
    %get3A_21 = arith.constant 0 : index
    %get3A_22 = arith.constant 0 : index
    %get3A_23 = vector.load %arg4[%get3A_21, %get3A_22] : memref<400x64xf32, #tpu.memory_space<vmem>>, vector<400x64xf32>
    %add3A_24 = arith.addf %add3A_20, %get3A_23 : vector<400x64xf32>
    %concatenate3A = tpu.concatenate %add3A_15, %add3A_24 in 1 : vector<400x64xf32>, vector<400x64xf32> -> vector<400x128xf32>
    %mul3A = vector.broadcast %get3A_9 : vector<400x1xf32> to vector<400x128xf32>
    %mul3A_25 = arith.mulf %concatenate3A, %mul3A : vector<400x128xf32>
    %get3A_26 = arith.constant 0 : index
    %get3A_27 = arith.constant 0 : index
    %get3A_28 = vector.load %arg6[%get3A_26, %get3A_27] : memref<1x128xf32, #tpu.memory_space<vmem>>, vector<1x128xf32>
    %add3A_29 = vector.broadcast %get3A_28 : vector<1x128xf32> to vector<400x128xf32>
    %add3A_30 = arith.addf %mul3A_25, %add3A_29 : vector<400x128xf32>
    %max3A = arith.constant 0.000000e+00 : f32
    %max3A_31 = vector.broadcast %max3A : f32 to vector<400x128xf32>
    %max3A_32 = arith.maximumf %add3A_30, %max3A_31 : vector<400x128xf32>
    %get3A_33 = arith.constant 0 : index
    %get3A_34 = arith.constant 0 : index
    %get3A_35 = vector.load %arg7[%get3A_33, %get3A_34] : memref<128x64xf32, #tpu.memory_space<vmem>>, vector<128x64xf32>
    %dot_general3A = arith.constant dense<0.000000e+00> : vector<400x64xf32>
    %dot_general3A_36 = tpu.matmul %max3A_32, %get3A_35, %dot_general3A {dimension_numbers = #tpu.dot_dimension_numbers<[1], [0], [0], [1], [0, 0, 1, 1], [], []>, transpose_lhs_hint = false} : vector<400x128xf32>, vector<128x64xf32>, vector<400x64xf32> -> vector<400x64xf32>
    %mul3A_37 = vector.broadcast %get3A_9 : vector<400x1xf32> to vector<400x64xf32>
    %mul3A_38 = arith.mulf %dot_general3A_36, %mul3A_37 : vector<400x64xf32>
    %swap3A = arith.constant 0 : index
    %swap3A_39 = arith.constant 0 : index
    %swap3A_40 = vector.load %arg8[%swap3A, %swap3A_39] : memref<400x64xf32, #tpu.memory_space<vmem>>, vector<400x64xf32>
    tpu.vector_store %arg8[%swap3A, %swap3A_39], %mul3A_38 {strides = array<i32>} : memref<400x64xf32, #tpu.memory_space<vmem>>, vector<400x64xf32>,
    return
  }
  func.func @transform_0(%arg0: i32) -> (i32, i32, i32) {
    %c0_i32 = arith.constant 0 : i32
    %c0_i32_0 = arith.constant 0 : i32
    %c0_i32_1 = arith.constant 0 : i32
    return %c0_i32, %arg0, %c0_i32_0 : i32, i32, i32
  }
  func.func @transform_1(%arg0: i32) -> (i32, i32, i32) {
    %c0_i32 = arith.constant 0 : i32
    %c0_i32_0 = arith.constant 0 : i32
    %c0_i32_1 = arith.constant 0 : i32
    return %c0_i32, %arg0, %c0_i32_0 : i32, i32, i32
  }
  func.func @transform_2(%arg0: i32) -> (i32, i32) {
    %c0_i32 = arith.constant 0 : i32
    %c0_i32_0 = arith.constant 0 : i32
    return %arg0, %c0_i32 : i32, i32
  }
  func.func @transform_3(%arg0: i32) -> (i32, i32) {
    %c0_i32 = arith.constant 0 : i32
    %c0_i32_0 = arith.constant 0 : i32
    return %arg0, %c0_i32 : i32, i32
  }
  func.func @transform_4(%arg0: i32) -> (i32, i32) {
    %c0_i32 = arith.constant 0 : i32
    %c0_i32_0 = arith.constant 0 : i32
    return %arg0, %c0_i32 : i32, i32
  }
  func.func @transform_5(%arg0: i32) -> (i32, i32) {
    %c0_i32 = arith.constant 0 : i32
    %c0_i32_0 = arith.constant 0 : i32
    %c0_i32_1 = arith.constant 0 : i32
    return %c0_i32, %c0_i32_0 : i32, i32
  }
  func.func @transform_6(%arg0: i32) -> (i32, i32) {
    %c0_i32 = arith.constant 0 : i32
    %c0_i32_0 = arith.constant 0 : i32
    %c0_i32_1 = arith.constant 0 : i32
    return %c0_i32, %c0_i32_0 : i32, i32
  }
  func.func @transform_7(%arg0: i32) -> (i32, i32) {
    %c0_i32 = arith.constant 0 : i32
    %c0_i32_0 = arith.constant 0 : i32
    return %arg0, %c0_i32 : i32, i32
  }
}

module attributes {stable_mosaic.version = 14 : i64} {
  func.func @_ep2_body(%arg0: i32, %arg1: memref<2x400x64xf32, #tpu.memory_space<vmem>>, %arg2: memref<400x64xf32, #tpu.memory_space<vmem>>, %arg3: memref<400x1xf32, #tpu.memory_space<vmem>>, %arg4: memref<1x64xf32, #tpu.memory_space<vmem>>, %arg5: memref<400x64xf32, #tpu.memory_space<vmem>>) attributes {dimension_semantics = [#tpu.dimension_semantics<arbitrary>], iteration_bounds = array<i64: 25>, scalar_prefetch = 0 : i64, scratch_operands = 0 : i64, tpu.core_type = #tpu.core_type<tc>, window_params = [{transform_indices = @transform_0, window_bounds = array<i64: 2, 400, 64>}, {transform_indices = @transform_1, window_bounds = array<i64: 400, 64>}, {transform_indices = @transform_2, window_bounds = array<i64: 400, 1>}, {pipeline_mode = #tpu.pipeline_mode<synchronous>, transform_indices = @transform_3, window_bounds = array<i64: 1, 64>}, {transform_indices = @transform_4, window_bounds = array<i64: 400, 64>}]} {
    %get3A = arith.constant 0 : index
    %get3A_0 = arith.constant 0 : index
    %get3A_1 = arith.constant 0 : index
    %get3A_2 = vector.load %arg1[%get3A, %get3A_0, %get3A_1] : memref<2x400x64xf32, #tpu.memory_space<vmem>>, vector<2x400x64xf32>
    %slice3A = vector.extract_strided_slice %get3A_2 {offsets = [0, 0, 0], sizes = [1, 400, 64], strides = [1, 1, 1]} : vector<2x400x64xf32> to vector<1x400x64xf32>
    %squeeze3A = vector.shape_cast %slice3A : vector<1x400x64xf32> to vector<400x64xf32>
    %slice3A_3 = vector.extract_strided_slice %get3A_2 {offsets = [1, 0, 0], sizes = [1, 400, 64], strides = [1, 1, 1]} : vector<2x400x64xf32> to vector<1x400x64xf32>
    %squeeze3A_4 = vector.shape_cast %slice3A_3 : vector<1x400x64xf32> to vector<400x64xf32>
    %add3A = arith.addf %squeeze3A, %squeeze3A_4 : vector<400x64xf32>
    %get3A_5 = arith.constant 0 : index
    %get3A_6 = arith.constant 0 : index
    %get3A_7 = vector.load %arg2[%get3A_5, %get3A_6] : memref<400x64xf32, #tpu.memory_space<vmem>>, vector<400x64xf32>
    %add3A_8 = arith.addf %add3A, %get3A_7 : vector<400x64xf32>
    %get3A_9 = arith.constant 0 : index
    %get3A_10 = arith.constant 0 : index
    %get3A_11 = vector.load %arg3[%get3A_9, %get3A_10] : memref<400x1xf32, #tpu.memory_space<vmem>>, vector<400x1xf32>
    %mul3A = vector.broadcast %get3A_11 : vector<400x1xf32> to vector<400x64xf32>
    %mul3A_12 = arith.mulf %add3A_8, %mul3A : vector<400x64xf32>
    %get3A_13 = arith.constant 0 : index
    %get3A_14 = arith.constant 0 : index
    %get3A_15 = vector.load %arg4[%get3A_13, %get3A_14] : memref<1x64xf32, #tpu.memory_space<vmem>>, vector<1x64xf32>
    %add3A_16 = vector.broadcast %get3A_15 : vector<1x64xf32> to vector<400x64xf32>
    %add3A_17 = arith.addf %mul3A_12, %add3A_16 : vector<400x64xf32>
    %swap3A = arith.constant 0 : index
    %swap3A_18 = arith.constant 0 : index
    %swap3A_19 = vector.load %arg5[%swap3A, %swap3A_18] : memref<400x64xf32, #tpu.memory_space<vmem>>, vector<400x64xf32>
    tpu.vector_store %arg5[%swap3A, %swap3A_18], %add3A_17 {strides = array<i32>} : memref<400x64xf32, #tpu.memory_space<vmem>>, vector<400x64xf32>,
    return
  }
  func.func @transform_0(%arg0: i32) -> (i32, i32, i32) {
    %c0_i32 = arith.constant 0 : i32
    %c0_i32_0 = arith.constant 0 : i32
    %c0_i32_1 = arith.constant 0 : i32
    return %c0_i32, %arg0, %c0_i32_0 : i32, i32, i32
  }
  func.func @transform_1(%arg0: i32) -> (i32, i32) {
    %c0_i32 = arith.constant 0 : i32
    %c0_i32_0 = arith.constant 0 : i32
    return %arg0, %c0_i32 : i32, i32
  }
  func.func @transform_2(%arg0: i32) -> (i32, i32) {
    %c0_i32 = arith.constant 0 : i32
    %c0_i32_0 = arith.constant 0 : i32
    return %arg0, %c0_i32 : i32, i32
  }
  func.func @transform_3(%arg0: i32) -> (i32, i32) {
    %c0_i32 = arith.constant 0 : i32
    %c0_i32_0 = arith.constant 0 : i32
    %c0_i32_1 = arith.constant 0 : i32
    return %c0_i32, %c0_i32_0 : i32, i32
  }
  func.func @transform_4(%arg0: i32) -> (i32, i32) {
    %c0_i32 = arith.constant 0 : i32
    %c0_i32_0 = arith.constant 0 : i32
    return %arg0, %c0_i32 : i32, i32
  }
}

</mosaic_0001>

<sc_bundles>
// kernel: kernel.12.cloned.1.call-start
scs
__scs_entry_jumppad:
0x0: {  	(pc) =	sbr.rel $0x88, $3  }
0x1: {  	(tag) =	ssettag $0x0;
	lr =	simm.s32 $0x1  }
0x2: {  	[smem:$0x3F9B] =	sst lr;
	_ =	strace $0xD0000000  }
0x3: {  	_ = 	snop  }
0x4: {  	_ = 	snop  }
0x5: {  	_ = 	snop  }
0x6: {  	_ = 	snop  }
0x7: {  	_ = 	snop  }
__scs_overlays_trampoline_lowered:
0x8: {  	[smem:$0x3FAA] =	sst s0  }
0x9: {  	[smem:$0x3FAB] =	sst s1  }
0xa: {  	[smem:$0x3FAC] =	sst s2  }
0xb: {  	[smem:$0x3FAD] =	sst s3  }
0xc: {  	[smem:$0x3FAE] =	sst s4  }
0xd: {  	[smem:$0x3FAF] =	sst s5  }
0xe: {  	[smem:$0x3FB0] =	sst s6  }
0xf: {  	[smem:$0x3FB1] =	sst s7  }
0x10: {  	[smem:$0x3FB2] =	sst s8  }
0x11: {  	[smem:$0x3FB3] =	sst s9;
	s0 =	simm.s32 @!p0 $0x0  }
0x12: {  	s1 =	sld [smem:$0x3F99];
	s0 =	simm.s32 @p0 $0x1  }
0x13: {  	[smem:$0x3FB4] =	sst s0;
	s0 =	simm.s32 @!p1 $0x0  }
0x14: {  	s2 =	sld [smem:$0x3F98];
	s0 =	simm.s32 @p1 $0x1  }
0x15: {  	[smem:$0x3FB5] =	sst s0;
	s0 =	simm.s32 @!p2 $0x0  }
0x16: {  	s3 =	sld [smem:$0x3FDB];
	s0 =	simm.s32 @p2 $0x1  }
0x17: {  	s4 =	simm.s32 $0x1BF5;
	[smem:$0x3FB7] =	sst s0  }
0x18: {  	s0 =	sld [smem:$0x3F9A];
	_ =	swait.ge [sflag:s4], $0x0  }
0x19: {  	s7 =	sld [smem:$0x3F9B]  }
0x1a: {  	s8 =	sadd.s32 $0xFFFFE003, lr  }
0x1b: {  	s9 =	sadd.s32 $0xFFFFFEF7, lr;
	s5 =	simm.s32 $0xFFFFFFFF;
	p2 =	slt.u32 s8, $0xFFFFF086  }
0x1c: {  	p1 =	slt.u32 s9, $0xF7A;
	s5 =	simm.s32 @!p2 $0x0  }
0x1d: {  	s5 =	simm.s32 @p1 $0x1;
	p0 =	seq.s32 s7, s2  }
0x1e: {  	s7 =	smul.u32 @!p0 $0xF7A, s2;
	p2 =	seq.s32 @!p0 s5, $0x0  }
0x1f: {  	s9 =	smul.u32 $0xF7A, s1;
	s8 =	simm.s32 @!p0 $0x1BF5;
	p2 =	por !p2, p0  }
0x20: {  	[sflag:s8] =	ssyncset.s32 @!p0 $0xFFFFF086;
	s6 =	sadd.s32 @!p0 s3, s7;
	s7 =	simm.s32 @!p0 $0x108  }
0x21: {  	s3 =	sadd.s32 s3, s9;
	s6 =	sadd.s32 @!p0 $0x88, s6;
	s7 =	simm.s32 @p2 $0x1082  }
0x22: {  	[simem:s7], [sflag:s8] =	dma.local @!p0 [hbm:s6], $0xF7A  }
0x23: {  	s9 =	sor.u32 $0xD0000000, s2;
	s6 =	simm.s32 $0x108;
	_ =	swait.ge @!p0 [sflag:s8], $0x0  }
0x24: {  	s3 =	sadd.s32 $0x88, s3;
	s6 =	simm.s32 @!p1 $0x1082;
	[sflag:s4] =	ssyncset.s32 $0xFFFFF086  }
0x25: {  	[simem:s6], [sflag:s4] =	dma.local [hbm:s3], $0xF7A  }
0x26: {  	[smem:$0x3F9B] =	sst s1;
	(tag) =	ssettag s2;
	_ =	strace s9  }
0x27: {  	s1 =	sld [smem:$0x3FAB]  }
0x28: {  	s2 =	sld [smem:$0x3FAC]  }
0x29: {  	s4 =	sld [smem:$0x3FAE]  }
0x2a: {  	p0 =	seq.s32 s5, $0x0;
	s5 =	sld [smem:$0x3FAF]  }
0x2b: {  	s6 =	sld [smem:$0x3FB0]  }
0x2c: {  	s7 =	sld [smem:$0x3FB1]  }
0x2d: {  	s3 =	simm.s32 $0x108;
	s8 =	sld [smem:$0x3FB2]  }
0x2e: {  	s3 =	simm.s32 @!p0 $0x1082;
	s9 =	sld [smem:$0x3FB3]  }
0x2f: {  	lr =	sadd.s32 s0, s3;
	s0 =	sld [smem:$0x3FAA]  }
0x30: {  	s3 =	sld [smem:$0x3FAD]  }
0x31: {  	[smem:$0x3FB6] =	sst s10  }
0x32: {  	s10 =	sld [smem:$0x3FB4];
	_ =	sdelay $0x3  }
0x33: {  	p0 =	seq.s32 s10, $0x1;
	s10 =	sld [smem:$0x3FB6];
	_ =	sdelay $0x3  }
0x34: {  	[smem:$0x3FB6] =	sst s10  }
0x35: {  	s10 =	sld [smem:$0x3FB5];
	_ =	sdelay $0x3  }
0x36: {  	p1 =	seq.s32 s10, $0x1;
	s10 =	sld [smem:$0x3FB6];
	_ =	sdelay $0x3  }
0x37: {  	[smem:$0x3FB6] =	sst s10  }
0x38: {  	s10 =	sld [smem:$0x3FB7]  }
0x39: {  	_ = 	snop;
	(pc) =	sbr.ind lr, $3  }
0x3a: {  	_ = 	snop  }
0x3b: {  	_ = 	snop  }
0x3c: {  	p2 =	seq.s32 s10, $0x1;
	s10 =	sld [smem:$0x3FB6]  }
0x3d: {  	_ =	shalt  }
0x3e: {  	_ =	shalt  }
0x3f: {  	_ =	shalt  }
0x40: {  	_ =	shalt  }
0x41: {  	_ =	shalt  }
0x42: {  	_ =	shalt  }
0x43: {  	_ =	shalt  }
0x44: {  	_ =	shalt  }
0x45: {  	_ =	shalt  }
0x46: {  	_ =	shalt  }
0x47: {  	_ =	shalt  }
0x48: {  	_ =	shalt  }
0x49: {  	_ =	shalt  }
0x4a: {  	_ =	shalt  }
0x4b: {  	_ =	shalt  }
0x4c: {  	_ =	shalt  }
0x4d: {  	_ =	shalt  }
0x4e: {  	_ =	shalt  }
0x4f: {  	_ =	shalt  }
0x50: {  	_ =	shalt  }
0x51: {  	_ =	shalt  }
0x52: {  	_ =	shalt  }
0x53: {  	_ =	shalt  }
0x54: {  	_ =	shalt  }
0x55: {  	_ =	shalt  }
0x56: {  	_ =	shalt  }
0x57: {  	_ =	shalt  }
0x58: {  	_ =	shalt  }
0x59: {  	_ =	shalt  }
0x5a: {  	_ =	shalt  }
0x5b: {  	_ =	shalt  }
0x5c: {  	_ =	shalt  }
0x5d: {  	_ =	shalt  }
0x5e: {  	_ =	shalt  }
0x5f: {  	_ =	shalt  }
0x60: {  	_ =	shalt  }
0x61: {  	_ =	shalt  }
0x62: {  	_ =	shalt  }
0x63: {  	_ =	shalt  }
0x64: {  	_ =	shalt  }
0x65: {  	_ =	shalt  }
0x66: {  	_ =	shalt  }
0x67: {  	_ =	shalt  }
0x68: {  	_ =	shalt  }
0x69: {  	_ =	shalt  }
0x6a: {  	_ =	shalt  }
0x6b: {  	_ =	shalt  }
0x6c: {  	_ =	shalt  }
0x6d: {  	_ =	shalt  }
0x6e: {  	_ =	shalt  }
0x6f: {  	_ =	shalt  }
0x70: {  	_ =	shalt  }
0x71: {  	_ =	shalt  }
0x72: {  	_ =	shalt  }
0x73: {  	_ =	shalt  }
0x74: {  	_ =	shalt  }
0x75: {  	_ =	shalt  }
0x76: {  	_ =	shalt  }
0x77: {  	_ =	shalt  }
0x78: {  	_ =	shalt  }
0x79: {  	_ =	shalt  }
0x7a: {  	_ =	shalt  }
0x7b: {  	_ =	shalt  }
0x7c: {  	_ =	shalt  }
0x7d: {  	_ =	shalt  }
0x7e: {  	_ =	shalt  }
0x7f: {  	_ =	shalt  }
0x80: {  	_ =	shalt  }
0x81: {  	_ =	shalt  }
0x82: {  	_ =	shalt  }
0x83: {  	_ =	shalt  }
0x84: {  	_ =	shalt  }
0x85: {  	_ =	shalt  }
0x86: {  	_ =	shalt  }
0x87: {  	_ =	shalt  }
.Lfunc_end0:
.L_simem_size_0:
called_computation.1_lowered:
.L_overlay_start_0:
0x88: {  	s2 =	sld [smem:$0x3FD9]  }
0x89: {  	s3 =	sld [smem:$0x3FFE];
	_ =	sdelay $0x1  }
0x8a: {  	s1 =	srdreg.scid  }
0x8b: {  	s0 =	sand.u32 $0x1, s1  }
0x8c: {  	s17 =	sshll.u32 s0, $0xA;
	s2 =	sadd.s32 s3, s2  }
0x8d: {  	s2 =	sadd.s32 s2, s17  }
0x8e: {  	[smem:$0x3FC2] =	sst s2  }
0x8f: {  	_ = 	snop  }
0x90: {  	s18 =	sld [smem:$0x3FD0];
	(tm) =	ssettm $0x1  }
0x91: {  	s19 =	sld [smem:$0x3FFB];
	_ =	sdelay $0x3  }
0x92: {  	_ =	strace s19  }
0x93: {  	s2 =	sld [smem:$0x3FFC];
	_ =	sdelay $0x3  }
0x94: {  	_ =	strace s2  }
0x95: {  	s2 =	sld [smem:$0x3FFD];
	_ =	sdelay $0x3  }
0x96: {  	_ =	strace s2  }
0x97: {  	_ =	strace $0x8FFFFFFF  }
0x98: {  	s20 =	sld [smem:$0x3FDB];
	_ =	sdelay $0x1  }
0x99: {  	s4 =	simm.s32 $_scs_section_size  }
0x9a: {  	s5 =	simm.s32 $_size__tile_overlayer_lowered;
	s6 =	simm.s32 $_tile_overlayer_lowered  }
0x9b: {  	s7 =	simm.s32 $0x1BFF;
	s21 =	sshll.u32 s6, $0x1;
	s4 =	sadd.s32 s4, s20  }
0x9c: {  	s22 =	simm.s32 $0x0;
	s5 =	sshll.u32 s5, $0x1;
	s6 =	sadd.s32 s21, s4  }
0x9d: {  	[timem:s22], [sflag:s7] =	dma.local [hbm:s6], s5  }
0x9e: {  	_ =	swait.ge [sflag:s7], s5  }
0x9f: {  	s5 =	ssub.s32 $0x0, s5;
	[sflag:s7] =	ssyncset.done $0x0  }
0xa0: {  	[sflag:s7] =	ssyncadd.s32 s5;
	_ =	sdelay $0x1  }
0xa1: {  	s23 =	simm.s32 $0x1B8B  }
0xa2: {  	_ =	swait.ge [sflag:s23], $0x1  }
0xa3: {  	[sflag:s23] =	ssyncset.done $0x0  }
0xa4: {  	[sflag:s23] =	ssyncadd.s32 $0xFFFFFFFF  }
0xa5: {  	s5 =	sld [smem:$0x0]  }
0xa6: {  	s6 =	sand.u32 $0xFFFFFFFE, s1  }
0xa7: {  	p0 =	sne.s32 s1, s6  }
0xa8: {  	s6 =	sshll.u32 @p0 s6, $0xE  }
0xa9: {  	s6 =	sadd.s32 @p0 $0x11B8D, s6;
	s7 =	sshll.u32 @p0 s5, $0x11  }
0xaa: {  	s6 =	sor.u32 @p0 s7, s6  }
0xab: {  	[sflag:s6] =	ssyncadd.remote.s32 @p0 $0x1;
	_ =	sdelay $0x1  }
0xac: {  	s6 =	simm.s32 @p0 $0x1B8D  }
0xad: {  	_ =	swait.eq @p0 [sflag:s6], $0x1  }
0xae: {  	[sflag:s6] =	ssyncadd.s32 @p0 $0xFFFFFFFF  }
0xaf: {  	s7 =	sshll.u32 @!p0 s1, $0xE  }
0xb0: {  	s7 =	sor.u32 @!p0 $0x4000, s7;
	s6 =	simm.s32 @!p0 $0x1B8D  }
0xb1: {  	s5 =	sshll.u32 @!p0 s5, $0x11;
	s7 =	sadd.s32 @!p0 $0x11B8D, s7;
	_ =	swait.eq @!p0 [sflag:s6], $0x1  }
0xb2: {  	s5 =	sor.u32 @!p0 s5, s7;
	[sflag:s6] =	ssyncadd.s32 @!p0 $0xFFFFFFFF  }
0xb3: {  	s25 =	simm.s32 $0x1B8E;
	s24 =	sld [smem:$0x3FFE];
	[sflag:s5] =	ssyncadd.remote.s32 @!p0 $0x1  }
0xb4: {  	s26 =	simm.s32 $execute0_lowered;
	[smem:$0x3FD2] =	sst s25  }
0xb5: {  	s6 =	sshll.u32 s26, $0x1;
	_ =	strace $0x8000004C;
	[dreg:$0x1] =	wrdreg $0xFFFFFFFF  }
0xb6: {  	s28 =	simm.s32 $_size_execute0_lowered;
	s4 =	sadd.s32 s4, s6;
	[dreg:$0x0] =	wrdreg $0x0  }
0xb7: {  	s6 =	sshll.u32 s28, $0x1;
	[dreg:$0x2] =	wrdreg s4  }
0xb8: {  	[dreg:$0x3] =	wrdreg s6  }
0xb9: {  	[dreg:$0x4] =	wrdreg $0xC0  }
0xba: {  	_ =	task [dreg:s22], $0x5FFFF  }
0xbb: {  	[dreg:$0x1] =	wrdreg $0xFFFFFFFF  }
0xbc: {  	[dreg:$0x0] =	wrdreg $0x60  }
0xbd: {  	[dreg:$0x2] =	wrdreg s24  }
0xbe: {  	[dreg:$0x3] =	wrdreg s18  }
0xbf: {  	[dreg:$0x4] =	wrdreg $0xD0000  }
0xc0: {  	[dreg:$0x5] =	wrdreg $0x9  }
0xc1: {  	_ =	task.clear_ibuf [dreg:s22], $0x6FFFF;
	_ =	strace $0x9000004C  }
0xc2: {  	s29 =	simm.s32 $0x9;
	_ =	strace $0x8000004E  }
0xc3: {  	_ =	swait.ge [sflag:s29], $0x1  }
0xc4: {  	[sflag:s29] =	ssyncadd.s32 $0xFFFFFFFF  }
0xc5: {  	_ =	strace $0x9000004E  }
0xc6: {  	_ =	sfence  }
0xc7: {  	s30 =	sld [smem:$0x0];
	_ =	sdelay $0x2  }
0xc8: {  	s31 =	sshll.u32 s1, $0xD;
	s1 =	sshrl.u32 s1, $0x2  }
0xc9: {  	s4 =	sand.u32 $0x4000, s31;
	s1 =	sadd.s32 s1, s30  }
0xca: {  	s0 =	sor.u32 s4, s0;
	s1 =	sshll.u32 s1, $0x11  }
0xcb: {  	s0 =	sor.u32 s1, s0  }
0xcc: {  	s0 =	sadd.s32 $0x8F2B, s0  }
0xcd: {  	[sflag:s0] =	ssyncadd.remote.s32 $0x1  }
0xce: {  	_ =	sfence.sel $0xFFFF  }
0xcf: {  	[dreg:$0x0] =	wrdreg $0xFFFFFFFF;
	(pc) =	sbr.abs _section_cstart, $3  }
0xd0: {  	[dreg:$0x1] =	wrdreg $0xFFFFFFFF  }
0xd1: {  	_ =	task.clear_ibuf [dreg:s22], $0x2FFFF;
	_ =	strace $0x9FFFFFFF  }
0xd2: {  	(tm) =	ssettm $0x7FFFFFFF  }
0xd3: {  	_ =	shalt  }
tec
execute0_lowered:
.L_overlay_start_1:
0x0: {  	(tag) =	ssettag $0x1  }
0x1: {  	s1 =	srdreg.scid;
	s5 =	rddreg [dreg:$0x0]  }
0x2: {  	s0 =	stileid.u32;
	s6 =	rddreg [dreg:$0x1];
	s13 =	simm.s32 $0x2800  }
0x3: {  	s14 =	simm.s32 $0x80;
	s15 =	simm.s32 $0x5000;
	s16 =	simm.s32 $0x7000  }
0x4: {  	s17 =	simm.s32 $0x100;
	s18 =	simm.s32 $0x9000;
	s19 =	simm.s32 $0x180  }
0x5: {  	s20 =	simm.s32 $0xB000;
	s21 =	simm.s32 $0x1;
	s22 =	simm.s32 $0x2  }
0x6: {  	s23 =	simm.s32 $0x3;
	s24 =	simm.s32 $0x4;
	s25 =	simm.s32 $0x4E00  }
0x7: {  	s28 =	simm.s32 $0x4F00;
	s29 =	simm.s32 $0x4F80;
	s30 =	simm.s32 $0x0  }
0x8: {  	s1 =	sand.u32 $0x1, s1;
	s2 =	sshll.u32 s0, $0x1;
	s7 =	smul.u32 $0x9E00, s0  }
0x9: {  	s31 =	sshll.u32 s0, $0x6;
	s3 =	sor.u32 s1, s2;
	s8 =	smul.u32 $0x9E000, s1  }
0xa: {  	s2 =	rddreg [dreg:$0x2];
	s1 =	ssub.s32 $0x2, s1;
	s4 =	smul.u32 $0x500, s3  }
0xb: {  	s3 =	simm.s32 $0x0;
	s10 =	sshrl.u32 s1, $0x1;
	s26 =	sshrl.u32 s7, $0x3  }
0xc: {  	s12 =	sadd.s32 s7, s2;
	[smem:$0x7FF] =	sst s3;
	s8 =	sadd.s32 s7, s8  }
0xd: {  	s1 =	ssub.s32 s1, s10;
	_ =	strace $0x8000004D;
	s9 =	sadd.s32 s4, s5  }
0xe: {  	s4 =	sadd.s32 $0x50600, s5;
	s8 =	sshrl.u32 s8, $0x3;
	s10 =	smax.u32 s1, $0x1  }
0xf: {  	s11 =	sadd.s32 s8, s5;
	s5 =	sadd.s32 s6, s26;
	s6 =	sor.u32 $0x1C05, s31  }
0x10: {  	s7 =	sadd.s32 $0x1400, s9;
	s8 =	sadd.s32 $0xB400, s9;
	s26 =	simm.s32 $0x4E80  }
0x11: {  	s9 =	sadd.s32 $0x64000, s11;
	s11 =	sshrl.u32 s12, $0x3;
	s12 =	simm.s32 $0x5  }
.LBB2_1:
0x12: {  	[spmem:s11], [sflag:s6] =	dma.local [hbm:s5], $0x13C0  }
0x13: {  	_ =	swait.ge [sflag:s12], $0x13C0  }
0x14: {  	[sflag:s12] =	ssyncset.done $0x0  }
0x15: {  	[sflag:s12] =	ssyncadd.s32 $0xFFFFEC40  }
0x16: {  	[tilespmem:s3], [sflag:$0x5] =	stream.linear.gather [hbm4b:s7+s3], $0x2800, $0x38;
	[tilespmem:$0x16E00] =	vst v63  }
0x17: {  	_ =	swait.ge [sflag:s12], $0x2800  }
0x18: {  	[sflag:s12] =	ssyncset.done $0x0  }
0x19: {  	[sflag:s12] =	ssyncadd.s32 $0xFFFFD800  }
0x1a: {  	[tilespmem:s13], [sflag:$0x5] =	stream.linear.gather [hbm4b:s8+s3], $0x2800, $0x38;
	[tilespmem:$0x16E00] =	vst v63  }
0x1b: {  	_ =	swait.ge [sflag:s12], $0x2800  }
0x1c: {  	[sflag:s12] =	ssyncset.done $0x0  }
0x1d: {  	[sflag:s12] =	ssyncadd.s32 $0xFFFFD800  }
0x1e: {  	[bflag:$0x0] =	sbarrier.arrive $0xFFFF  }
0x1f: {  	[tilespmem:s15], [sflag:$0x1] =	stream.indirect.gather [hbm4b:s4+s14], $0x40, s3, s14, $0xb8;
	[tilespmem:$0x16E00] =	vst v63  }
0x20: {  	_ = 	snop  }
0x21: {  	[tilespmem:s16], [sflag:$0x2] =	stream.indirect.gather [hbm4b:s4+s14], $0x40, s14, s14, $0xb8;
	[tilespmem:$0x16E00] =	vst v63  }
0x22: {  	_ = 	snop  }
0x23: {  	[tilespmem:s18], [sflag:$0x3] =	stream.indirect.gather [hbm4b:s4+s14], $0x40, s17, s14, $0xb8;
	[tilespmem:$0x16E00] =	vst v63  }
0x24: {  	_ = 	snop  }
0x25: {  	[tilespmem:s20], [sflag:$0x4] =	stream.indirect.gather [hbm4b:s4+s14], $0x40, s19, s14, $0xb8;
	[tilespmem:$0x16E00] =	vst v63  }
0x26: {  	_ =	swait.ge [sflag:s21], $0x2000  }
0x27: {  	[sflag:s21] =	ssyncset.done $0x0  }
0x28: {  	s1 =	simm.s32 $0x2800;
	[sflag:s21] =	ssyncadd.s32 $0xFFFFE000  }
0x29: {  	[spmem:s2] =	stream.indirect.scatter.add.f32 [tilespmem:s15], [sflag:$0x5], $0x40, s1, s14, $0xb8;
	[tilespmem:$0x16E00] =	vst v63  }
0x2a: {  	_ =	swait.ge [sflag:s12], $0x2000  }
0x2b: {  	[sflag:s12] =	ssyncset.done $0x0  }
0x2c: {  	s0 =	simm.s32 $0x200;
	[sflag:s12] =	ssyncadd.s32 $0xFFFFE000  }
0x2d: {  	[tilespmem:s15], [sflag:$0x1] =	stream.indirect.gather [hbm4b:s4+s14], $0x40, s0, s14, $0xb8;
	[tilespmem:$0x16E00] =	vst v63  }
0x2e: {  	_ =	swait.ge [sflag:s22], $0x2000  }
0x2f: {  	[sflag:s22] =	ssyncset.done $0x0  }
0x30: {  	s0 =	simm.s32 $0x2880;
	[sflag:s22] =	ssyncadd.s32 $0xFFFFE000  }
0x31: {  	[spmem:s2] =	stream.indirect.scatter.add.f32 [tilespmem:s16], [sflag:$0x5], $0x40, s0, s14, $0xb8;
	[tilespmem:$0x16E00] =	vst v63  }
0x32: {  	_ =	swait.ge [sflag:s12], $0x2000  }
0x33: {  	[sflag:s12] =	ssyncset.done $0x0  }
0x34: {  	s0 =	simm.s32 $0x280;
	[sflag:s12] =	ssyncadd.s32 $0xFFFFE000  }
0x35: {  	[tilespmem:s16], [sflag:$0x2] =	stream.indirect.gather [hbm4b:s4+s14], $0x40, s0, s14, $0xb8;
	[tilespmem:$0x16E00] =	vst v63  }
0x36: {  	_ =	swait.ge [sflag:s23], $0x2000  }
0x37: {  	[sflag:s23] =	ssyncset.done $0x0  }
0x38: {  	s0 =	simm.s32 $0x2900;
	[sflag:s23] =	ssyncadd.s32 $0xFFFFE000  }
0x39: {  	[spmem:s2] =	stream.indirect.scatter.add.f32 [tilespmem:s18], [sflag:$0x5], $0x40, s0, s14, $0xb8;
	[tilespmem:$0x16E00] =	vst v63  }
0x3a: {  	_ =	swait.ge [sflag:s12], $0x2000  }
0x3b: {  	[sflag:s12] =	ssyncset.done $0x0  }
0x3c: {  	s0 =	simm.s32 $0x300;
	[sflag:s12] =	ssyncadd.s32 $0xFFFFE000  }
0x3d: {  	[tilespmem:s18], [sflag:$0x3] =	stream.indirect.gather [hbm4b:s4+s14], $0x40, s0, s14, $0xb8;
	[tilespmem:$0x16E00] =	vst v63  }
0x3e: {  	_ =	swait.ge [sflag:s24], $0x2000  }
0x3f: {  	[sflag:s24] =	ssyncset.done $0x0  }
0x40: {  	s0 =	simm.s32 $0x2980;
	[sflag:s24] =	ssyncadd.s32 $0xFFFFE000  }
0x41: {  	[spmem:s2] =	stream.indirect.scatter.add.f32 [tilespmem:s20], [sflag:$0x5], $0x40, s0, s14, $0xb8;
	[tilespmem:$0x16E00] =	vst v63  }
0x42: {  	_ =	swait.ge [sflag:s12], $0x2000  }
0x43: {  	[sflag:s12] =	ssyncset.done $0x0  }
0x44: {  	s31 =	simm.s32 $0x800;
	s1 =	simm.s32 $0x380;
	[sflag:s12] =	ssyncadd.s32 $0xFFFFE000  }
.LBB2_2:
0x45: {  	[tilespmem:s20], [sflag:$0x4] =	stream.indirect.gather [hbm4b:s4+s14], $0x40, s1, s14, $0xb8;
	[tilespmem:$0x16E00] =	vst v63  }
0x46: {  	s1 =	smov.u32 s31  }
0x47: {  	p0 =	sne.s32 s31, $0x9000;
	s31 =	sadd.s32 $0x800, s31;
	_ =	swait.ge [sflag:s21], $0x2000  }
0x48: {  	s1 =	sshra.s32 s1, $0x2;
	[sflag:s21] =	ssyncset.done $0x0  }
0x49: {  	s0 =	sadd.s32 $0x2800, s1;
	[sflag:s21] =	ssyncadd.s32 $0xFFFFE000  }
0x4a: {  	[spmem:s2] =	stream.indirect.scatter.add.f32 [tilespmem:s15], [sflag:$0x5], $0x40, s0, s14, $0xb8;
	[tilespmem:$0x16E00] =	vst v63  }
0x4b: {  	_ =	swait.ge [sflag:s12], $0x2000  }
0x4c: {  	[sflag:s12] =	ssyncset.done $0x0  }
0x4d: {  	s0 =	sadd.s32 $0x200, s1;
	[sflag:s12] =	ssyncadd.s32 $0xFFFFE000  }
0x4e: {  	[tilespmem:s15], [sflag:$0x1] =	stream.indirect.gather [hbm4b:s4+s14], $0x40, s0, s14, $0xb8;
	[tilespmem:$0x16E00] =	vst v63  }
0x4f: {  	_ =	swait.ge [sflag:s22], $0x2000  }
0x50: {  	[sflag:s22] =	ssyncset.done $0x0  }
0x51: {  	s0 =	sadd.s32 $0x2880, s1;
	[sflag:s22] =	ssyncadd.s32 $0xFFFFE000  }
0x52: {  	[spmem:s2] =	stream.indirect.scatter.add.f32 [tilespmem:s16], [sflag:$0x5], $0x40, s0, s14, $0xb8;
	[tilespmem:$0x16E00] =	vst v63  }
0x53: {  	_ =	swait.ge [sflag:s12], $0x2000  }
0x54: {  	[sflag:s12] =	ssyncset.done $0x0  }
0x55: {  	s0 =	sadd.s32 $0x280, s1;
	[sflag:s12] =	ssyncadd.s32 $0xFFFFE000  }
0x56: {  	[tilespmem:s16], [sflag:$0x2] =	stream.indirect.gather [hbm4b:s4+s14], $0x40, s0, s14, $0xb8;
	[tilespmem:$0x16E00] =	vst v63  }
0x57: {  	_ =	swait.ge [sflag:s23], $0x2000  }
0x58: {  	[sflag:s23] =	ssyncset.done $0x0  }
0x59: {  	s0 =	sadd.s32 $0x2900, s1;
	[sflag:s23] =	ssyncadd.s32 $0xFFFFE000  }
0x5a: {  	[spmem:s2] =	stream.indirect.scatter.add.f32 [tilespmem:s18], [sflag:$0x5], $0x40, s0, s14, $0xb8;
	[tilespmem:$0x16E00] =	vst v63  }
0x5b: {  	_ =	swait.ge [sflag:s12], $0x2000  }
0x5c: {  	[sflag:s12] =	ssyncset.done $0x0  }
0x5d: {  	s0 =	sadd.s32 $0x300, s1;
	[sflag:s12] =	ssyncadd.s32 $0xFFFFE000  }
0x5e: {  	[tilespmem:s18], [sflag:$0x3] =	stream.indirect.gather [hbm4b:s4+s14], $0x40, s0, s14, $0xb8;
	[tilespmem:$0x16E00] =	vst v63  }
0x5f: {  	_ =	swait.ge [sflag:s24], $0x2000  }
0x60: {  	[sflag:s24] =	ssyncset.done $0x0  }
.Ltmp0:
0x61: {  	s0 =	sadd.s32 $0x2980, s1;
	[sflag:s24] =	ssyncadd.s32 $0xFFFFE000;
	(pc) =	sbr.rel @p0 .LBB2_2-.Ltmp0, $4  }
0x62: {  	[spmem:s2] =	stream.indirect.scatter.add.f32 [tilespmem:s20], [sflag:$0x5], $0x40, s0, s14, $0xb8;
	[tilespmem:$0x16E00] =	vst v63  }
0x63: {  	_ =	swait.ge [sflag:s12], $0x2000  }
0x64: {  	[sflag:s12] =	ssyncset.done $0x0  }
0x65: {  	s1 =	sadd.s32 $0x380, s1;
	[sflag:s12] =	ssyncadd.s32 $0xFFFFE000  }
0x66: {  	[tilespmem:s20], [sflag:$0x4] =	stream.indirect.gather [hbm4b:s4+s14], $0x40, s1, s14, $0xb8;
	[tilespmem:$0x16E00] =	vst v63  }
0x67: {  	_ =	swait.ge [sflag:s21], $0x2000  }
0x68: {  	[sflag:s21] =	ssyncset.done $0x0  }
0x69: {  	[sflag:s21] =	ssyncadd.s32 $0xFFFFE000  }
0x6a: {  	[spmem:s2] =	stream.indirect.scatter.add.f32 [tilespmem:s15], [sflag:$0x5], $0x40, s25, s14, $0xb8;
	[tilespmem:$0x16E00] =	vst v63  }
0x6b: {  	_ =	swait.ge [sflag:s12], $0x2000  }
0x6c: {  	[sflag:s12] =	ssyncset.done $0x0  }
0x6d: {  	[sflag:s12] =	ssyncadd.s32 $0xFFFFE000  }
0x6e: {  	_ =	swait.ge [sflag:s22], $0x2000  }
0x6f: {  	[sflag:s22] =	ssyncset.done $0x0  }
0x70: {  	[sflag:s22] =	ssyncadd.s32 $0xFFFFE000  }
0x71: {  	[spmem:s2] =	stream.indirect.scatter.add.f32 [tilespmem:s16], [sflag:$0x5], $0x40, s26, s14, $0xb8;
	[tilespmem:$0x16E00] =	vst v63  }
0x72: {  	_ =	swait.ge [sflag:s12], $0x2000  }
0x73: {  	[sflag:s12] =	ssyncset.done $0x0  }
0x74: {  	[sflag:s12] =	ssyncadd.s32 $0xFFFFE000  }
0x75: {  	_ =	swait.ge [sflag:s23], $0x2000  }
0x76: {  	[sflag:s23] =	ssyncset.done $0x0  }
0x77: {  	[sflag:s23] =	ssyncadd.s32 $0xFFFFE000  }
0x78: {  	[spmem:s2] =	stream.indirect.scatter.add.f32 [tilespmem:s18], [sflag:$0x5], $0x40, s28, s14, $0xb8;
	[tilespmem:$0x16E00] =	vst v63  }
0x79: {  	_ =	swait.ge [sflag:s12], $0x2000  }
0x7a: {  	[sflag:s12] =	ssyncset.done $0x0  }
0x7b: {  	[sflag:s12] =	ssyncadd.s32 $0xFFFFE000  }
0x7c: {  	_ =	swait.ge [sflag:s24], $0x2000  }
0x7d: {  	[sflag:s24] =	ssyncset.done $0x0  }
0x7e: {  	[sflag:s24] =	ssyncadd.s32 $0xFFFFE000  }
0x7f: {  	[spmem:s2] =	stream.indirect.scatter.add.f32 [tilespmem:s20], [sflag:$0x5], $0x40, s29, s14, $0xb8;
	[tilespmem:$0x16E00] =	vst v63  }
0x80: {  	_ =	swait.ge [sflag:s12], $0x2000  }
0x81: {  	s30 =	sadd.s32 $0x1, s30;
	[sflag:s12] =	ssyncset.done $0x0  }
0x82: {  	p0 =	sne.s32 s30, s10;
	[sflag:s12] =	ssyncadd.s32 $0xFFFFE000  }
.Ltmp1:
0x83: {  	[bflag:$0x0] =	sbarrier.arrive $0xFFFF;
	(pc) =	sbr.rel @p0 .LBB2_1-.Ltmp1, $4  }
0x84: {  	[hbm:s9], [sflag:s6] =	dma.local [spmem:s11], $0x13C0  }
0x85: {  	_ =	swait.ge [sflag:s12], $0x13C0  }
0x86: {  	[sflag:s12] =	ssyncset.done $0x0  }
0x87: {  	[sflag:s12] =	ssyncadd.s32 $0xFFFFEC40  }
0x88: {  	_ =	sfence.sel $0x180000  }
0x89: {  	[bflag:$0x0] =	sbarrier.arrive $0xFFFF  }
0x8a: {  	_ =	strace $0x9000004D  }
0x8b: {  	s0 =	stileid.u32;
	[bflag:$0x2] =	sbarrier.arrive $0xFFFF  }
0x8c: {  	p0 =	sne.s32 s0, $0x0;
	s0 =	rddreg [dreg:$0x3]  }
0x8d: {  	s0 =	sadd.s32 @!p0 $0x100000, s0  }
0x8e: {  	[sflag:s0] =	ssyncadd.tile.s32 @!p0 $0x1;
	_ =	shalt  }
.Lfunc_end2:
_tile_overlayer_lowered:
.L_overlay_start_2:
0x8f: {  	(tag) =	ssettag $0x2  }
0x90: {  	s0 =	rddreg [dreg:$0x0];
	s2 =	stileid.u32  }
0x91: {  	s1 =	rddreg [dreg:$0x1];
	p0 =	sne.s32 s2, $0x0  }
0x92: {  	s3 =	rddreg [dreg:$0x2];
	[bflag:$0x3] =	sbarrier.arrive $0xFFFF;
	s2 =	simm.s32 @!p0 $0x1C05  }
0x93: {  	[timem:s3], [sflag:s2] =	dma.local @!p0 [hbm:s0], s1  }
0x94: {  	s0 =	simm.s32 @!p0 $0x5  }
0x95: {  	_ =	swait.ge @!p0 [sflag:s0], s1  }
0x96: {  	s1 =	ssub.s32 @!p0 $0x0, s1;
	[sflag:s0] =	ssyncset.done @!p0 $0x0  }
0x97: {  	[sflag:s0] =	ssyncadd.s32 @!p0 s1  }
0x98: {  	[bflag:$0x3] =	sbarrier.arrive $0xFFFF  }
0x99: {  	_ =	shalt  }

// kernel: kernel.15.cloned.1.call-start
scs
__scs_entry_jumppad:
0x0: {  	(pc) =	sbr.rel $0x88, $3  }
0x1: {  	(tag) =	ssettag $0x0;
	lr =	simm.s32 $0x1  }
0x2: {  	[smem:$0x3F9B] =	sst lr;
	_ =	strace $0xD0000000  }
0x3: {  	_ = 	snop  }
0x4: {  	_ = 	snop  }
0x5: {  	_ = 	snop  }
0x6: {  	_ = 	snop  }
0x7: {  	_ = 	snop  }
__scs_overlays_trampoline_lowered:
0x8: {  	[smem:$0x3FAA] =	sst s0  }
0x9: {  	[smem:$0x3FAB] =	sst s1  }
0xa: {  	[smem:$0x3FAC] =	sst s2  }
0xb: {  	[smem:$0x3FAD] =	sst s3  }
0xc: {  	[smem:$0x3FAE] =	sst s4  }
0xd: {  	[smem:$0x3FAF] =	sst s5  }
0xe: {  	[smem:$0x3FB0] =	sst s6  }
0xf: {  	[smem:$0x3FB1] =	sst s7  }
0x10: {  	[smem:$0x3FB2] =	sst s8  }
0x11: {  	[smem:$0x3FB3] =	sst s9;
	s0 =	simm.s32 @!p0 $0x0  }
0x12: {  	s1 =	sld [smem:$0x3F99];
	s0 =	simm.s32 @p0 $0x1  }
0x13: {  	[smem:$0x3FB4] =	sst s0;
	s0 =	simm.s32 @!p1 $0x0  }
0x14: {  	s2 =	sld [smem:$0x3F98];
	s0 =	simm.s32 @p1 $0x1  }
0x15: {  	[smem:$0x3FB5] =	sst s0;
	s0 =	simm.s32 @!p2 $0x0  }
0x16: {  	s3 =	sld [smem:$0x3FDB];
	s0 =	simm.s32 @p2 $0x1  }
0x17: {  	s4 =	simm.s32 $0x1BF5;
	[smem:$0x3FB7] =	sst s0  }
0x18: {  	s0 =	sld [smem:$0x3F9A];
	_ =	swait.ge [sflag:s4], $0x0  }
0x19: {  	s7 =	sld [smem:$0x3F9B]  }
0x1a: {  	s8 =	sadd.s32 $0xFFFFE003, lr  }
0x1b: {  	s9 =	sadd.s32 $0xFFFFFEF7, lr;
	s5 =	simm.s32 $0xFFFFFFFF;
	p2 =	slt.u32 s8, $0xFFFFF086  }
0x1c: {  	p1 =	slt.u32 s9, $0xF7A;
	s5 =	simm.s32 @!p2 $0x0  }
0x1d: {  	s5 =	simm.s32 @p1 $0x1;
	p0 =	seq.s32 s7, s2  }
0x1e: {  	s7 =	smul.u32 @!p0 $0xF7A, s2;
	p2 =	seq.s32 @!p0 s5, $0x0  }
0x1f: {  	s9 =	smul.u32 $0xF7A, s1;
	s8 =	simm.s32 @!p0 $0x1BF5;
	p2 =	por !p2, p0  }
0x20: {  	[sflag:s8] =	ssyncset.s32 @!p0 $0xFFFFF086;
	s6 =	sadd.s32 @!p0 s3, s7;
	s7 =	simm.s32 @!p0 $0x108  }
0x21: {  	s3 =	sadd.s32 s3, s9;
	s6 =	sadd.s32 @!p0 $0x88, s6;
	s7 =	simm.s32 @p2 $0x1082  }
0x22: {  	[simem:s7], [sflag:s8] =	dma.local @!p0 [hbm:s6], $0xF7A  }
0x23: {  	s9 =	sor.u32 $0xD0000000, s2;
	s6 =	simm.s32 $0x108;
	_ =	swait.ge @!p0 [sflag:s8], $0x0  }
0x24: {  	s3 =	sadd.s32 $0x88, s3;
	s6 =	simm.s32 @!p1 $0x1082;
	[sflag:s4] =	ssyncset.s32 $0xFFFFF086  }
0x25: {  	[simem:s6], [sflag:s4] =	dma.local [hbm:s3], $0xF7A  }
0x26: {  	[smem:$0x3F9B] =	sst s1;
	(tag) =	ssettag s2;
	_ =	strace s9  }
0x27: {  	s1 =	sld [smem:$0x3FAB]  }
0x28: {  	s2 =	sld [smem:$0x3FAC]  }
0x29: {  	s4 =	sld [smem:$0x3FAE]  }
0x2a: {  	p0 =	seq.s32 s5, $0x0;
	s5 =	sld [smem:$0x3FAF]  }
0x2b: {  	s6 =	sld [smem:$0x3FB0]  }
0x2c: {  	s7 =	sld [smem:$0x3FB1]  }
0x2d: {  	s3 =	simm.s32 $0x108;
	s8 =	sld [smem:$0x3FB2]  }
0x2e: {  	s3 =	simm.s32 @!p0 $0x1082;
	s9 =	sld [smem:$0x3FB3]  }
0x2f: {  	lr =	sadd.s32 s0, s3;
	s0 =	sld [smem:$0x3FAA]  }
0x30: {  	s3 =	sld [smem:$0x3FAD]  }
0x31: {  	[smem:$0x3FB6] =	sst s10  }
0x32: {  	s10 =	sld [smem:$0x3FB4];
	_ =	sdelay $0x3  }
0x33: {  	p0 =	seq.s32 s10, $0x1;
	s10 =	sld [smem:$0x3FB6];
	_ =	sdelay $0x3  }
0x34: {  	[smem:$0x3FB6] =	sst s10  }
0x35: {  	s10 =	sld [smem:$0x3FB5];
	_ =	sdelay $0x3  }
0x36: {  	p1 =	seq.s32 s10, $0x1;
	s10 =	sld [smem:$0x3FB6];
	_ =	sdelay $0x3  }
0x37: {  	[smem:$0x3FB6] =	sst s10  }
0x38: {  	s10 =	sld [smem:$0x3FB7]  }
0x39: {  	_ = 	snop;
	(pc) =	sbr.ind lr, $3  }
0x3a: {  	_ = 	snop  }
0x3b: {  	_ = 	snop  }
0x3c: {  	p2 =	seq.s32 s10, $0x1;
	s10 =	sld [smem:$0x3FB6]  }
0x3d: {  	_ =	shalt  }
0x3e: {  	_ =	shalt  }
0x3f: {  	_ =	shalt  }
0x40: {  	_ =	shalt  }
0x41: {  	_ =	shalt  }
0x42: {  	_ =	shalt  }
0x43: {  	_ =	shalt  }
0x44: {  	_ =	shalt  }
0x45: {  	_ =	shalt  }
0x46: {  	_ =	shalt  }
0x47: {  	_ =	shalt  }
0x48: {  	_ =	shalt  }
0x49: {  	_ =	shalt  }
0x4a: {  	_ =	shalt  }
0x4b: {  	_ =	shalt  }
0x4c: {  	_ =	shalt  }
0x4d: {  	_ =	shalt  }
0x4e: {  	_ =	shalt  }
0x4f: {  	_ =	shalt  }
0x50: {  	_ =	shalt  }
0x51: {  	_ =	shalt  }
0x52: {  	_ =	shalt  }
0x53: {  	_ =	shalt  }
0x54: {  	_ =	shalt  }
0x55: {  	_ =	shalt  }
0x56: {  	_ =	shalt  }
0x57: {  	_ =	shalt  }
0x58: {  	_ =	shalt  }
0x59: {  	_ =	shalt  }
0x5a: {  	_ =	shalt  }
0x5b: {  	_ =	shalt  }
0x5c: {  	_ =	shalt  }
0x5d: {  	_ =	shalt  }
0x5e: {  	_ =	shalt  }
0x5f: {  	_ =	shalt  }
0x60: {  	_ =	shalt  }
0x61: {  	_ =	shalt  }
0x62: {  	_ =	shalt  }
0x63: {  	_ =	shalt  }
0x64: {  	_ =	shalt  }
0x65: {  	_ =	shalt  }
0x66: {  	_ =	shalt  }
0x67: {  	_ =	shalt  }
0x68: {  	_ =	shalt  }
0x69: {  	_ =	shalt  }
0x6a: {  	_ =	shalt  }
0x6b: {  	_ =	shalt  }
0x6c: {  	_ =	shalt  }
0x6d: {  	_ =	shalt  }
0x6e: {  	_ =	shalt  }
0x6f: {  	_ =	shalt  }
0x70: {  	_ =	shalt  }
0x71: {  	_ =	shalt  }
0x72: {  	_ =	shalt  }
0x73: {  	_ =	shalt  }
0x74: {  	_ =	shalt  }
0x75: {  	_ =	shalt  }
0x76: {  	_ =	shalt  }
0x77: {  	_ =	shalt  }
0x78: {  	_ =	shalt  }
0x79: {  	_ =	shalt  }
0x7a: {  	_ =	shalt  }
0x7b: {  	_ =	shalt  }
0x7c: {  	_ =	shalt  }
0x7d: {  	_ =	shalt  }
0x7e: {  	_ =	shalt  }
0x7f: {  	_ =	shalt  }
0x80: {  	_ =	shalt  }
0x81: {  	_ =	shalt  }
0x82: {  	_ =	shalt  }
0x83: {  	_ =	shalt  }
0x84: {  	_ =	shalt  }
0x85: {  	_ =	shalt  }
0x86: {  	_ =	shalt  }
0x87: {  	_ =	shalt  }
.Lfunc_end0:
.L_simem_size_0:
called_computation.2_lowered:
.L_overlay_start_0:
0x88: {  	s2 =	sld [smem:$0x3FD9]  }
0x89: {  	s3 =	sld [smem:$0x3FFE];
	_ =	sdelay $0x1  }
0x8a: {  	s1 =	srdreg.scid  }
0x8b: {  	s0 =	sand.u32 $0x1, s1  }
0x8c: {  	s17 =	sshll.u32 s0, $0xA;
	s2 =	sadd.s32 s3, s2  }
0x8d: {  	s2 =	sadd.s32 s2, s17  }
0x8e: {  	[smem:$0x3FC2] =	sst s2  }
0x8f: {  	_ = 	snop  }
0x90: {  	s2 =	sld [smem:$0x3FD0];
	(tm) =	ssettm $0x1  }
0x91: {  	s18 =	sld [smem:$0x3FFB];
	_ =	sdelay $0x3  }
0x92: {  	_ =	strace s18  }
0x93: {  	s3 =	sld [smem:$0x3FFC];
	_ =	sdelay $0x3  }
0x94: {  	_ =	strace s3  }
0x95: {  	s3 =	sld [smem:$0x3FFD];
	_ =	sdelay $0x3  }
0x96: {  	_ =	strace s3  }
0x97: {  	_ =	strace $0x8FFFFFFF  }
0x98: {  	s19 =	sld [smem:$0x3FDB];
	_ =	sdelay $0x1  }
0x99: {  	s4 =	simm.s32 $_scs_section_size  }
0x9a: {  	s5 =	simm.s32 $_size__tile_overlayer_lowered;
	s6 =	simm.s32 $_tile_overlayer_lowered  }
0x9b: {  	s22 =	simm.s32 $0x1BFF;
	s21 =	sshll.u32 s6, $0x1;
	s3 =	sadd.s32 s4, s19  }
0x9c: {  	s7 =	simm.s32 $0x0;
	s20 =	sshll.u32 s5, $0x1;
	s5 =	sadd.s32 s21, s3  }
0x9d: {  	[timem:s7], [sflag:s22] =	dma.local [hbm:s5], s20  }
0x9e: {  	_ =	swait.ge [sflag:s22], s20  }
0x9f: {  	s4 =	ssub.s32 $0x0, s20;
	[sflag:s22] =	ssyncset.done $0x0  }
0xa0: {  	[sflag:s22] =	ssyncadd.s32 s4;
	_ =	sdelay $0x1  }
0xa1: {  	s23 =	simm.s32 $0x1B8B  }
0xa2: {  	_ =	swait.ge [sflag:s23], $0x1  }
0xa3: {  	[sflag:s23] =	ssyncset.done $0x0  }
0xa4: {  	s25 =	simm.s32 $0x1B8E;
	s24 =	sld [smem:$0x3FFE];
	[sflag:s23] =	ssyncadd.s32 $0xFFFFFFFF  }
0xa5: {  	s26 =	simm.s32 $execute0_lowered;
	[smem:$0x3FD2] =	sst s25  }
0xa6: {  	s5 =	sshll.u32 s26, $0x1;
	_ =	strace $0x80000049;
	[dreg:$0x1] =	wrdreg $0xFFFFFFFF  }
0xa7: {  	s28 =	simm.s32 $_size_execute0_lowered;
	s3 =	sadd.s32 s3, s5;
	[dreg:$0x0] =	wrdreg $0x0  }
0xa8: {  	s5 =	sshll.u32 s28, $0x1;
	[dreg:$0x2] =	wrdreg s3  }
0xa9: {  	[dreg:$0x3] =	wrdreg s5  }
0xaa: {  	[dreg:$0x4] =	wrdreg $0xC0  }
0xab: {  	_ =	task [dreg:s7], $0x5FFFF  }
0xac: {  	[dreg:$0x1] =	wrdreg $0xFFFFFFFF  }
0xad: {  	[dreg:$0x0] =	wrdreg $0x60  }
0xae: {  	[dreg:$0x2] =	wrdreg s24  }
0xaf: {  	[dreg:$0x3] =	wrdreg s2  }
0xb0: {  	[dreg:$0x4] =	wrdreg $0xD0000  }
0xb1: {  	[dreg:$0x5] =	wrdreg $0xA  }
0xb2: {  	_ =	task.clear_ibuf [dreg:s7], $0x6FFFF;
	_ =	strace $0x90000049  }
0xb3: {  	s29 =	simm.s32 $0xA;
	_ =	strace $0x8000004B  }
0xb4: {  	_ =	swait.ge [sflag:s29], $0x1  }
0xb5: {  	[sflag:s29] =	ssyncadd.s32 $0xFFFFFFFF  }
0xb6: {  	_ =	strace $0x9000004B  }
0xb7: {  	_ =	sfence  }
0xb8: {  	s30 =	sld [smem:$0x0];
	_ =	sdelay $0x2  }
0xb9: {  	s31 =	sshll.u32 s1, $0xD;
	s1 =	sshrl.u32 s1, $0x2  }
0xba: {  	s3 =	sand.u32 $0x4000, s31;
	s1 =	sadd.s32 s1, s30  }
0xbb: {  	s0 =	sor.u32 s3, s0;
	s1 =	sshll.u32 s1, $0x11  }
0xbc: {  	s0 =	sor.u32 s1, s0  }
0xbd: {  	s0 =	sadd.s32 $0x8F2B, s0  }
0xbe: {  	[sflag:s0] =	ssyncadd.remote.s32 $0x1  }
0xbf: {  	_ =	sfence.sel $0xFFFF  }
0xc0: {  	[dreg:$0x0] =	wrdreg $0xFFFFFFFF;
	(pc) =	sbr.abs _section_cstart, $3  }
0xc1: {  	[dreg:$0x1] =	wrdreg $0xFFFFFFFF  }
0xc2: {  	_ =	task.clear_ibuf [dreg:s7], $0x2FFFF;
	_ =	strace $0x9FFFFFFF  }
0xc3: {  	(tm) =	ssettm $0x7FFFFFFF  }
tec
execute0_lowered:
.L_overlay_start_1:
0x0: {  	(tag) =	ssettag $0x1  }
0x1: {  	s1 =	srdreg.scid;
	s5 =	rddreg [dreg:$0x0]  }
0x2: {  	s0 =	stileid.u32;
	s6 =	rddreg [dreg:$0x1];
	s13 =	simm.s32 $0x2800  }
0x3: {  	s14 =	simm.s32 $0x80;
	s15 =	simm.s32 $0x5000;
	s16 =	simm.s32 $0x7000  }
0x4: {  	s17 =	simm.s32 $0x100;
	s18 =	simm.s32 $0x9000;
	s19 =	simm.s32 $0x180  }
0x5: {  	s20 =	simm.s32 $0xB000;
	s21 =	simm.s32 $0x1;
	s22 =	simm.s32 $0x2  }
0x6: {  	s23 =	simm.s32 $0x3;
	s24 =	simm.s32 $0x4;
	s25 =	simm.s32 $0x4E00  }
0x7: {  	s28 =	simm.s32 $0x4F00;
	s29 =	simm.s32 $0x4F80;
	s30 =	simm.s32 $0x0  }
0x8: {  	s1 =	sand.u32 $0x1, s1;
	s2 =	sshll.u32 s0, $0x1;
	s7 =	smul.u32 $0x9E00, s0  }
0x9: {  	s31 =	sshll.u32 s0, $0x6;
	s3 =	sor.u32 s1, s2;
	s8 =	smul.u32 $0x9E000, s1  }
0xa: {  	s2 =	rddreg [dreg:$0x2];
	s1 =	ssub.s32 $0x2, s1;
	s4 =	smul.u32 $0x500, s3  }
0xb: {  	s3 =	simm.s32 $0x0;
	s10 =	sshrl.u32 s1, $0x1;
	s26 =	sshrl.u32 s7, $0x3  }
0xc: {  	s12 =	sadd.s32 s7, s2;
	[smem:$0x7FF] =	sst s3;
	s8 =	sadd.s32 s7, s8  }
0xd: {  	s1 =	ssub.s32 s1, s10;
	_ =	strace $0x8000004A;
	s9 =	sadd.s32 s4, s5  }
0xe: {  	s4 =	sadd.s32 $0x15400, s5;
	s8 =	sshrl.u32 s8, $0x3;
	s10 =	smax.u32 s1, $0x1  }
0xf: {  	s11 =	sadd.s32 s8, s5;
	s5 =	sadd.s32 s6, s26;
	s6 =	sor.u32 $0x1C05, s31  }
0x10: {  	s7 =	sadd.s32 $0x1400, s9;
	s8 =	sadd.s32 $0xB400, s9;
	s26 =	simm.s32 $0x4E80  }
0x11: {  	s9 =	sadd.s32 $0x28E00, s11;
	s11 =	sshrl.u32 s12, $0x3;
	s12 =	simm.s32 $0x5  }
.LBB2_1:
0x12: {  	[spmem:s11], [sflag:s6] =	dma.local [hbm:s5], $0x13C0  }
0x13: {  	_ =	swait.ge [sflag:s12], $0x13C0  }
0x14: {  	[sflag:s12] =	ssyncset.done $0x0  }
0x15: {  	[sflag:s12] =	ssyncadd.s32 $0xFFFFEC40  }
0x16: {  	[tilespmem:s3], [sflag:$0x5] =	stream.linear.gather [hbm4b:s7+s3], $0x2800, $0x38;
	[tilespmem:$0x16E00] =	vst v63  }
0x17: {  	_ =	swait.ge [sflag:s12], $0x2800  }
0x18: {  	[sflag:s12] =	ssyncset.done $0x0  }
0x19: {  	[sflag:s12] =	ssyncadd.s32 $0xFFFFD800  }
0x1a: {  	[tilespmem:s13], [sflag:$0x5] =	stream.linear.gather [hbm4b:s8+s3], $0x2800, $0x38;
	[tilespmem:$0x16E00] =	vst v63  }
0x1b: {  	_ =	swait.ge [sflag:s12], $0x2800  }
0x1c: {  	[sflag:s12] =	ssyncset.done $0x0  }
0x1d: {  	[sflag:s12] =	ssyncadd.s32 $0xFFFFD800  }
0x1e: {  	[bflag:$0x0] =	sbarrier.arrive $0xFFFF  }
0x1f: {  	[tilespmem:s15], [sflag:$0x1] =	stream.indirect.gather [hbm4b:s4+s14], $0x40, s3, s14, $0xb8;
	[tilespmem:$0x16E00] =	vst v63  }
0x20: {  	_ = 	snop  }
0x21: {  	[tilespmem:s16], [sflag:$0x2] =	stream.indirect.gather [hbm4b:s4+s14], $0x40, s14, s14, $0xb8;
	[tilespmem:$0x16E00] =	vst v63  }
0x22: {  	_ = 	snop  }
0x23: {  	[tilespmem:s18], [sflag:$0x3] =	stream.indirect.gather [hbm4b:s4+s14], $0x40, s17, s14, $0xb8;
	[tilespmem:$0x16E00] =	vst v63  }
0x24: {  	_ = 	snop  }
0x25: {  	[tilespmem:s20], [sflag:$0x4] =	stream.indirect.gather [hbm4b:s4+s14], $0x40, s19, s14, $0xb8;
	[tilespmem:$0x16E00] =	vst v63  }
0x26: {  	_ =	swait.ge [sflag:s21], $0x2000  }
0x27: {  	[sflag:s21] =	ssyncset.done $0x0  }
0x28: {  	s1 =	simm.s32 $0x2800;
	[sflag:s21] =	ssyncadd.s32 $0xFFFFE000  }
0x29: {  	[spmem:s2] =	stream.indirect.scatter.add.f32 [tilespmem:s15], [sflag:$0x5], $0x40, s1, s14, $0xb8;
	[tilespmem:$0x16E00] =	vst v63  }
0x2a: {  	_ =	swait.ge [sflag:s12], $0x2000  }
0x2b: {  	[sflag:s12] =	ssyncset.done $0x0  }
0x2c: {  	s0 =	simm.s32 $0x200;
	[sflag:s12] =	ssyncadd.s32 $0xFFFFE000  }
0x2d: {  	[tilespmem:s15], [sflag:$0x1] =	stream.indirect.gather [hbm4b:s4+s14], $0x40, s0, s14, $0xb8;
	[tilespmem:$0x16E00] =	vst v63  }
0x2e: {  	_ =	swait.ge [sflag:s22], $0x2000  }
0x2f: {  	[sflag:s22] =	ssyncset.done $0x0  }
0x30: {  	s0 =	simm.s32 $0x2880;
	[sflag:s22] =	ssyncadd.s32 $0xFFFFE000  }
0x31: {  	[spmem:s2] =	stream.indirect.scatter.add.f32 [tilespmem:s16], [sflag:$0x5], $0x40, s0, s14, $0xb8;
	[tilespmem:$0x16E00] =	vst v63  }
0x32: {  	_ =	swait.ge [sflag:s12], $0x2000  }
0x33: {  	[sflag:s12] =	ssyncset.done $0x0  }
0x34: {  	s0 =	simm.s32 $0x280;
	[sflag:s12] =	ssyncadd.s32 $0xFFFFE000  }
0x35: {  	[tilespmem:s16], [sflag:$0x2] =	stream.indirect.gather [hbm4b:s4+s14], $0x40, s0, s14, $0xb8;
	[tilespmem:$0x16E00] =	vst v63  }
0x36: {  	_ =	swait.ge [sflag:s23], $0x2000  }
0x37: {  	[sflag:s23] =	ssyncset.done $0x0  }
0x38: {  	s0 =	simm.s32 $0x2900;
	[sflag:s23] =	ssyncadd.s32 $0xFFFFE000  }
0x39: {  	[spmem:s2] =	stream.indirect.scatter.add.f32 [tilespmem:s18], [sflag:$0x5], $0x40, s0, s14, $0xb8;
	[tilespmem:$0x16E00] =	vst v63  }
0x3a: {  	_ =	swait.ge [sflag:s12], $0x2000  }
0x3b: {  	[sflag:s12] =	ssyncset.done $0x0  }
0x3c: {  	s0 =	simm.s32 $0x300;
	[sflag:s12] =	ssyncadd.s32 $0xFFFFE000  }
0x3d: {  	[tilespmem:s18], [sflag:$0x3] =	stream.indirect.gather [hbm4b:s4+s14], $0x40, s0, s14, $0xb8;
	[tilespmem:$0x16E00] =	vst v63  }
0x3e: {  	_ =	swait.ge [sflag:s24], $0x2000  }
0x3f: {  	[sflag:s24] =	ssyncset.done $0x0  }
0x40: {  	s0 =	simm.s32 $0x2980;
	[sflag:s24] =	ssyncadd.s32 $0xFFFFE000  }
0x41: {  	[spmem:s2] =	stream.indirect.scatter.add.f32 [tilespmem:s20], [sflag:$0x5], $0x40, s0, s14, $0xb8;
	[tilespmem:$0x16E00] =	vst v63  }
0x42: {  	_ =	swait.ge [sflag:s12], $0x2000  }
0x43: {  	[sflag:s12] =	ssyncset.done $0x0  }
0x44: {  	s31 =	simm.s32 $0x800;
	s1 =	simm.s32 $0x380;
	[sflag:s12] =	ssyncadd.s32 $0xFFFFE000  }
.LBB2_2:
0x45: {  	[tilespmem:s20], [sflag:$0x4] =	stream.indirect.gather [hbm4b:s4+s14], $0x40, s1, s14, $0xb8;
	[tilespmem:$0x16E00] =	vst v63  }
0x46: {  	s1 =	smov.u32 s31  }
0x47: {  	p0 =	sne.s32 s31, $0x9000;
	s31 =	sadd.s32 $0x800, s31;
	_ =	swait.ge [sflag:s21], $0x2000  }
0x48: {  	s1 =	sshra.s32 s1, $0x2;
	[sflag:s21] =	ssyncset.done $0x0  }
0x49: {  	s0 =	sadd.s32 $0x2800, s1;
	[sflag:s21] =	ssyncadd.s32 $0xFFFFE000  }
0x4a: {  	[spmem:s2] =	stream.indirect.scatter.add.f32 [tilespmem:s15], [sflag:$0x5], $0x40, s0, s14, $0xb8;
	[tilespmem:$0x16E00] =	vst v63  }
0x4b: {  	_ =	swait.ge [sflag:s12], $0x2000  }
0x4c: {  	[sflag:s12] =	ssyncset.done $0x0  }
0x4d: {  	s0 =	sadd.s32 $0x200, s1;
	[sflag:s12] =	ssyncadd.s32 $0xFFFFE000  }
0x4e: {  	[tilespmem:s15], [sflag:$0x1] =	stream.indirect.gather [hbm4b:s4+s14], $0x40, s0, s14, $0xb8;
	[tilespmem:$0x16E00] =	vst v63  }
0x4f: {  	_ =	swait.ge [sflag:s22], $0x2000  }
0x50: {  	[sflag:s22] =	ssyncset.done $0x0  }
0x51: {  	s0 =	sadd.s32 $0x2880, s1;
	[sflag:s22] =	ssyncadd.s32 $0xFFFFE000  }
0x52: {  	[spmem:s2] =	stream.indirect.scatter.add.f32 [tilespmem:s16], [sflag:$0x5], $0x40, s0, s14, $0xb8;
	[tilespmem:$0x16E00] =	vst v63  }
0x53: {  	_ =	swait.ge [sflag:s12], $0x2000  }
0x54: {  	[sflag:s12] =	ssyncset.done $0x0  }
0x55: {  	s0 =	sadd.s32 $0x280, s1;
	[sflag:s12] =	ssyncadd.s32 $0xFFFFE000  }
0x56: {  	[tilespmem:s16], [sflag:$0x2] =	stream.indirect.gather [hbm4b:s4+s14], $0x40, s0, s14, $0xb8;
	[tilespmem:$0x16E00] =	vst v63  }
0x57: {  	_ =	swait.ge [sflag:s23], $0x2000  }
0x58: {  	[sflag:s23] =	ssyncset.done $0x0  }
0x59: {  	s0 =	sadd.s32 $0x2900, s1;
	[sflag:s23] =	ssyncadd.s32 $0xFFFFE000  }
0x5a: {  	[spmem:s2] =	stream.indirect.scatter.add.f32 [tilespmem:s18], [sflag:$0x5], $0x40, s0, s14, $0xb8;
	[tilespmem:$0x16E00] =	vst v63  }
0x5b: {  	_ =	swait.ge [sflag:s12], $0x2000  }
0x5c: {  	[sflag:s12] =	ssyncset.done $0x0  }
0x5d: {  	s0 =	sadd.s32 $0x300, s1;
	[sflag:s12] =	ssyncadd.s32 $0xFFFFE000  }
0x5e: {  	[tilespmem:s18], [sflag:$0x3] =	stream.indirect.gather [hbm4b:s4+s14], $0x40, s0, s14, $0xb8;
	[tilespmem:$0x16E00] =	vst v63  }
0x5f: {  	_ =	swait.ge [sflag:s24], $0x2000  }
0x60: {  	[sflag:s24] =	ssyncset.done $0x0  }
.Ltmp0:
0x61: {  	s0 =	sadd.s32 $0x2980, s1;
	[sflag:s24] =	ssyncadd.s32 $0xFFFFE000;
	(pc) =	sbr.rel @p0 .LBB2_2-.Ltmp0, $4  }
0x62: {  	[spmem:s2] =	stream.indirect.scatter.add.f32 [tilespmem:s20], [sflag:$0x5], $0x40, s0, s14, $0xb8;
	[tilespmem:$0x16E00] =	vst v63  }
0x63: {  	_ =	swait.ge [sflag:s12], $0x2000  }
0x64: {  	[sflag:s12] =	ssyncset.done $0x0  }
0x65: {  	s1 =	sadd.s32 $0x380, s1;
	[sflag:s12] =	ssyncadd.s32 $0xFFFFE000  }
0x66: {  	[tilespmem:s20], [sflag:$0x4] =	stream.indirect.gather [hbm4b:s4+s14], $0x40, s1, s14, $0xb8;
	[tilespmem:$0x16E00] =	vst v63  }
0x67: {  	_ =	swait.ge [sflag:s21], $0x2000  }
0x68: {  	[sflag:s21] =	ssyncset.done $0x0  }
0x69: {  	[sflag:s21] =	ssyncadd.s32 $0xFFFFE000  }
0x6a: {  	[spmem:s2] =	stream.indirect.scatter.add.f32 [tilespmem:s15], [sflag:$0x5], $0x40, s25, s14, $0xb8;
	[tilespmem:$0x16E00] =	vst v63  }
0x6b: {  	_ =	swait.ge [sflag:s12], $0x2000  }
0x6c: {  	[sflag:s12] =	ssyncset.done $0x0  }
0x6d: {  	[sflag:s12] =	ssyncadd.s32 $0xFFFFE000  }
0x6e: {  	_ =	swait.ge [sflag:s22], $0x2000  }
0x6f: {  	[sflag:s22] =	ssyncset.done $0x0  }
0x70: {  	[sflag:s22] =	ssyncadd.s32 $0xFFFFE000  }
0x71: {  	[spmem:s2] =	stream.indirect.scatter.add.f32 [tilespmem:s16], [sflag:$0x5], $0x40, s26, s14, $0xb8;
	[tilespmem:$0x16E00] =	vst v63  }
0x72: {  	_ =	swait.ge [sflag:s12], $0x2000  }
0x73: {  	[sflag:s12] =	ssyncset.done $0x0  }
0x74: {  	[sflag:s12] =	ssyncadd.s32 $0xFFFFE000  }
0x75: {  	_ =	swait.ge [sflag:s23], $0x2000  }
0x76: {  	[sflag:s23] =	ssyncset.done $0x0  }
0x77: {  	[sflag:s23] =	ssyncadd.s32 $0xFFFFE000  }
0x78: {  	[spmem:s2] =	stream.indirect.scatter.add.f32 [tilespmem:s18], [sflag:$0x5], $0x40, s28, s14, $0xb8;
	[tilespmem:$0x16E00] =	vst v63  }
0x79: {  	_ =	swait.ge [sflag:s12], $0x2000  }
0x7a: {  	[sflag:s12] =	ssyncset.done $0x0  }
0x7b: {  	[sflag:s12] =	ssyncadd.s32 $0xFFFFE000  }
0x7c: {  	_ =	swait.ge [sflag:s24], $0x2000  }
0x7d: {  	[sflag:s24] =	ssyncset.done $0x0  }
0x7e: {  	[sflag:s24] =	ssyncadd.s32 $0xFFFFE000  }
0x7f: {  	[spmem:s2] =	stream.indirect.scatter.add.f32 [tilespmem:s20], [sflag:$0x5], $0x40, s29, s14, $0xb8;
	[tilespmem:$0x16E00] =	vst v63  }
0x80: {  	_ =	swait.ge [sflag:s12], $0x2000  }
0x81: {  	s30 =	sadd.s32 $0x1, s30;
	[sflag:s12] =	ssyncset.done $0x0  }
0x82: {  	p0 =	sne.s32 s30, s10;
	[sflag:s12] =	ssyncadd.s32 $0xFFFFE000  }
.Ltmp1:
0x83: {  	[bflag:$0x0] =	sbarrier.arrive $0xFFFF;
	(pc) =	sbr.rel @p0 .LBB2_1-.Ltmp1, $4  }
0x84: {  	[hbm:s9], [sflag:s6] =	dma.local [spmem:s11], $0x13C0  }
0x85: {  	_ =	swait.ge [sflag:s12], $0x13C0  }
0x86: {  	[sflag:s12] =	ssyncset.done $0x0  }
0x87: {  	[sflag:s12] =	ssyncadd.s32 $0xFFFFEC40  }
0x88: {  	_ =	sfence.sel $0x180000  }
0x89: {  	[bflag:$0x0] =	sbarrier.arrive $0xFFFF  }
0x8a: {  	_ =	strace $0x9000004A  }
0x8b: {  	s0 =	stileid.u32;
	[bflag:$0x2] =	sbarrier.arrive $0xFFFF  }
0x8c: {  	p0 =	sne.s32 s0, $0x0;
	s0 =	rddreg [dreg:$0x3]  }
0x8d: {  	s0 =	sadd.s32 @!p0 $0x100000, s0  }
0x8e: {  	[sflag:s0] =	ssyncadd.tile.s32 @!p0 $0x1;
	_ =	shalt  }
.Lfunc_end2:
_tile_overlayer_lowered:
.L_overlay_start_2:
0x8f: {  	(tag) =	ssettag $0x2  }
0x90: {  	s0 =	rddreg [dreg:$0x0];
	s2 =	stileid.u32  }
0x91: {  	s1 =	rddreg [dreg:$0x1];
	p0 =	sne.s32 s2, $0x0  }
0x92: {  	s3 =	rddreg [dreg:$0x2];
	[bflag:$0x3] =	sbarrier.arrive $0xFFFF;
	s2 =	simm.s32 @!p0 $0x1C05  }
0x93: {  	[timem:s3], [sflag:s2] =	dma.local @!p0 [hbm:s0], s1  }
0x94: {  	s0 =	simm.s32 @!p0 $0x5  }
0x95: {  	_ =	swait.ge @!p0 [sflag:s0], s1  }
0x96: {  	s1 =	ssub.s32 @!p0 $0x0, s1;
	[sflag:s0] =	ssyncset.done @!p0 $0x0  }
0x97: {  	[sflag:s0] =	ssyncadd.s32 @!p0 s1  }
0x98: {  	[bflag:$0x3] =	sbarrier.arrive $0xFFFF  }
0x99: {  	_ =	shalt  }

// kernel: kernel.18.cloned.1.call-start
scs
__scs_entry_jumppad:
0x0: {  	(pc) =	sbr.rel $0x88, $3  }
0x1: {  	(tag) =	ssettag $0x0;
	lr =	simm.s32 $0x1  }
0x2: {  	[smem:$0x3F9B] =	sst lr;
	_ =	strace $0xD0000000  }
0x3: {  	_ = 	snop  }
0x4: {  	_ = 	snop  }
0x5: {  	_ = 	snop  }
0x6: {  	_ = 	snop  }
0x7: {  	_ = 	snop  }
__scs_overlays_trampoline_lowered:
0x8: {  	[smem:$0x3FAA] =	sst s0  }
0x9: {  	[smem:$0x3FAB] =	sst s1  }
0xa: {  	[smem:$0x3FAC] =	sst s2  }
0xb: {  	[smem:$0x3FAD] =	sst s3  }
0xc: {  	[smem:$0x3FAE] =	sst s4  }
0xd: {  	[smem:$0x3FAF] =	sst s5  }
0xe: {  	[smem:$0x3FB0] =	sst s6  }
0xf: {  	[smem:$0x3FB1] =	sst s7  }
0x10: {  	[smem:$0x3FB2] =	sst s8  }
0x11: {  	[smem:$0x3FB3] =	sst s9;
	s0 =	simm.s32 @!p0 $0x0  }
0x12: {  	s1 =	sld [smem:$0x3F99];
	s0 =	simm.s32 @p0 $0x1  }
0x13: {  	[smem:$0x3FB4] =	sst s0;
	s0 =	simm.s32 @!p1 $0x0  }
0x14: {  	s2 =	sld [smem:$0x3F98];
	s0 =	simm.s32 @p1 $0x1  }
0x15: {  	[smem:$0x3FB5] =	sst s0;
	s0 =	simm.s32 @!p2 $0x0  }
0x16: {  	s3 =	sld [smem:$0x3FDB];
	s0 =	simm.s32 @p2 $0x1  }
0x17: {  	s4 =	simm.s32 $0x1BF5;
	[smem:$0x3FB7] =	sst s0  }
0x18: {  	s0 =	sld [smem:$0x3F9A];
	_ =	swait.ge [sflag:s4], $0x0  }
0x19: {  	s7 =	sld [smem:$0x3F9B]  }
0x1a: {  	s8 =	sadd.s32 $0xFFFFE003, lr  }
0x1b: {  	s9 =	sadd.s32 $0xFFFFFEF7, lr;
	s5 =	simm.s32 $0xFFFFFFFF;
	p2 =	slt.u32 s8, $0xFFFFF086  }
0x1c: {  	p1 =	slt.u32 s9, $0xF7A;
	s5 =	simm.s32 @!p2 $0x0  }
0x1d: {  	s5 =	simm.s32 @p1 $0x1;
	p0 =	seq.s32 s7, s2  }
0x1e: {  	s7 =	smul.u32 @!p0 $0xF7A, s2;
	p2 =	seq.s32 @!p0 s5, $0x0  }
0x1f: {  	s9 =	smul.u32 $0xF7A, s1;
	s8 =	simm.s32 @!p0 $0x1BF5;
	p2 =	por !p2, p0  }
0x20: {  	[sflag:s8] =	ssyncset.s32 @!p0 $0xFFFFF086;
	s6 =	sadd.s32 @!p0 s3, s7;
	s7 =	simm.s32 @!p0 $0x108  }
0x21: {  	s3 =	sadd.s32 s3, s9;
	s6 =	sadd.s32 @!p0 $0x88, s6;
	s7 =	simm.s32 @p2 $0x1082  }
0x22: {  	[simem:s7], [sflag:s8] =	dma.local @!p0 [hbm:s6], $0xF7A  }
0x23: {  	s9 =	sor.u32 $0xD0000000, s2;
	s6 =	simm.s32 $0x108;
	_ =	swait.ge @!p0 [sflag:s8], $0x0  }
0x24: {  	s3 =	sadd.s32 $0x88, s3;
	s6 =	simm.s32 @!p1 $0x1082;
	[sflag:s4] =	ssyncset.s32 $0xFFFFF086  }
0x25: {  	[simem:s6], [sflag:s4] =	dma.local [hbm:s3], $0xF7A  }
0x26: {  	[smem:$0x3F9B] =	sst s1;
	(tag) =	ssettag s2;
	_ =	strace s9  }
0x27: {  	s1 =	sld [smem:$0x3FAB]  }
0x28: {  	s2 =	sld [smem:$0x3FAC]  }
0x29: {  	s4 =	sld [smem:$0x3FAE]  }
0x2a: {  	p0 =	seq.s32 s5, $0x0;
	s5 =	sld [smem:$0x3FAF]  }
0x2b: {  	s6 =	sld [smem:$0x3FB0]  }
0x2c: {  	s7 =	sld [smem:$0x3FB1]  }
0x2d: {  	s3 =	simm.s32 $0x108;
	s8 =	sld [smem:$0x3FB2]  }
0x2e: {  	s3 =	simm.s32 @!p0 $0x1082;
	s9 =	sld [smem:$0x3FB3]  }
0x2f: {  	lr =	sadd.s32 s0, s3;
	s0 =	sld [smem:$0x3FAA]  }
0x30: {  	s3 =	sld [smem:$0x3FAD]  }
0x31: {  	[smem:$0x3FB6] =	sst s10  }
0x32: {  	s10 =	sld [smem:$0x3FB4];
	_ =	sdelay $0x3  }
0x33: {  	p0 =	seq.s32 s10, $0x1;
	s10 =	sld [smem:$0x3FB6];
	_ =	sdelay $0x3  }
0x34: {  	[smem:$0x3FB6] =	sst s10  }
0x35: {  	s10 =	sld [smem:$0x3FB5];
	_ =	sdelay $0x3  }
0x36: {  	p1 =	seq.s32 s10, $0x1;
	s10 =	sld [smem:$0x3FB6];
	_ =	sdelay $0x3  }
0x37: {  	[smem:$0x3FB6] =	sst s10  }
0x38: {  	s10 =	sld [smem:$0x3FB7]  }
0x39: {  	_ = 	snop;
	(pc) =	sbr.ind lr, $3  }
0x3a: {  	_ = 	snop  }
0x3b: {  	_ = 	snop  }
0x3c: {  	p2 =	seq.s32 s10, $0x1;
	s10 =	sld [smem:$0x3FB6]  }
0x3d: {  	_ =	shalt  }
0x3e: {  	_ =	shalt  }
0x3f: {  	_ =	shalt  }
0x40: {  	_ =	shalt  }
0x41: {  	_ =	shalt  }
0x42: {  	_ =	shalt  }
0x43: {  	_ =	shalt  }
0x44: {  	_ =	shalt  }
0x45: {  	_ =	shalt  }
0x46: {  	_ =	shalt  }
0x47: {  	_ =	shalt  }
0x48: {  	_ =	shalt  }
0x49: {  	_ =	shalt  }
0x4a: {  	_ =	shalt  }
0x4b: {  	_ =	shalt  }
0x4c: {  	_ =	shalt  }
0x4d: {  	_ =	shalt  }
0x4e: {  	_ =	shalt  }
0x4f: {  	_ =	shalt  }
0x50: {  	_ =	shalt  }
0x51: {  	_ =	shalt  }
0x52: {  	_ =	shalt  }
0x53: {  	_ =	shalt  }
0x54: {  	_ =	shalt  }
0x55: {  	_ =	shalt  }
0x56: {  	_ =	shalt  }
0x57: {  	_ =	shalt  }
0x58: {  	_ =	shalt  }
0x59: {  	_ =	shalt  }
0x5a: {  	_ =	shalt  }
0x5b: {  	_ =	shalt  }
0x5c: {  	_ =	shalt  }
0x5d: {  	_ =	shalt  }
0x5e: {  	_ =	shalt  }
0x5f: {  	_ =	shalt  }
0x60: {  	_ =	shalt  }
0x61: {  	_ =	shalt  }
0x62: {  	_ =	shalt  }
0x63: {  	_ =	shalt  }
0x64: {  	_ =	shalt  }
0x65: {  	_ =	shalt  }
0x66: {  	_ =	shalt  }
0x67: {  	_ =	shalt  }
0x68: {  	_ =	shalt  }
0x69: {  	_ =	shalt  }
0x6a: {  	_ =	shalt  }
0x6b: {  	_ =	shalt  }
0x6c: {  	_ =	shalt  }
0x6d: {  	_ =	shalt  }
0x6e: {  	_ =	shalt  }
0x6f: {  	_ =	shalt  }
0x70: {  	_ =	shalt  }
0x71: {  	_ =	shalt  }
0x72: {  	_ =	shalt  }
0x73: {  	_ =	shalt  }
0x74: {  	_ =	shalt  }
0x75: {  	_ =	shalt  }
0x76: {  	_ =	shalt  }
0x77: {  	_ =	shalt  }
0x78: {  	_ =	shalt  }
0x79: {  	_ =	shalt  }
0x7a: {  	_ =	shalt  }
0x7b: {  	_ =	shalt  }
0x7c: {  	_ =	shalt  }
0x7d: {  	_ =	shalt  }
0x7e: {  	_ =	shalt  }
0x7f: {  	_ =	shalt  }
0x80: {  	_ =	shalt  }
0x81: {  	_ =	shalt  }
0x82: {  	_ =	shalt  }
0x83: {  	_ =	shalt  }
0x84: {  	_ =	shalt  }
0x85: {  	_ =	shalt  }
0x86: {  	_ =	shalt  }
0x87: {  	_ =	shalt  }
.Lfunc_end0:
.L_simem_size_0:
called_computation.3_lowered:
.L_overlay_start_0:
0x88: {  	s2 =	sld [smem:$0x3FD9]  }
0x89: {  	s3 =	sld [smem:$0x3FFE];
	_ =	sdelay $0x1  }
0x8a: {  	s1 =	srdreg.scid  }
0x8b: {  	s0 =	sand.u32 $0x1, s1  }
0x8c: {  	s17 =	sshll.u32 s0, $0xA;
	s2 =	sadd.s32 s3, s2  }
0x8d: {  	s2 =	sadd.s32 s2, s17  }
0x8e: {  	[smem:$0x3FC2] =	sst s2  }
0x8f: {  	_ = 	snop  }
0x90: {  	s2 =	sld [smem:$0x3FD0];
	(tm) =	ssettm $0x1  }
0x91: {  	s18 =	sld [smem:$0x3FFB];
	_ =	sdelay $0x3  }
0x92: {  	_ =	strace s18  }
0x93: {  	s3 =	sld [smem:$0x3FFC];
	_ =	sdelay $0x3  }
0x94: {  	_ =	strace s3  }
0x95: {  	s3 =	sld [smem:$0x3FFD];
	_ =	sdelay $0x3  }
0x96: {  	_ =	strace s3  }
0x97: {  	_ =	strace $0x8FFFFFFF  }
0x98: {  	s19 =	sld [smem:$0x3FDB];
	_ =	sdelay $0x1  }
0x99: {  	s4 =	simm.s32 $_scs_section_size  }
0x9a: {  	s5 =	simm.s32 $_size__tile_overlayer_lowered;
	s6 =	simm.s32 $_tile_overlayer_lowered  }
0x9b: {  	s22 =	simm.s32 $0x1BFF;
	s21 =	sshll.u32 s6, $0x1;
	s3 =	sadd.s32 s4, s19  }
0x9c: {  	s7 =	simm.s32 $0x0;
	s20 =	sshll.u32 s5, $0x1;
	s5 =	sadd.s32 s21, s3  }
0x9d: {  	[timem:s7], [sflag:s22] =	dma.local [hbm:s5], s20  }
0x9e: {  	_ =	swait.ge [sflag:s22], s20  }
0x9f: {  	s4 =	ssub.s32 $0x0, s20;
	[sflag:s22] =	ssyncset.done $0x0  }
0xa0: {  	[sflag:s22] =	ssyncadd.s32 s4;
	_ =	sdelay $0x1  }
0xa1: {  	s23 =	simm.s32 $0x1B8B  }
0xa2: {  	_ =	swait.ge [sflag:s23], $0x1  }
0xa3: {  	[sflag:s23] =	ssyncset.done $0x0  }
0xa4: {  	s25 =	simm.s32 $0x1B8E;
	s24 =	sld [smem:$0x3FFE];
	[sflag:s23] =	ssyncadd.s32 $0xFFFFFFFF  }
0xa5: {  	s26 =	simm.s32 $execute0_lowered;
	[smem:$0x3FD2] =	sst s25  }
0xa6: {  	s5 =	sshll.u32 s26, $0x1;
	_ =	strace $0x8000004F;
	[dreg:$0x1] =	wrdreg $0xFFFFFFFF  }
0xa7: {  	s28 =	simm.s32 $_size_execute0_lowered;
	s3 =	sadd.s32 s3, s5;
	[dreg:$0x0] =	wrdreg $0x0  }
0xa8: {  	s5 =	sshll.u32 s28, $0x1;
	[dreg:$0x2] =	wrdreg s3  }
0xa9: {  	[dreg:$0x3] =	wrdreg s5  }
0xaa: {  	[dreg:$0x4] =	wrdreg $0xC0  }
0xab: {  	_ =	task [dreg:s7], $0x5FFFF  }
0xac: {  	[dreg:$0x1] =	wrdreg $0xFFFFFFFF  }
0xad: {  	[dreg:$0x0] =	wrdreg $0x60  }
0xae: {  	[dreg:$0x2] =	wrdreg s24  }
0xaf: {  	[dreg:$0x3] =	wrdreg s2  }
0xb0: {  	[dreg:$0x4] =	wrdreg $0xD0000  }
0xb1: {  	[dreg:$0x5] =	wrdreg $0x9  }
0xb2: {  	_ =	task.clear_ibuf [dreg:s7], $0x6FFFF;
	_ =	strace $0x9000004F  }
0xb3: {  	s29 =	simm.s32 $0x9;
	_ =	strace $0x80000051  }
0xb4: {  	_ =	swait.ge [sflag:s29], $0x1  }
0xb5: {  	[sflag:s29] =	ssyncadd.s32 $0xFFFFFFFF  }
0xb6: {  	_ =	strace $0x90000051  }
0xb7: {  	_ =	sfence  }
0xb8: {  	s30 =	sld [smem:$0x0];
	_ =	sdelay $0x2  }
0xb9: {  	s31 =	sshll.u32 s1, $0xD;
	s1 =	sshrl.u32 s1, $0x2  }
0xba: {  	s3 =	sand.u32 $0x4000, s31;
	s1 =	sadd.s32 s1, s30  }
0xbb: {  	s0 =	sor.u32 s3, s0;
	s1 =	sshll.u32 s1, $0x11  }
0xbc: {  	s0 =	sor.u32 s1, s0  }
0xbd: {  	s0 =	sadd.s32 $0x8F2B, s0  }
0xbe: {  	[sflag:s0] =	ssyncadd.remote.s32 $0x1  }
0xbf: {  	_ =	sfence.sel $0xFFFF  }
0xc0: {  	[dreg:$0x0] =	wrdreg $0xFFFFFFFF;
	(pc) =	sbr.abs _section_cstart, $3  }
0xc1: {  	[dreg:$0x1] =	wrdreg $0xFFFFFFFF  }
0xc2: {  	_ =	task.clear_ibuf [dreg:s7], $0x2FFFF;
	_ =	strace $0x9FFFFFFF  }
0xc3: {  	(tm) =	ssettm $0x7FFFFFFF  }
tec
execute0_lowered:
.L_overlay_start_1:
0x0: {  	(tag) =	ssettag $0x1  }
0x1: {  	s1 =	srdreg.scid;
	s5 =	rddreg [dreg:$0x0]  }
0x2: {  	s0 =	stileid.u32;
	s6 =	rddreg [dreg:$0x1];
	s13 =	simm.s32 $0x2800  }
0x3: {  	s14 =	simm.s32 $0x80;
	s15 =	simm.s32 $0x5000;
	s16 =	simm.s32 $0x7000  }
0x4: {  	s17 =	simm.s32 $0x100;
	s18 =	simm.s32 $0x9000;
	s19 =	simm.s32 $0x180  }
0x5: {  	s20 =	simm.s32 $0xB000;
	s21 =	simm.s32 $0x1;
	s22 =	simm.s32 $0x2  }
0x6: {  	s23 =	simm.s32 $0x3;
	s24 =	simm.s32 $0x4;
	s25 =	simm.s32 $0x4E00  }
0x7: {  	s28 =	simm.s32 $0x4F00;
	s29 =	simm.s32 $0x4F80;
	s30 =	simm.s32 $0x0  }
0x8: {  	s1 =	sand.u32 $0x1, s1;
	s2 =	sshll.u32 s0, $0x1;
	s7 =	smul.u32 $0x9E00, s0  }
0x9: {  	s31 =	sshll.u32 s0, $0x6;
	s3 =	sor.u32 s1, s2;
	s8 =	smul.u32 $0x9E000, s1  }
0xa: {  	s2 =	rddreg [dreg:$0x2];
	s1 =	ssub.s32 $0x2, s1;
	s4 =	smul.u32 $0x500, s3  }
0xb: {  	s3 =	simm.s32 $0x0;
	s10 =	sshrl.u32 s1, $0x1;
	s26 =	sshrl.u32 s7, $0x3  }
0xc: {  	s12 =	sadd.s32 s7, s2;
	[smem:$0x7FF] =	sst s3;
	s8 =	sadd.s32 s7, s8  }
0xd: {  	s1 =	ssub.s32 s1, s10;
	_ =	strace $0x80000050;
	s9 =	sadd.s32 s4, s5  }
0xe: {  	s4 =	sadd.s32 $0x15400, s5;
	s8 =	sshrl.u32 s8, $0x3;
	s10 =	smax.u32 s1, $0x1  }
0xf: {  	s11 =	sadd.s32 s8, s5;
	s5 =	sadd.s32 s6, s26;
	s6 =	sor.u32 $0x1C05, s31  }
0x10: {  	s7 =	sadd.s32 $0x1400, s9;
	s8 =	sadd.s32 $0xB400, s9;
	s26 =	simm.s32 $0x4E80  }
0x11: {  	s9 =	sadd.s32 $0x28E00, s11;
	s11 =	sshrl.u32 s12, $0x3;
	s12 =	simm.s32 $0x5  }
.LBB2_1:
0x12: {  	[spmem:s11], [sflag:s6] =	dma.local [hbm:s5], $0x13C0  }
0x13: {  	_ =	swait.ge [sflag:s12], $0x13C0  }
0x14: {  	[sflag:s12] =	ssyncset.done $0x0  }
0x15: {  	[sflag:s12] =	ssyncadd.s32 $0xFFFFEC40  }
0x16: {  	[tilespmem:s3], [sflag:$0x5] =	stream.linear.gather [hbm4b:s7+s3], $0x2800, $0x38;
	[tilespmem:$0x16E00] =	vst v63  }
0x17: {  	_ =	swait.ge [sflag:s12], $0x2800  }
0x18: {  	[sflag:s12] =	ssyncset.done $0x0  }
0x19: {  	[sflag:s12] =	ssyncadd.s32 $0xFFFFD800  }
0x1a: {  	[tilespmem:s13], [sflag:$0x5] =	stream.linear.gather [hbm4b:s8+s3], $0x2800, $0x38;
	[tilespmem:$0x16E00] =	vst v63  }
0x1b: {  	_ =	swait.ge [sflag:s12], $0x2800  }
0x1c: {  	[sflag:s12] =	ssyncset.done $0x0  }
0x1d: {  	[sflag:s12] =	ssyncadd.s32 $0xFFFFD800  }
0x1e: {  	[bflag:$0x0] =	sbarrier.arrive $0xFFFF  }
0x1f: {  	[tilespmem:s15], [sflag:$0x1] =	stream.indirect.gather [hbm4b:s4+s14], $0x40, s3, s14, $0xb8;
	[tilespmem:$0x16E00] =	vst v63  }
0x20: {  	_ = 	snop  }
0x21: {  	[tilespmem:s16], [sflag:$0x2] =	stream.indirect.gather [hbm4b:s4+s14], $0x40, s14, s14, $0xb8;
	[tilespmem:$0x16E00] =	vst v63  }
0x22: {  	_ = 	snop  }
0x23: {  	[tilespmem:s18], [sflag:$0x3] =	stream.indirect.gather [hbm4b:s4+s14], $0x40, s17, s14, $0xb8;
	[tilespmem:$0x16E00] =	vst v63  }
0x24: {  	_ = 	snop  }
0x25: {  	[tilespmem:s20], [sflag:$0x4] =	stream.indirect.gather [hbm4b:s4+s14], $0x40, s19, s14, $0xb8;
	[tilespmem:$0x16E00] =	vst v63  }
0x26: {  	_ =	swait.ge [sflag:s21], $0x2000  }
0x27: {  	[sflag:s21] =	ssyncset.done $0x0  }
0x28: {  	s1 =	simm.s32 $0x2800;
	[sflag:s21] =	ssyncadd.s32 $0xFFFFE000  }
0x29: {  	[spmem:s2] =	stream.indirect.scatter.add.f32 [tilespmem:s15], [sflag:$0x5], $0x40, s1, s14, $0xb8;
	[tilespmem:$0x16E00] =	vst v63  }
0x2a: {  	_ =	swait.ge [sflag:s12], $0x2000  }
0x2b: {  	[sflag:s12] =	ssyncset.done $0x0  }
0x2c: {  	s0 =	simm.s32 $0x200;
	[sflag:s12] =	ssyncadd.s32 $0xFFFFE000  }
0x2d: {  	[tilespmem:s15], [sflag:$0x1] =	stream.indirect.gather [hbm4b:s4+s14], $0x40, s0, s14, $0xb8;
	[tilespmem:$0x16E00] =	vst v63  }
0x2e: {  	_ =	swait.ge [sflag:s22], $0x2000  }
0x2f: {  	[sflag:s22] =	ssyncset.done $0x0  }
0x30: {  	s0 =	simm.s32 $0x2880;
	[sflag:s22] =	ssyncadd.s32 $0xFFFFE000  }
0x31: {  	[spmem:s2] =	stream.indirect.scatter.add.f32 [tilespmem:s16], [sflag:$0x5], $0x40, s0, s14, $0xb8;
	[tilespmem:$0x16E00] =	vst v63  }
0x32: {  	_ =	swait.ge [sflag:s12], $0x2000  }
0x33: {  	[sflag:s12] =	ssyncset.done $0x0  }
0x34: {  	s0 =	simm.s32 $0x280;
	[sflag:s12] =	ssyncadd.s32 $0xFFFFE000  }
0x35: {  	[tilespmem:s16], [sflag:$0x2] =	stream.indirect.gather [hbm4b:s4+s14], $0x40, s0, s14, $0xb8;
	[tilespmem:$0x16E00] =	vst v63  }
0x36: {  	_ =	swait.ge [sflag:s23], $0x2000  }
0x37: {  	[sflag:s23] =	ssyncset.done $0x0  }
0x38: {  	s0 =	simm.s32 $0x2900;
	[sflag:s23] =	ssyncadd.s32 $0xFFFFE000  }
0x39: {  	[spmem:s2] =	stream.indirect.scatter.add.f32 [tilespmem:s18], [sflag:$0x5], $0x40, s0, s14, $0xb8;
	[tilespmem:$0x16E00] =	vst v63  }
0x3a: {  	_ =	swait.ge [sflag:s12], $0x2000  }
0x3b: {  	[sflag:s12] =	ssyncset.done $0x0  }
0x3c: {  	s0 =	simm.s32 $0x300;
	[sflag:s12] =	ssyncadd.s32 $0xFFFFE000  }
0x3d: {  	[tilespmem:s18], [sflag:$0x3] =	stream.indirect.gather [hbm4b:s4+s14], $0x40, s0, s14, $0xb8;
	[tilespmem:$0x16E00] =	vst v63  }
0x3e: {  	_ =	swait.ge [sflag:s24], $0x2000  }
0x3f: {  	[sflag:s24] =	ssyncset.done $0x0  }
0x40: {  	s0 =	simm.s32 $0x2980;
	[sflag:s24] =	ssyncadd.s32 $0xFFFFE000  }
0x41: {  	[spmem:s2] =	stream.indirect.scatter.add.f32 [tilespmem:s20], [sflag:$0x5], $0x40, s0, s14, $0xb8;
	[tilespmem:$0x16E00] =	vst v63  }
0x42: {  	_ =	swait.ge [sflag:s12], $0x2000  }
0x43: {  	[sflag:s12] =	ssyncset.done $0x0  }
0x44: {  	s31 =	simm.s32 $0x800;
	s1 =	simm.s32 $0x380;
	[sflag:s12] =	ssyncadd.s32 $0xFFFFE000  }
.LBB2_2:
0x45: {  	[tilespmem:s20], [sflag:$0x4] =	stream.indirect.gather [hbm4b:s4+s14], $0x40, s1, s14, $0xb8;
	[tilespmem:$0x16E00] =	vst v63  }
0x46: {  	s1 =	smov.u32 s31  }
0x47: {  	p0 =	sne.s32 s31, $0x9000;
	s31 =	sadd.s32 $0x800, s31;
	_ =	swait.ge [sflag:s21], $0x2000  }
0x48: {  	s1 =	sshra.s32 s1, $0x2;
	[sflag:s21] =	ssyncset.done $0x0  }
0x49: {  	s0 =	sadd.s32 $0x2800, s1;
	[sflag:s21] =	ssyncadd.s32 $0xFFFFE000  }
0x4a: {  	[spmem:s2] =	stream.indirect.scatter.add.f32 [tilespmem:s15], [sflag:$0x5], $0x40, s0, s14, $0xb8;
	[tilespmem:$0x16E00] =	vst v63  }
0x4b: {  	_ =	swait.ge [sflag:s12], $0x2000  }
0x4c: {  	[sflag:s12] =	ssyncset.done $0x0  }
0x4d: {  	s0 =	sadd.s32 $0x200, s1;
	[sflag:s12] =	ssyncadd.s32 $0xFFFFE000  }
0x4e: {  	[tilespmem:s15], [sflag:$0x1] =	stream.indirect.gather [hbm4b:s4+s14], $0x40, s0, s14, $0xb8;
	[tilespmem:$0x16E00] =	vst v63  }
0x4f: {  	_ =	swait.ge [sflag:s22], $0x2000  }
0x50: {  	[sflag:s22] =	ssyncset.done $0x0  }
0x51: {  	s0 =	sadd.s32 $0x2880, s1;
	[sflag:s22] =	ssyncadd.s32 $0xFFFFE000  }
0x52: {  	[spmem:s2] =	stream.indirect.scatter.add.f32 [tilespmem:s16], [sflag:$0x5], $0x40, s0, s14, $0xb8;
	[tilespmem:$0x16E00] =	vst v63  }
0x53: {  	_ =	swait.ge [sflag:s12], $0x2000  }
0x54: {  	[sflag:s12] =	ssyncset.done $0x0  }
0x55: {  	s0 =	sadd.s32 $0x280, s1;
	[sflag:s12] =	ssyncadd.s32 $0xFFFFE000  }
0x56: {  	[tilespmem:s16], [sflag:$0x2] =	stream.indirect.gather [hbm4b:s4+s14], $0x40, s0, s14, $0xb8;
	[tilespmem:$0x16E00] =	vst v63  }
0x57: {  	_ =	swait.ge [sflag:s23], $0x2000  }
0x58: {  	[sflag:s23] =	ssyncset.done $0x0  }
0x59: {  	s0 =	sadd.s32 $0x2900, s1;
	[sflag:s23] =	ssyncadd.s32 $0xFFFFE000  }
0x5a: {  	[spmem:s2] =	stream.indirect.scatter.add.f32 [tilespmem:s18], [sflag:$0x5], $0x40, s0, s14, $0xb8;
	[tilespmem:$0x16E00] =	vst v63  }
0x5b: {  	_ =	swait.ge [sflag:s12], $0x2000  }
0x5c: {  	[sflag:s12] =	ssyncset.done $0x0  }
0x5d: {  	s0 =	sadd.s32 $0x300, s1;
	[sflag:s12] =	ssyncadd.s32 $0xFFFFE000  }
0x5e: {  	[tilespmem:s18], [sflag:$0x3] =	stream.indirect.gather [hbm4b:s4+s14], $0x40, s0, s14, $0xb8;
	[tilespmem:$0x16E00] =	vst v63  }
0x5f: {  	_ =	swait.ge [sflag:s24], $0x2000  }
0x60: {  	[sflag:s24] =	ssyncset.done $0x0  }
.Ltmp0:
0x61: {  	s0 =	sadd.s32 $0x2980, s1;
	[sflag:s24] =	ssyncadd.s32 $0xFFFFE000;
	(pc) =	sbr.rel @p0 .LBB2_2-.Ltmp0, $4  }
0x62: {  	[spmem:s2] =	stream.indirect.scatter.add.f32 [tilespmem:s20], [sflag:$0x5], $0x40, s0, s14, $0xb8;
	[tilespmem:$0x16E00] =	vst v63  }
0x63: {  	_ =	swait.ge [sflag:s12], $0x2000  }
0x64: {  	[sflag:s12] =	ssyncset.done $0x0  }
0x65: {  	s1 =	sadd.s32 $0x380, s1;
	[sflag:s12] =	ssyncadd.s32 $0xFFFFE000  }
0x66: {  	[tilespmem:s20], [sflag:$0x4] =	stream.indirect.gather [hbm4b:s4+s14], $0x40, s1, s14, $0xb8;
	[tilespmem:$0x16E00] =	vst v63  }
0x67: {  	_ =	swait.ge [sflag:s21], $0x2000  }
0x68: {  	[sflag:s21] =	ssyncset.done $0x0  }
0x69: {  	[sflag:s21] =	ssyncadd.s32 $0xFFFFE000  }
0x6a: {  	[spmem:s2] =	stream.indirect.scatter.add.f32 [tilespmem:s15], [sflag:$0x5], $0x40, s25, s14, $0xb8;
	[tilespmem:$0x16E00] =	vst v63  }
0x6b: {  	_ =	swait.ge [sflag:s12], $0x2000  }
0x6c: {  	[sflag:s12] =	ssyncset.done $0x0  }
0x6d: {  	[sflag:s12] =	ssyncadd.s32 $0xFFFFE000  }
0x6e: {  	_ =	swait.ge [sflag:s22], $0x2000  }
0x6f: {  	[sflag:s22] =	ssyncset.done $0x0  }
0x70: {  	[sflag:s22] =	ssyncadd.s32 $0xFFFFE000  }
0x71: {  	[spmem:s2] =	stream.indirect.scatter.add.f32 [tilespmem:s16], [sflag:$0x5], $0x40, s26, s14, $0xb8;
	[tilespmem:$0x16E00] =	vst v63  }
0x72: {  	_ =	swait.ge [sflag:s12], $0x2000  }
0x73: {  	[sflag:s12] =	ssyncset.done $0x0  }
0x74: {  	[sflag:s12] =	ssyncadd.s32 $0xFFFFE000  }
0x75: {  	_ =	swait.ge [sflag:s23], $0x2000  }
0x76: {  	[sflag:s23] =	ssyncset.done $0x0  }
0x77: {  	[sflag:s23] =	ssyncadd.s32 $0xFFFFE000  }
0x78: {  	[spmem:s2] =	stream.indirect.scatter.add.f32 [tilespmem:s18], [sflag:$0x5], $0x40, s28, s14, $0xb8;
	[tilespmem:$0x16E00] =	vst v63  }
0x79: {  	_ =	swait.ge [sflag:s12], $0x2000  }
0x7a: {  	[sflag:s12] =	ssyncset.done $0x0  }
0x7b: {  	[sflag:s12] =	ssyncadd.s32 $0xFFFFE000  }
0x7c: {  	_ =	swait.ge [sflag:s24], $0x2000  }
0x7d: {  	[sflag:s24] =	ssyncset.done $0x0  }
0x7e: {  	[sflag:s24] =	ssyncadd.s32 $0xFFFFE000  }
0x7f: {  	[spmem:s2] =	stream.indirect.scatter.add.f32 [tilespmem:s20], [sflag:$0x5], $0x40, s29, s14, $0xb8;
	[tilespmem:$0x16E00] =	vst v63  }
0x80: {  	_ =	swait.ge [sflag:s12], $0x2000  }
0x81: {  	s30 =	sadd.s32 $0x1, s30;
	[sflag:s12] =	ssyncset.done $0x0  }
0x82: {  	p0 =	sne.s32 s30, s10;
	[sflag:s12] =	ssyncadd.s32 $0xFFFFE000  }
.Ltmp1:
0x83: {  	[bflag:$0x0] =	sbarrier.arrive $0xFFFF;
	(pc) =	sbr.rel @p0 .LBB2_1-.Ltmp1, $4  }
0x84: {  	[hbm:s9], [sflag:s6] =	dma.local [spmem:s11], $0x13C0  }
0x85: {  	_ =	swait.ge [sflag:s12], $0x13C0  }
0x86: {  	[sflag:s12] =	ssyncset.done $0x0  }
0x87: {  	[sflag:s12] =	ssyncadd.s32 $0xFFFFEC40  }
0x88: {  	_ =	sfence.sel $0x180000  }
0x89: {  	[bflag:$0x0] =	sbarrier.arrive $0xFFFF  }
0x8a: {  	_ =	strace $0x90000050  }
0x8b: {  	s0 =	stileid.u32;
	[bflag:$0x2] =	sbarrier.arrive $0xFFFF  }
0x8c: {  	p0 =	sne.s32 s0, $0x0;
	s0 =	rddreg [dreg:$0x3]  }
0x8d: {  	s0 =	sadd.s32 @!p0 $0x100000, s0  }
0x8e: {  	[sflag:s0] =	ssyncadd.tile.s32 @!p0 $0x1;
	_ =	shalt  }
.Lfunc_end2:
_tile_overlayer_lowered:
.L_overlay_start_2:
0x8f: {  	(tag) =	ssettag $0x2  }
0x90: {  	s0 =	rddreg [dreg:$0x0];
	s2 =	stileid.u32  }
0x91: {  	s1 =	rddreg [dreg:$0x1];
	p0 =	sne.s32 s2, $0x0  }
0x92: {  	s3 =	rddreg [dreg:$0x2];
	[bflag:$0x3] =	sbarrier.arrive $0xFFFF;
	s2 =	simm.s32 @!p0 $0x1C05  }
0x93: {  	[timem:s3], [sflag:s2] =	dma.local @!p0 [hbm:s0], s1  }
0x94: {  	s0 =	simm.s32 @!p0 $0x5  }
0x95: {  	_ =	swait.ge @!p0 [sflag:s0], s1  }
0x96: {  	s1 =	ssub.s32 @!p0 $0x0, s1;
	[sflag:s0] =	ssyncset.done @!p0 $0x0  }
0x97: {  	[sflag:s0] =	ssyncadd.s32 @!p0 s1  }
0x98: {  	[bflag:$0x3] =	sbarrier.arrive $0xFFFF  }
0x99: {  	_ =	shalt  }

// kernel: kernel.9.cloned.1.call-start
scs
__scs_entry_jumppad:
0x0: {  	(pc) =	sbr.rel $0x88, $3  }
0x1: {  	(tag) =	ssettag $0x0;
	lr =	simm.s32 $0x1  }
0x2: {  	[smem:$0x3F9B] =	sst lr;
	_ =	strace $0xD0000000  }
0x3: {  	_ = 	snop  }
0x4: {  	_ = 	snop  }
0x5: {  	_ = 	snop  }
0x6: {  	_ = 	snop  }
0x7: {  	_ = 	snop  }
__scs_overlays_trampoline_lowered:
0x8: {  	[smem:$0x3FAA] =	sst s0  }
0x9: {  	[smem:$0x3FAB] =	sst s1  }
0xa: {  	[smem:$0x3FAC] =	sst s2  }
0xb: {  	[smem:$0x3FAD] =	sst s3  }
0xc: {  	[smem:$0x3FAE] =	sst s4  }
0xd: {  	[smem:$0x3FAF] =	sst s5  }
0xe: {  	[smem:$0x3FB0] =	sst s6  }
0xf: {  	[smem:$0x3FB1] =	sst s7  }
0x10: {  	[smem:$0x3FB2] =	sst s8  }
0x11: {  	[smem:$0x3FB3] =	sst s9;
	s0 =	simm.s32 @!p0 $0x0  }
0x12: {  	s1 =	sld [smem:$0x3F99];
	s0 =	simm.s32 @p0 $0x1  }
0x13: {  	[smem:$0x3FB4] =	sst s0;
	s0 =	simm.s32 @!p1 $0x0  }
0x14: {  	s2 =	sld [smem:$0x3F98];
	s0 =	simm.s32 @p1 $0x1  }
0x15: {  	[smem:$0x3FB5] =	sst s0;
	s0 =	simm.s32 @!p2 $0x0  }
0x16: {  	s3 =	sld [smem:$0x3FDB];
	s0 =	simm.s32 @p2 $0x1  }
0x17: {  	s4 =	simm.s32 $0x1BF5;
	[smem:$0x3FB7] =	sst s0  }
0x18: {  	s0 =	sld [smem:$0x3F9A];
	_ =	swait.ge [sflag:s4], $0x0  }
0x19: {  	s7 =	sld [smem:$0x3F9B]  }
0x1a: {  	s8 =	sadd.s32 $0xFFFFE003, lr  }
0x1b: {  	s9 =	sadd.s32 $0xFFFFFEF7, lr;
	s5 =	simm.s32 $0xFFFFFFFF;
	p2 =	slt.u32 s8, $0xFFFFF086  }
0x1c: {  	p1 =	slt.u32 s9, $0xF7A;
	s5 =	simm.s32 @!p2 $0x0  }
0x1d: {  	s5 =	simm.s32 @p1 $0x1;
	p0 =	seq.s32 s7, s2  }
0x1e: {  	s7 =	smul.u32 @!p0 $0xF7A, s2;
	p2 =	seq.s32 @!p0 s5, $0x0  }
0x1f: {  	s9 =	smul.u32 $0xF7A, s1;
	s8 =	simm.s32 @!p0 $0x1BF5;
	p2 =	por !p2, p0  }
0x20: {  	[sflag:s8] =	ssyncset.s32 @!p0 $0xFFFFF086;
	s6 =	sadd.s32 @!p0 s3, s7;
	s7 =	simm.s32 @!p0 $0x108  }
0x21: {  	s3 =	sadd.s32 s3, s9;
	s6 =	sadd.s32 @!p0 $0x88, s6;
	s7 =	simm.s32 @p2 $0x1082  }
0x22: {  	[simem:s7], [sflag:s8] =	dma.local @!p0 [hbm:s6], $0xF7A  }
0x23: {  	s9 =	sor.u32 $0xD0000000, s2;
	s6 =	simm.s32 $0x108;
	_ =	swait.ge @!p0 [sflag:s8], $0x0  }
0x24: {  	s3 =	sadd.s32 $0x88, s3;
	s6 =	simm.s32 @!p1 $0x1082;
	[sflag:s4] =	ssyncset.s32 $0xFFFFF086  }
0x25: {  	[simem:s6], [sflag:s4] =	dma.local [hbm:s3], $0xF7A  }
0x26: {  	[smem:$0x3F9B] =	sst s1;
	(tag) =	ssettag s2;
	_ =	strace s9  }
0x27: {  	s1 =	sld [smem:$0x3FAB]  }
0x28: {  	s2 =	sld [smem:$0x3FAC]  }
0x29: {  	s4 =	sld [smem:$0x3FAE]  }
0x2a: {  	p0 =	seq.s32 s5, $0x0;
	s5 =	sld [smem:$0x3FAF]  }
0x2b: {  	s6 =	sld [smem:$0x3FB0]  }
0x2c: {  	s7 =	sld [smem:$0x3FB1]  }
0x2d: {  	s3 =	simm.s32 $0x108;
	s8 =	sld [smem:$0x3FB2]  }
0x2e: {  	s3 =	simm.s32 @!p0 $0x1082;
	s9 =	sld [smem:$0x3FB3]  }
0x2f: {  	lr =	sadd.s32 s0, s3;
	s0 =	sld [smem:$0x3FAA]  }
0x30: {  	s3 =	sld [smem:$0x3FAD]  }
0x31: {  	[smem:$0x3FB6] =	sst s10  }
0x32: {  	s10 =	sld [smem:$0x3FB4];
	_ =	sdelay $0x3  }
0x33: {  	p0 =	seq.s32 s10, $0x1;
	s10 =	sld [smem:$0x3FB6];
	_ =	sdelay $0x3  }
0x34: {  	[smem:$0x3FB6] =	sst s10  }
0x35: {  	s10 =	sld [smem:$0x3FB5];
	_ =	sdelay $0x3  }
0x36: {  	p1 =	seq.s32 s10, $0x1;
	s10 =	sld [smem:$0x3FB6];
	_ =	sdelay $0x3  }
0x37: {  	[smem:$0x3FB6] =	sst s10  }
0x38: {  	s10 =	sld [smem:$0x3FB7]  }
0x39: {  	_ = 	snop;
	(pc) =	sbr.ind lr, $3  }
0x3a: {  	_ = 	snop  }
0x3b: {  	_ = 	snop  }
0x3c: {  	p2 =	seq.s32 s10, $0x1;
	s10 =	sld [smem:$0x3FB6]  }
0x3d: {  	_ =	shalt  }
0x3e: {  	_ =	shalt  }
0x3f: {  	_ =	shalt  }
0x40: {  	_ =	shalt  }
0x41: {  	_ =	shalt  }
0x42: {  	_ =	shalt  }
0x43: {  	_ =	shalt  }
0x44: {  	_ =	shalt  }
0x45: {  	_ =	shalt  }
0x46: {  	_ =	shalt  }
0x47: {  	_ =	shalt  }
0x48: {  	_ =	shalt  }
0x49: {  	_ =	shalt  }
0x4a: {  	_ =	shalt  }
0x4b: {  	_ =	shalt  }
0x4c: {  	_ =	shalt  }
0x4d: {  	_ =	shalt  }
0x4e: {  	_ =	shalt  }
0x4f: {  	_ =	shalt  }
0x50: {  	_ =	shalt  }
0x51: {  	_ =	shalt  }
0x52: {  	_ =	shalt  }
0x53: {  	_ =	shalt  }
0x54: {  	_ =	shalt  }
0x55: {  	_ =	shalt  }
0x56: {  	_ =	shalt  }
0x57: {  	_ =	shalt  }
0x58: {  	_ =	shalt  }
0x59: {  	_ =	shalt  }
0x5a: {  	_ =	shalt  }
0x5b: {  	_ =	shalt  }
0x5c: {  	_ =	shalt  }
0x5d: {  	_ =	shalt  }
0x5e: {  	_ =	shalt  }
0x5f: {  	_ =	shalt  }
0x60: {  	_ =	shalt  }
0x61: {  	_ =	shalt  }
0x62: {  	_ =	shalt  }
0x63: {  	_ =	shalt  }
0x64: {  	_ =	shalt  }
0x65: {  	_ =	shalt  }
0x66: {  	_ =	shalt  }
0x67: {  	_ =	shalt  }
0x68: {  	_ =	shalt  }
0x69: {  	_ =	shalt  }
0x6a: {  	_ =	shalt  }
0x6b: {  	_ =	shalt  }
0x6c: {  	_ =	shalt  }
0x6d: {  	_ =	shalt  }
0x6e: {  	_ =	shalt  }
0x6f: {  	_ =	shalt  }
0x70: {  	_ =	shalt  }
0x71: {  	_ =	shalt  }
0x72: {  	_ =	shalt  }
0x73: {  	_ =	shalt  }
0x74: {  	_ =	shalt  }
0x75: {  	_ =	shalt  }
0x76: {  	_ =	shalt  }
0x77: {  	_ =	shalt  }
0x78: {  	_ =	shalt  }
0x79: {  	_ =	shalt  }
0x7a: {  	_ =	shalt  }
0x7b: {  	_ =	shalt  }
0x7c: {  	_ =	shalt  }
0x7d: {  	_ =	shalt  }
0x7e: {  	_ =	shalt  }
0x7f: {  	_ =	shalt  }
0x80: {  	_ =	shalt  }
0x81: {  	_ =	shalt  }
0x82: {  	_ =	shalt  }
0x83: {  	_ =	shalt  }
0x84: {  	_ =	shalt  }
0x85: {  	_ =	shalt  }
0x86: {  	_ =	shalt  }
0x87: {  	_ =	shalt  }
.Lfunc_end0:
.L_simem_size_0:
called_computation_lowered:
.L_overlay_start_0:
0x88: {  	s2 =	sld [smem:$0x3FD9]  }
0x89: {  	s3 =	sld [smem:$0x3FFE];
	_ =	sdelay $0x1  }
0x8a: {  	s1 =	srdreg.scid  }
0x8b: {  	s0 =	sand.u32 $0x1, s1  }
0x8c: {  	s17 =	sshll.u32 s0, $0xA;
	s2 =	sadd.s32 s3, s2  }
0x8d: {  	s2 =	sadd.s32 s2, s17  }
0x8e: {  	[smem:$0x3FC2] =	sst s2  }
0x8f: {  	_ = 	snop  }
0x90: {  	s2 =	sld [smem:$0x3FD0];
	(tm) =	ssettm $0x1  }
0x91: {  	s18 =	sld [smem:$0x3FFB];
	_ =	sdelay $0x3  }
0x92: {  	_ =	strace s18  }
0x93: {  	s3 =	sld [smem:$0x3FFC];
	_ =	sdelay $0x3  }
0x94: {  	_ =	strace s3  }
0x95: {  	s3 =	sld [smem:$0x3FFD];
	_ =	sdelay $0x3  }
0x96: {  	_ =	strace s3  }
0x97: {  	_ =	strace $0x8FFFFFFF  }
0x98: {  	s19 =	sld [smem:$0x3FDB];
	_ =	sdelay $0x1  }
0x99: {  	s4 =	simm.s32 $_scs_section_size  }
0x9a: {  	s5 =	simm.s32 $_size__tile_overlayer_lowered;
	s6 =	simm.s32 $_tile_overlayer_lowered  }
0x9b: {  	s22 =	simm.s32 $0x1BFF;
	s21 =	sshll.u32 s6, $0x1;
	s3 =	sadd.s32 s4, s19  }
0x9c: {  	s7 =	simm.s32 $0x0;
	s20 =	sshll.u32 s5, $0x1;
	s5 =	sadd.s32 s21, s3  }
0x9d: {  	[timem:s7], [sflag:s22] =	dma.local [hbm:s5], s20  }
0x9e: {  	_ =	swait.ge [sflag:s22], s20  }
0x9f: {  	s4 =	ssub.s32 $0x0, s20;
	[sflag:s22] =	ssyncset.done $0x0  }
0xa0: {  	[sflag:s22] =	ssyncadd.s32 s4;
	_ =	sdelay $0x1  }
0xa1: {  	s23 =	simm.s32 $0x1B8B  }
0xa2: {  	_ =	swait.ge [sflag:s23], $0x1  }
0xa3: {  	[sflag:s23] =	ssyncset.done $0x0  }
0xa4: {  	s25 =	simm.s32 $0x1B8E;
	s24 =	sld [smem:$0x3FFE];
	[sflag:s23] =	ssyncadd.s32 $0xFFFFFFFF  }
0xa5: {  	s26 =	simm.s32 $execute0_lowered;
	[smem:$0x3FD2] =	sst s25  }
0xa6: {  	s5 =	sshll.u32 s26, $0x1;
	_ =	strace $0x80000046;
	[dreg:$0x1] =	wrdreg $0xFFFFFFFF  }
0xa7: {  	s28 =	simm.s32 $_size_execute0_lowered;
	s3 =	sadd.s32 s3, s5;
	[dreg:$0x0] =	wrdreg $0x0  }
0xa8: {  	s5 =	sshll.u32 s28, $0x1;
	[dreg:$0x2] =	wrdreg s3  }
0xa9: {  	[dreg:$0x3] =	wrdreg s5  }
0xaa: {  	[dreg:$0x4] =	wrdreg $0xC0  }
0xab: {  	_ =	task [dreg:s7], $0x5FFFF  }
0xac: {  	[dreg:$0x1] =	wrdreg $0xFFFFFFFF  }
0xad: {  	[dreg:$0x0] =	wrdreg $0x60  }
0xae: {  	[dreg:$0x2] =	wrdreg s24  }
0xaf: {  	[dreg:$0x3] =	wrdreg s2  }
0xb0: {  	[dreg:$0x4] =	wrdreg $0x30000  }
0xb1: {  	[dreg:$0x5] =	wrdreg $0x9  }
0xb2: {  	_ =	task.clear_ibuf [dreg:s7], $0x6FFFF;
	_ =	strace $0x90000046  }
0xb3: {  	s29 =	simm.s32 $0x9;
	_ =	strace $0x80000048  }
0xb4: {  	_ =	swait.ge [sflag:s29], $0x1  }
0xb5: {  	[sflag:s29] =	ssyncadd.s32 $0xFFFFFFFF  }
0xb6: {  	_ =	strace $0x90000048  }
0xb7: {  	_ =	sfence  }
0xb8: {  	s30 =	sld [smem:$0x0];
	_ =	sdelay $0x2  }
0xb9: {  	s31 =	sshll.u32 s1, $0xD;
	s1 =	sshrl.u32 s1, $0x2  }
0xba: {  	s3 =	sand.u32 $0x4000, s31;
	s1 =	sadd.s32 s1, s30  }
0xbb: {  	s0 =	sor.u32 s3, s0;
	s1 =	sshll.u32 s1, $0x11  }
0xbc: {  	s0 =	sor.u32 s1, s0  }
0xbd: {  	s0 =	sadd.s32 $0x8F2B, s0  }
0xbe: {  	[sflag:s0] =	ssyncadd.remote.s32 $0x1  }
0xbf: {  	_ =	sfence.sel $0xFFFF  }
0xc0: {  	[dreg:$0x0] =	wrdreg $0xFFFFFFFF;
	(pc) =	sbr.abs _section_cstart, $3  }
0xc1: {  	[dreg:$0x1] =	wrdreg $0xFFFFFFFF  }
0xc2: {  	_ =	task.clear_ibuf [dreg:s7], $0x2FFFF;
	_ =	strace $0x9FFFFFFF  }
0xc3: {  	(tm) =	ssettm $0x7FFFFFFF  }
tec
execute0_lowered:
.L_overlay_start_1:
0x0: {  	(tag) =	ssettag $0x1  }
0x1: {  	s5 =	rddreg [dreg:$0x0]  }
0x2: {  	s1 =	srdreg.scid;
	s8 =	rddreg [dreg:$0x1]  }
0x3: {  	s0 =	stileid.u32;
	s2 =	rddreg [dreg:$0x2];
	s3 =	simm.s32 $0x0  }
0x4: {  	s13 =	simm.s32 $0x80;
	s4 =	sand.u32 $0x1, s1;
	s1 =	rddreg [dreg:$0x3]  }
0x5: {  	s14 =	simm.s32 $0x0;
	s26 =	sshll.u32 s0, $0x1;
	[smem:$0x7FF] =	sst s3  }
0x6: {  	s7 =	smul.u32 $0x2780, s0;
	s31 =	sshll.u32 s0, $0x6;
	s6 =	sor.u32 s4, s26  }
0x7: {  	_ =	strace $0x80000047;
	s10 =	ssub.s32 $0x2, s4;
	s11 =	smul.u32 $0x27800, s4  }
0x8: {  	s4 =	sadd.s32 $0x1A400, s5;
	s6 =	smul.u32 $0x500, s6;
	s29 =	sshrl.u32 s10, $0x1  }
0x9: {  	s28 =	sshrl.u32 s7, $0x3;
	s12 =	sadd.s32 s7, s2;
	s10 =	ssub.s32 s10, s29  }
0xa: {  	s30 =	sadd.s32 s7, s11;
	s9 =	sadd.s32 s6, s5;
	s5 =	sadd.s32 s28, s5  }
0xb: {  	s11 =	sshrl.u32 s30, $0x3;
	s6 =	sor.u32 $0x1C01, s31;
	s5 =	sadd.s32 $0x15400, s5  }
0xc: {  	s7 =	sadd.s32 $0xB400, s9;
	s8 =	sadd.s32 s8, s11;
	s9 =	smax.u32 s10, $0x1  }
0xd: {  	s10 =	sshrl.u32 s12, $0x3;
	s11 =	simm.s32 $0x1;
	s12 =	simm.s32 $0x2800  }
.LBB2_1:
0xe: {  	[spmem:s10], [sflag:s6] =	dma.local [hbm:s5], $0x4F0  }
0xf: {  	_ =	swait.ge [sflag:s11], $0x4F0  }
0x10: {  	[sflag:s11] =	ssyncset.done $0x0  }
0x11: {  	[sflag:s11] =	ssyncadd.s32 $0xFFFFFB10  }
0x12: {  	[tilespmem:s3], [sflag:$0x1] =	stream.linear.gather [hbm4b:s7+s3], $0x2800, $0x38;
	[tilespmem:$0x5780] =	vst v63  }
0x13: {  	_ =	swait.ge [sflag:s11], $0x2800  }
0x14: {  	[sflag:s11] =	ssyncset.done $0x0  }
0x15: {  	[sflag:s11] =	ssyncadd.s32 $0xFFFFD800  }
0x16: {  	[tilespmem:s12], [sflag:$0x1] =	stream.linear.gather [hbm4b:s4+s3], $0x800, $0x38;
	[tilespmem:$0x5780] =	vst v63  }
0x17: {  	_ =	swait.ge [sflag:s11], $0x800  }
0x18: {  	[sflag:s11] =	ssyncset.done $0x0  }
0x19: {  	[sflag:s11] =	ssyncadd.s32 $0xFFFFF800  }
0x1a: {  	s15 =	simm.s32 $0x0;
	[bflag:$0x0] =	sbarrier.arrive $0xFFFF  }
0x1b: {  	[spmem:s2] =	stream.indirect.scatter.add.f32 [tilespmem:s12], [sflag:$0x1], $0x10, s15, s13, $0xb8;
	[tilespmem:$0x5780] =	vst v63  }
0x1c: {  	_ =	swait.ge [sflag:s11], $0x800  }
0x1d: {  	s15 =	simm.s32 $0x200;
	[sflag:s11] =	ssyncset.done $0x0  }
.LBB2_2:
0x1e: {  	s16 =	sshra.s32 s15, $0x2;
	[sflag:s11] =	ssyncadd.s32 $0xFFFFF800;
	p0 =	sne.s32 s15, $0x9E00  }
0x1f: {  	[spmem:s2] =	stream.indirect.scatter.add.f32 [tilespmem:s12], [sflag:$0x1], $0x10, s16, s13, $0xb8;
	[tilespmem:$0x5780] =	vst v63  }
.Ltmp0:
0x20: {  	_ = 	snop;
	(pc) =	sbr.rel @p0 .LBB2_2-.Ltmp0, $4  }
0x21: {  	_ = 	snop  }
0x22: {  	s15 =	sadd.s32 $0x200, s15  }
0x23: {  	_ =	swait.ge [sflag:s11], $0x800  }
0x24: {  	[sflag:s11] =	ssyncset.done $0x0  }
0x25: {  	s14 =	sadd.s32 $0x1, s14  }
0x26: {  	[sflag:s11] =	ssyncadd.s32 $0xFFFFF800;
	p0 =	sne.s32 s14, s9  }
.Ltmp1:
0x27: {  	[bflag:$0x0] =	sbarrier.arrive $0xFFFF;
	(pc) =	sbr.rel @p0 .LBB2_1-.Ltmp1, $4  }
0x28: {  	[hbm:s8], [sflag:s6] =	dma.local [spmem:s10], $0x4F0  }
0x29: {  	_ =	swait.ge [sflag:s11], $0x4F0  }
0x2a: {  	[sflag:s11] =	ssyncset.done $0x0  }
0x2b: {  	[sflag:s11] =	ssyncadd.s32 $0xFFFFFB10  }
0x2c: {  	_ =	sfence.sel $0x180000  }
0x2d: {  	[bflag:$0x0] =	sbarrier.arrive $0xFFFF  }
0x2e: {  	p0 =	sne.s32 s0, $0x0;
	_ =	strace $0x90000047  }
0x2f: {  	s0 =	sadd.s32 @!p0 $0x100000, s1;
	[bflag:$0x2] =	sbarrier.arrive $0xFFFF  }
0x30: {  	[sflag:s0] =	ssyncadd.tile.s32 @!p0 $0x1;
	_ =	shalt  }
.Lfunc_end2:
_tile_overlayer_lowered:
.L_overlay_start_2:
0x31: {  	(tag) =	ssettag $0x2  }
0x32: {  	s0 =	rddreg [dreg:$0x0];
	s2 =	stileid.u32  }
0x33: {  	s1 =	rddreg [dreg:$0x1];
	p0 =	sne.s32 s2, $0x0  }
0x34: {  	s3 =	rddreg [dreg:$0x2];
	[bflag:$0x3] =	sbarrier.arrive $0xFFFF;
	s2 =	simm.s32 @!p0 $0x1C01  }
0x35: {  	[timem:s3], [sflag:s2] =	dma.local @!p0 [hbm:s0], s1  }
0x36: {  	s0 =	simm.s32 @!p0 $0x1  }
0x37: {  	_ =	swait.ge @!p0 [sflag:s0], s1  }
0x38: {  	s1 =	ssub.s32 @!p0 $0x0, s1;
	[sflag:s0] =	ssyncset.done @!p0 $0x0  }
0x39: {  	[sflag:s0] =	ssyncadd.s32 @!p0 s1  }
0x3a: {  	[bflag:$0x3] =	sbarrier.arrive $0xFFFF  }
0x3b: {  	_ =	shalt  }

</sc_bundles>
